<compile_context>
chip_gen: v7x
topology: tpu7x:2x2x1
jax: 0.10.2.dev20260603
libtpu: 0.0.44.dev20260713+nightly
codegen_flags: <defaults>
</compile_context>

<pallas_src>
import functools

import jax
import jax.numpy as jnp
from jax import lax
from jax.experimental import pallas as pl
from jax.experimental.pallas import tpu as pltpu
from jax.experimental.pallas import tpu_sc as plsc

B = 16384
K = 32
NROWS = 1000000

_NC = 2
_NS = 16
_NW = _NC * _NS
_BPW = B // _NW
_RING = 8


@functools.cache
def _make_gather_sc():
    mesh = plsc.VectorSubcoreMesh(core_axis_name="c", subcore_axis_name="s")

    @functools.partial(
        pl.kernel,
        mesh=mesh,
        compiler_params=pltpu.CompilerParams(
            use_tc_tiling_on_sc=True, needs_layout_passes=False),
        out_type=[
            jax.ShapeDtypeStruct((K, B), jnp.float32),
            jax.ShapeDtypeStruct((K, B), jnp.float32),
        ],
        scratch_types=(
            [pltpu.VMEM((_BPW,), jnp.int32),
             pltpu.VMEM((_BPW,), jnp.int32),
             pltpu.VMEM((K, _BPW), jnp.float32),
             pltpu.VMEM((K, _BPW), jnp.float32)]
            + [pltpu.VMEM((K, 128), jnp.float32)] * (2 * _RING)
            + [pltpu.SemaphoreType.DMA] * (2 * _RING)
        ),
    )
    def _gather_sc(wt_hbm, ht_hbm, ui_hbm, vi_hbm, ut_out, vt_out,
                   ui_v, vi_v, u_fm, v_fm, *ring):
        ublk = ring[0:_RING]
        vblk = ring[_RING:2 * _RING]
        usem = ring[2 * _RING:3 * _RING]
        vsem = ring[3 * _RING:4 * _RING]

        wid = lax.axis_index("s") * _NC + lax.axis_index("c")
        base = wid * _BPW
        pltpu.sync_copy(ui_hbm.at[pl.ds(base, _BPW)], ui_v)
        pltpu.sync_copy(vi_hbm.at[pl.ds(base, _BPW)], vi_v)

        lane = jax.lax.iota(jnp.int32, 16)
        rows_lo = lane
        rows_hi = lane + 16

        def _start(j, r, s):
            slot = j % _RING
            c0u = pl.multiple_of(r - (r % 128), 128)
            c0v = pl.multiple_of(s - (s % 128), 128)
            pltpu.make_async_copy(
                wt_hbm.at[:, pl.ds(c0u, 128)], ublk[slot], usem[slot]
            ).start()
            pltpu.make_async_copy(
                ht_hbm.at[:, pl.ds(c0v, 128)], vblk[slot], vsem[slot]
            ).start()

        def _finish(j, r, s, dstcol):
            slot = j % _RING
            pltpu.make_async_copy(
                wt_hbm.at[:, pl.ds(0, 128)], ublk[slot], usem[slot]
            ).wait()
            pltpu.make_async_copy(
                ht_hbm.at[:, pl.ds(0, 128)], vblk[slot], vsem[slot]
            ).wait()
            cu = jnp.full((16,), 0, jnp.int32) + (r % 128)
            cv = jnp.full((16,), 0, jnp.int32) + (s % 128)
            dc = jnp.full((16,), 0, jnp.int32) + dstcol
            for rows in (rows_lo, rows_hi):
                uvecf = plsc.load_gather(ublk[slot], [rows, cu])
                vvecf = plsc.load_gather(vblk[slot], [rows, cv])
                plsc.store_scatter(u_fm, [rows, dc], uvecf)
                plsc.store_scatter(v_fm, [rows, dc], vvecf)

        def _body(g, carry):
            upv, vpv = carry
            uvec = ui_v[pl.ds(g * 16, 16)]
            vvec = vi_v[pl.ds(g * 16, 16)]
            for j in range(16):
                if j < _RING:
                    @pl.when(g >= 1)
                    def _fin():
                        _finish(j, upv[j + 16 - _RING], vpv[j + 16 - _RING],
                                g * 16 + j - _RING)
                else:
                    _finish(j, uvec[j - _RING], vvec[j - _RING],
                            g * 16 + j - _RING)
                _start(j, uvec[j], vvec[j])
            return (uvec, vvec)

        zero16 = jnp.zeros((16,), jnp.int32)
        upv, vpv = lax.fori_loop(0, _BPW // 16, _body, (zero16, zero16))

        for j in range(_RING):
            _finish(j, upv[j + 16 - _RING], vpv[j + 16 - _RING],
                    _BPW + j - _RING)

        pltpu.sync_copy(u_fm, ut_out.at[:, pl.ds(base, _BPW)])
        pltpu.sync_copy(v_fm, vt_out.at[:, pl.ds(base, _BPW)])

    return _gather_sc


def _mlp_body(ut_ref, vt_ref, w1a_ref, w1b_ref, w2_ref, b2_ref, o_ref):
    ht = jnp.dot(w1a_ref[...], ut_ref[...], preferred_element_type=jnp.float32)
    ht = ht + jnp.dot(w1b_ref[...], vt_ref[...],
                      preferred_element_type=jnp.float32)
    ht = jnp.maximum(ht, 0.0)
    logit = jnp.dot(w2_ref[...], ht, preferred_element_type=jnp.float32)
    o_ref[...] = jax.nn.sigmoid(logit + b2_ref[...])


def _mlp_tc(ut, vt, w1a, w1b, w2, b2):
    return pl.pallas_call(
        _mlp_body,
        out_shape=jax.ShapeDtypeStruct((1, B), jnp.float32),
    )(ut, vt, w1a, w1b, w2, b2)


def kernel(x, W, H, W1, W2, b2):
    ui = x[:, 0].astype(jnp.int32)
    vi = x[:, 1].astype(jnp.int32)
    wt = jnp.transpose(W)
    ht = jnp.transpose(H)
    ut, vt = _make_gather_sc()(wt, ht, ui, vi)
    w1a = W1[:, :K]
    w1b = W1[:, K:]
    out = _mlp_tc(ut, vt, w1a, w1b, W2, b2.reshape(1, 1))
    return out.reshape(B)

# --- scband reference (transcript-rebuilt; emitter-appended) ---
"""Pipeline reference for scband-mf-multi-dr-72172630442555 (READ-ONLY COPY).

The authoritative reference and input builder live on the scoring server;
editing this copy changes nothing except your own understanding.
"""

import jax, jax.numpy as jnp
import numpy as np

NUM_USERS = 1000000
NUM_ITEMS = 1000000
K = 32
B = 16384


def setup_inputs(seed: int = 0) -> dict:
    key = jax.random.key(seed)
    ks = jax.random.split(key, 6)
    # forward arg: batch of (user_idx, item_idx) pairs
    x = jax.random.randint(ks[0], (B, 2), 0, NUM_USERS, dtype=jnp.int64 if jax.config.jax_enable_x64 else jnp.int32)
    # learned parameters
    W = jax.random.normal(ks[1], (NUM_USERS, K), dtype=jnp.float32)   # user embedding table
    H = jax.random.normal(ks[2], (NUM_ITEMS, K), dtype=jnp.float32)   # item embedding table
    # prediction_model MLP: linear_1 (2K -> K, no bias), linear_2 (K -> 1, bias)
    W1 = jax.random.normal(ks[3], (K, 2 * K), dtype=jnp.float32) * (1.0 / np.sqrt(2 * K))
    W2 = jax.random.normal(ks[4], (1, K), dtype=jnp.float32) * (1.0 / np.sqrt(K))
    b2 = jnp.zeros((1,), dtype=jnp.float32)
    return {"x": x, "W": W, "H": H, "W1": W1, "W2": W2, "b2": b2}


def reference(x, W, H, W1, W2, b2):
    # Embedding_Sharing.forward: gather user and item embeddings, concat
    user_idx = x[:, 0]
    item_idx = x[:, 1]
    U_emb = jnp.take(W, user_idx, axis=0)          # [B, K]
    V_emb = jnp.take(H, item_idx, axis=0)          # [B, K]
    z_emb = jnp.concatenate([U_emb, V_emb], axis=1)  # [B, 2K]
    z_emb = jnp.squeeze(z_emb)
    # prediction_model MLP.forward
    h = z_emb @ W1.T                               # [B, K]
    h = jax.nn.relu(h)
    logit = h @ W2.T + b2                          # [B, 1]
    pred = jax.nn.sigmoid(logit)
    return jnp.squeeze(pred)                       # [B]

if __name__ == "__main__":
    import jax
    _d = setup_inputs()
    print(jax.jit(kernel)(*tuple(_d.values())))

</pallas_src>

<mosaic_0001>
#map = affine_map<(d0, d1) -> (0, 0)>
#map1 = affine_map<(d0, d1) -> (0)>
module attributes {stable_mosaic.version = 14 : i64} {
  func.func @_gather_sc(%arg0: i32, %arg1: i32, %arg2: memref<32x1000000xf32, #tpu.memory_space<hbm>>, %arg3: memref<32x1000000xf32, #tpu.memory_space<hbm>>, %arg4: memref<16384xi32, #tpu.memory_space<hbm>>, %arg5: memref<16384xi32, #tpu.memory_space<hbm>>, %arg6: memref<32x16384xf32, #tpu.memory_space<hbm>>, %arg7: memref<32x16384xf32, #tpu.memory_space<hbm>>, %arg8: memref<512xi32, #tpu.memory_space<vmem>>, %arg9: memref<512xi32, #tpu.memory_space<vmem>>, %arg10: memref<32x512xf32, #tpu.memory_space<vmem>>, %arg11: memref<32x512xf32, #tpu.memory_space<vmem>>, %arg12: memref<32x128xf32, #tpu.memory_space<vmem>>, %arg13: memref<32x128xf32, #tpu.memory_space<vmem>>, %arg14: memref<32x128xf32, #tpu.memory_space<vmem>>, %arg15: memref<32x128xf32, #tpu.memory_space<vmem>>, %arg16: memref<32x128xf32, #tpu.memory_space<vmem>>, %arg17: memref<32x128xf32, #tpu.memory_space<vmem>>, %arg18: memref<32x128xf32, #tpu.memory_space<vmem>>, %arg19: memref<32x128xf32, #tpu.memory_space<vmem>>, %arg20: memref<32x128xf32, #tpu.memory_space<vmem>>, %arg21: memref<32x128xf32, #tpu.memory_space<vmem>>, %arg22: memref<32x128xf32, #tpu.memory_space<vmem>>, %arg23: memref<32x128xf32, #tpu.memory_space<vmem>>, %arg24: memref<32x128xf32, #tpu.memory_space<vmem>>, %arg25: memref<32x128xf32, #tpu.memory_space<vmem>>, %arg26: memref<32x128xf32, #tpu.memory_space<vmem>>, %arg27: memref<32x128xf32, #tpu.memory_space<vmem>>, %arg28: memref<!tpu.dma_semaphore, #tpu.memory_space<semaphore_mem>>, %arg29: memref<!tpu.dma_semaphore, #tpu.memory_space<semaphore_mem>>, %arg30: memref<!tpu.dma_semaphore, #tpu.memory_space<semaphore_mem>>, %arg31: memref<!tpu.dma_semaphore, #tpu.memory_space<semaphore_mem>>, %arg32: memref<!tpu.dma_semaphore, #tpu.memory_space<semaphore_mem>>, %arg33: memref<!tpu.dma_semaphore, #tpu.memory_space<semaphore_mem>>, %arg34: memref<!tpu.dma_semaphore, #tpu.memory_space<semaphore_mem>>, %arg35: memref<!tpu.dma_semaphore, #tpu.memory_space<semaphore_mem>>, %arg36: memref<!tpu.dma_semaphore, #tpu.memory_space<semaphore_mem>>, %arg37: memref<!tpu.dma_semaphore, #tpu.memory_space<semaphore_mem>>, %arg38: memref<!tpu.dma_semaphore, #tpu.memory_space<semaphore_mem>>, %arg39: memref<!tpu.dma_semaphore, #tpu.memory_space<semaphore_mem>>, %arg40: memref<!tpu.dma_semaphore, #tpu.memory_space<semaphore_mem>>, %arg41: memref<!tpu.dma_semaphore, #tpu.memory_space<semaphore_mem>>, %arg42: memref<!tpu.dma_semaphore, #tpu.memory_space<semaphore_mem>>, %arg43: memref<!tpu.dma_semaphore, #tpu.memory_space<semaphore_mem>>) attributes {dimension_semantics = [#tpu.dimension_semantics<core_parallel>, #tpu.dimension_semantics<subcore_parallel>], iteration_bounds = array<i64: 2, 16>, scalar_prefetch = 0 : i64, scratch_operands = 36 : i64, tpu.core_type = #tpu.core_type<sc_vector_subcore>, window_params = [{transform_indices = #map}, {transform_indices = #map}, {transform_indices = #map1}, {transform_indices = #map1}, {transform_indices = #map}, {transform_indices = #map}]} {
    %mul3A = arith.constant 2 : i32
    %mul3A_0 = arith.muli %arg1, %mul3A : i32
    %add3A = arith.addi %mul3A_0, %arg0 : i32
    %mul3A_1 = arith.constant 512 : i32
    %mul3A_2 = arith.muli %add3A, %mul3A_1 : i32
    "tpu.region"() ({
      %run_scoped3A = tpu.sem_alloc : memref<!tpu.dma_semaphore, #tpu.memory_space<semaphore_mem>>
      %dma_start3A = tpu.memref_slice %arg4[%mul3A_2] : memref<16384xi32, #tpu.memory_space<hbm>> -> memref<512xi32, #tpu.memory_space<hbm>>
      %dma_start3A_521 = tpu.memref_slice %arg4[%mul3A_2] : memref<16384xi32, #tpu.memory_space<hbm>> -> memref<512xi32, #tpu.memory_space<hbm>>
      tpu.enqueue_dma source(%dma_start3A_521 : memref<512xi32, #tpu.memory_space<hbm>>) target(%arg8 : memref<512xi32, #tpu.memory_space<vmem>>) target_semaphore(%run_scoped3A : memref<!tpu.dma_semaphore, #tpu.memory_space<semaphore_mem>>)
      %dma_wait3A_522 = tpu.memref_slice %arg4[%mul3A_2] : memref<16384xi32, #tpu.memory_space<hbm>> -> memref<512xi32, #tpu.memory_space<hbm>>
      %dma_wait3A_523 = tpu.memref_slice %arg4[%mul3A_2] : memref<16384xi32, #tpu.memory_space<hbm>> -> memref<512xi32, #tpu.memory_space<hbm>>
      tpu.wait_dma2 semaphore(%run_scoped3A : memref<!tpu.dma_semaphore, #tpu.memory_space<semaphore_mem>>) src(%dma_wait3A_523 : memref<512xi32, #tpu.memory_space<hbm>>) dst(%arg8 : memref<512xi32, #tpu.memory_space<vmem>>)
      tpu.yield
    }) : () -> ()
    "tpu.region"() ({
      %run_scoped3A = tpu.sem_alloc : memref<!tpu.dma_semaphore, #tpu.memory_space<semaphore_mem>>
      %dma_start3A = tpu.memref_slice %arg5[%mul3A_2] : memref<16384xi32, #tpu.memory_space<hbm>> -> memref<512xi32, #tpu.memory_space<hbm>>
      %dma_start3A_521 = tpu.memref_slice %arg5[%mul3A_2] : memref<16384xi32, #tpu.memory_space<hbm>> -> memref<512xi32, #tpu.memory_space<hbm>>
      tpu.enqueue_dma source(%dma_start3A_521 : memref<512xi32, #tpu.memory_space<hbm>>) target(%arg9 : memref<512xi32, #tpu.memory_space<vmem>>) target_semaphore(%run_scoped3A : memref<!tpu.dma_semaphore, #tpu.memory_space<semaphore_mem>>)
      %dma_wait3A_522 = tpu.memref_slice %arg5[%mul3A_2] : memref<16384xi32, #tpu.memory_space<hbm>> -> memref<512xi32, #tpu.memory_space<hbm>>
      %dma_wait3A_523 = tpu.memref_slice %arg5[%mul3A_2] : memref<16384xi32, #tpu.memory_space<hbm>> -> memref<512xi32, #tpu.memory_space<hbm>>
      tpu.wait_dma2 semaphore(%run_scoped3A : memref<!tpu.dma_semaphore, #tpu.memory_space<semaphore_mem>>) src(%dma_wait3A_523 : memref<512xi32, #tpu.memory_space<hbm>>) dst(%arg9 : memref<512xi32, #tpu.memory_space<vmem>>)
      tpu.yield
    }) : () -> ()
    %iota3A = tpu.iota {dimensions = array<i32: 0>} : vector<16xi32>
    %add3A_3 = arith.constant 16 : i32
    %add3A_4 = vector.broadcast %add3A_3 : i32 to vector<16xi32>
    %add3A_5 = arith.addi %iota3A, %add3A_4 : vector<16xi32>
    %broadcast_in_dim3A = arith.constant 0 : i32
    %broadcast_in_dim3A_6 = vector.broadcast %broadcast_in_dim3A : i32 to vector<16xi32>
    %scan3A = arith.constant 0 : i32
    %scan3A_7 = arith.constant 32 : i32
    %scan3A_8 = arith.addi %scan3A, %scan3A_7 : i32
    %scan3A_9 = arith.constant 1 : i32
    %scan3A_10:2 = scf.for %scan3A_521 = %scan3A to %scan3A_8 step %scan3A_9 iter_args(%scan3A_522 = %broadcast_in_dim3A_6, %scan3A_523 = %broadcast_in_dim3A_6) -> (vector<16xi32>, vector<16xi32>)  : i32 {
      %mul3A_524 = arith.constant 16 : i32
      %mul3A_525 = arith.muli %scan3A_521, %mul3A_524 : i32
      %get3A = arith.index_cast %mul3A_525 : i32 to index
      %get3A_526 = tpu.vector_load %arg8[%get3A] {strides = array<i32>} : memref<512xi32, #tpu.memory_space<vmem>>, vector<16xi32>,
      %mul3A_527 = arith.constant 16 : i32
      %mul3A_528 = arith.muli %scan3A_521, %mul3A_527 : i32
      %get3A_529 = arith.index_cast %mul3A_528 : i32 to index
      %get3A_530 = tpu.vector_load %arg9[%get3A_529] {strides = array<i32>} : memref<512xi32, #tpu.memory_space<vmem>>, vector<16xi32>,
      %ge3A = arith.constant 1 : i32
      %ge3A_531 = arith.cmpi sge, %scan3A_521, %ge3A : i32
      %convert_element_type3A = arith.extui %ge3A_531 : i1 to i32
      %cond3A = arith.constant 0 : i32
      %cond3A_532 = arith.cmpi ne, %convert_element_type3A, %cond3A : i32
      scf.if %cond3A_532 {
        %slice3A_1893 = vector.extract_strided_slice %scan3A_522 {offsets = [8], sizes = [1], strides = [1]} : vector<16xi32> to vector<1xi32>
        %squeeze3A_1894 = vector.extract %slice3A_1893[0] : i32 from vector<1xi32>
        %slice3A_1895 = vector.extract_strided_slice %scan3A_523 {offsets = [8], sizes = [1], strides = [1]} : vector<16xi32> to vector<1xi32>
        %squeeze3A_1896 = vector.extract %slice3A_1895[0] : i32 from vector<1xi32>
        %mul3A_1897 = arith.constant 16 : i32
        %mul3A_1898 = arith.muli %scan3A_521, %mul3A_1897 : i32
        %add3A_1899 = arith.constant 0 : i32
        %add3A_1900 = arith.addi %mul3A_1898, %add3A_1899 : i32
        %sub3A_1901 = arith.constant 8 : i32
        %sub3A_1902 = arith.subi %add3A_1900, %sub3A_1901 : i32
        %dma_wait3A_1903 = arith.constant 0 : i32
        %dma_wait3A_1904 = arith.constant 0 : i32
        %dma_wait3A_1905 = tpu.memref_slice %arg2[%dma_wait3A_1903, %dma_wait3A_1904] : memref<32x1000000xf32, #tpu.memory_space<hbm>> -> memref<32x128xf32, #tpu.memory_space<hbm>>
        %dma_wait3A_1906 = arith.constant 0 : i32
        %dma_wait3A_1907 = arith.constant 0 : i32
        %dma_wait3A_1908 = tpu.memref_slice %arg2[%dma_wait3A_1906, %dma_wait3A_1907] : memref<32x1000000xf32, #tpu.memory_space<hbm>> -> memref<32x128xf32, #tpu.memory_space<hbm>>
        tpu.wait_dma2 semaphore(%arg28 : memref<!tpu.dma_semaphore, #tpu.memory_space<semaphore_mem>>) src(%dma_wait3A_1908 : memref<32x128xf32, #tpu.memory_space<hbm>>) dst(%arg12 : memref<32x128xf32, #tpu.memory_space<vmem>>)
        %dma_wait3A_1909 = arith.constant 0 : i32
        %dma_wait3A_1910 = arith.constant 0 : i32
        %dma_wait3A_1911 = tpu.memref_slice %arg3[%dma_wait3A_1909, %dma_wait3A_1910] : memref<32x1000000xf32, #tpu.memory_space<hbm>> -> memref<32x128xf32, #tpu.memory_space<hbm>>
        %dma_wait3A_1912 = arith.constant 0 : i32
        %dma_wait3A_1913 = arith.constant 0 : i32
        %dma_wait3A_1914 = tpu.memref_slice %arg3[%dma_wait3A_1912, %dma_wait3A_1913] : memref<32x1000000xf32, #tpu.memory_space<hbm>> -> memref<32x128xf32, #tpu.memory_space<hbm>>
        tpu.wait_dma2 semaphore(%arg36 : memref<!tpu.dma_semaphore, #tpu.memory_space<semaphore_mem>>) src(%dma_wait3A_1914 : memref<32x128xf32, #tpu.memory_space<hbm>>) dst(%arg20 : memref<32x128xf32, #tpu.memory_space<vmem>>)
        %broadcast_in_dim3A_1915 = arith.constant 0 : i32
        %broadcast_in_dim3A_1916 = vector.broadcast %broadcast_in_dim3A_1915 : i32 to vector<16xi32>
        %jit3A_1917 = arith.constant 128 : i32
        %eq3A_1918 = arith.constant 0 : i32
        %eq3A_1919 = arith.cmpi eq, %jit3A_1917, %eq3A_1918 : i32
        %jit3A_1920 = arith.constant 1 : i32
        %select_n3A_1921 = arith.select %eq3A_1919, %jit3A_1920, %jit3A_1917 : i32
        %rem3A_1922 = arith.remsi %squeeze3A_1894, %select_n3A_1921 : i32
        %ne3A_1923 = arith.constant 0 : i32
        %ne3A_1924 = arith.cmpi ne, %rem3A_1922, %ne3A_1923 : i32
        %lt3A_1925 = arith.constant 0 : i32
        %lt3A_1926 = arith.cmpi slt, %rem3A_1922, %lt3A_1925 : i32
        %lt3A_1927 = arith.constant 0 : i32
        %lt3A_1928 = arith.cmpi slt, %select_n3A_1921, %lt3A_1927 : i32
        %ne3A_1929 = arith.xori %lt3A_1926, %lt3A_1928 : i1
        %and3A_1930 = arith.andi %ne3A_1929, %ne3A_1924 : i1
        %add3A_1931 = arith.addi %rem3A_1922, %select_n3A_1921 : i32
        %select_n3A_1932 = arith.select %and3A_1930, %add3A_1931, %rem3A_1922 : i32
        %add3A_1933 = vector.broadcast %select_n3A_1932 : i32 to vector<16xi32>
        %add3A_1934 = arith.addi %broadcast_in_dim3A_1916, %add3A_1933 : vector<16xi32>
        %broadcast_in_dim3A_1935 = arith.constant 0 : i32
        %broadcast_in_dim3A_1936 = vector.broadcast %broadcast_in_dim3A_1935 : i32 to vector<16xi32>
        %jit3A_1937 = arith.constant 128 : i32
        %eq3A_1938 = arith.constant 0 : i32
        %eq3A_1939 = arith.cmpi eq, %jit3A_1937, %eq3A_1938 : i32
        %jit3A_1940 = arith.constant 1 : i32
        %select_n3A_1941 = arith.select %eq3A_1939, %jit3A_1940, %jit3A_1937 : i32
        %rem3A_1942 = arith.remsi %squeeze3A_1896, %select_n3A_1941 : i32
        %ne3A_1943 = arith.constant 0 : i32
        %ne3A_1944 = arith.cmpi ne, %rem3A_1942, %ne3A_1943 : i32
        %lt3A_1945 = arith.constant 0 : i32
        %lt3A_1946 = arith.cmpi slt, %rem3A_1942, %lt3A_1945 : i32
        %lt3A_1947 = arith.constant 0 : i32
        %lt3A_1948 = arith.cmpi slt, %select_n3A_1941, %lt3A_1947 : i32
        %ne3A_1949 = arith.xori %lt3A_1946, %lt3A_1948 : i1
        %and3A_1950 = arith.andi %ne3A_1949, %ne3A_1944 : i1
        %add3A_1951 = arith.addi %rem3A_1942, %select_n3A_1941 : i32
        %select_n3A_1952 = arith.select %and3A_1950, %add3A_1951, %rem3A_1942 : i32
        %add3A_1953 = vector.broadcast %select_n3A_1952 : i32 to vector<16xi32>
        %add3A_1954 = arith.addi %broadcast_in_dim3A_1936, %add3A_1953 : vector<16xi32>
        %broadcast_in_dim3A_1955 = arith.constant 0 : i32
        %broadcast_in_dim3A_1956 = vector.broadcast %broadcast_in_dim3A_1955 : i32 to vector<16xi32>
        %add3A_1957 = vector.broadcast %sub3A_1902 : i32 to vector<16xi32>
        %add3A_1958 = arith.addi %broadcast_in_dim3A_1956, %add3A_1957 : vector<16xi32>
        %gather3A_1959 = tpu.vector_load_idx %arg12[%iota3A, %add3A_1934] : memref<32x128xf32, #tpu.memory_space<vmem>>[vector<16xi32>, vector<16xi32>], vector<16xf32>,
        %gather3A_1960 = tpu.vector_load_idx %arg20[%iota3A, %add3A_1954] : memref<32x128xf32, #tpu.memory_space<vmem>>[vector<16xi32>, vector<16xi32>], vector<16xf32>,
        tpu.vector_store_idx %arg10[%iota3A, %add3A_1958], %gather3A_1959 : memref<32x512xf32, #tpu.memory_space<vmem>>[vector<16xi32>, vector<16xi32>], vector<16xf32>,
        tpu.vector_store_idx %arg11[%iota3A, %add3A_1958], %gather3A_1960 : memref<32x512xf32, #tpu.memory_space<vmem>>[vector<16xi32>, vector<16xi32>], vector<16xf32>,
        %gather3A_1961 = tpu.vector_load_idx %arg12[%add3A_5, %add3A_1934] : memref<32x128xf32, #tpu.memory_space<vmem>>[vector<16xi32>, vector<16xi32>], vector<16xf32>,
        %gather3A_1962 = tpu.vector_load_idx %arg20[%add3A_5, %add3A_1954] : memref<32x128xf32, #tpu.memory_space<vmem>>[vector<16xi32>, vector<16xi32>], vector<16xf32>,
        tpu.vector_store_idx %arg10[%add3A_5, %add3A_1958], %gather3A_1961 : memref<32x512xf32, #tpu.memory_space<vmem>>[vector<16xi32>, vector<16xi32>], vector<16xf32>,
        tpu.vector_store_idx %arg11[%add3A_5, %add3A_1958], %gather3A_1962 : memref<32x512xf32, #tpu.memory_space<vmem>>[vector<16xi32>, vector<16xi32>], vector<16xf32>,
      } else {
      }
      %slice3A_533 = vector.extract_strided_slice %get3A_526 {offsets = [0], sizes = [1], strides = [1]} : vector<16xi32> to vector<1xi32>
      %squeeze3A_534 = vector.extract %slice3A_533[0] : i32 from vector<1xi32>
      %slice3A_535 = vector.extract_strided_slice %get3A_530 {offsets = [0], sizes = [1], strides = [1]} : vector<16xi32> to vector<1xi32>
      %squeeze3A_536 = vector.extract %slice3A_535[0] : i32 from vector<1xi32>
      %jit3A_537 = arith.constant 128 : i32
      %eq3A_538 = arith.constant 0 : i32
      %eq3A_539 = arith.cmpi eq, %jit3A_537, %eq3A_538 : i32
      %jit3A_540 = arith.constant 1 : i32
      %select_n3A_541 = arith.select %eq3A_539, %jit3A_540, %jit3A_537 : i32
      %rem3A_542 = arith.remsi %squeeze3A_534, %select_n3A_541 : i32
      %ne3A_543 = arith.constant 0 : i32
      %ne3A_544 = arith.cmpi ne, %rem3A_542, %ne3A_543 : i32
      %lt3A_545 = arith.constant 0 : i32
      %lt3A_546 = arith.cmpi slt, %rem3A_542, %lt3A_545 : i32
      %lt3A_547 = arith.constant 0 : i32
      %lt3A_548 = arith.cmpi slt, %select_n3A_541, %lt3A_547 : i32
      %ne3A_549 = arith.xori %lt3A_546, %lt3A_548 : i1
      %and3A_550 = arith.andi %ne3A_549, %ne3A_544 : i1
      %add3A_551 = arith.addi %rem3A_542, %select_n3A_541 : i32
      %select_n3A_552 = arith.select %and3A_550, %add3A_551, %rem3A_542 : i32
      %sub3A = arith.subi %squeeze3A_534, %select_n3A_552 : i32
      %multiple_of3A = tpu.assume_multiple %sub3A, 128 : i32
      %jit3A_553 = arith.constant 128 : i32
      %eq3A_554 = arith.constant 0 : i32
      %eq3A_555 = arith.cmpi eq, %jit3A_553, %eq3A_554 : i32
      %jit3A_556 = arith.constant 1 : i32
      %select_n3A_557 = arith.select %eq3A_555, %jit3A_556, %jit3A_553 : i32
      %rem3A_558 = arith.remsi %squeeze3A_536, %select_n3A_557 : i32
      %ne3A_559 = arith.constant 0 : i32
      %ne3A_560 = arith.cmpi ne, %rem3A_558, %ne3A_559 : i32
      %lt3A_561 = arith.constant 0 : i32
      %lt3A_562 = arith.cmpi slt, %rem3A_558, %lt3A_561 : i32
      %lt3A_563 = arith.constant 0 : i32
      %lt3A_564 = arith.cmpi slt, %select_n3A_557, %lt3A_563 : i32
      %ne3A_565 = arith.xori %lt3A_562, %lt3A_564 : i1
      %and3A_566 = arith.andi %ne3A_565, %ne3A_560 : i1
      %add3A_567 = arith.addi %rem3A_558, %select_n3A_557 : i32
      %select_n3A_568 = arith.select %and3A_566, %add3A_567, %rem3A_558 : i32
      %sub3A_569 = arith.subi %squeeze3A_536, %select_n3A_568 : i32
      %multiple_of3A_570 = tpu.assume_multiple %sub3A_569, 128 : i32
      %dma_start3A = arith.constant 0 : i32
      %dma_start3A_571 = tpu.memref_slice %arg2[%dma_start3A, %multiple_of3A] : memref<32x1000000xf32, #tpu.memory_space<hbm>> -> memref<32x128xf32, #tpu.memory_space<hbm>>
      %dma_start3A_572 = arith.constant 0 : i32
      %dma_start3A_573 = tpu.memref_slice %arg2[%dma_start3A_572, %multiple_of3A] : memref<32x1000000xf32, #tpu.memory_space<hbm>> -> memref<32x128xf32, #tpu.memory_space<hbm>>
      tpu.enqueue_dma source(%dma_start3A_573 : memref<32x128xf32, #tpu.memory_space<hbm>>) target(%arg12 : memref<32x128xf32, #tpu.memory_space<vmem>>) target_semaphore(%arg28 : memref<!tpu.dma_semaphore, #tpu.memory_space<semaphore_mem>>)
      %dma_start3A_574 = arith.constant 0 : i32
      %dma_start3A_575 = tpu.memref_slice %arg3[%dma_start3A_574, %multiple_of3A_570] : memref<32x1000000xf32, #tpu.memory_space<hbm>> -> memref<32x128xf32, #tpu.memory_space<hbm>>
      %dma_start3A_576 = arith.constant 0 : i32
      %dma_start3A_577 = tpu.memref_slice %arg3[%dma_start3A_576, %multiple_of3A_570] : memref<32x1000000xf32, #tpu.memory_space<hbm>> -> memref<32x128xf32, #tpu.memory_space<hbm>>
      tpu.enqueue_dma source(%dma_start3A_577 : memref<32x128xf32, #tpu.memory_space<hbm>>) target(%arg20 : memref<32x128xf32, #tpu.memory_space<vmem>>) target_semaphore(%arg36 : memref<!tpu.dma_semaphore, #tpu.memory_space<semaphore_mem>>)
      %ge3A_578 = arith.constant 1 : i32
      %ge3A_579 = arith.cmpi sge, %scan3A_521, %ge3A_578 : i32
      %convert_element_type3A_580 = arith.extui %ge3A_579 : i1 to i32
      %cond3A_581 = arith.constant 0 : i32
      %cond3A_582 = arith.cmpi ne, %convert_element_type3A_580, %cond3A_581 : i32
      scf.if %cond3A_582 {
        %slice3A_1893 = vector.extract_strided_slice %scan3A_522 {offsets = [9], sizes = [1], strides = [1]} : vector<16xi32> to vector<1xi32>
        %squeeze3A_1894 = vector.extract %slice3A_1893[0] : i32 from vector<1xi32>
        %slice3A_1895 = vector.extract_strided_slice %scan3A_523 {offsets = [9], sizes = [1], strides = [1]} : vector<16xi32> to vector<1xi32>
        %squeeze3A_1896 = vector.extract %slice3A_1895[0] : i32 from vector<1xi32>
        %mul3A_1897 = arith.constant 16 : i32
        %mul3A_1898 = arith.muli %scan3A_521, %mul3A_1897 : i32
        %add3A_1899 = arith.constant 1 : i32
        %add3A_1900 = arith.addi %mul3A_1898, %add3A_1899 : i32
        %sub3A_1901 = arith.constant 8 : i32
        %sub3A_1902 = arith.subi %add3A_1900, %sub3A_1901 : i32
        %dma_wait3A_1903 = arith.constant 0 : i32
        %dma_wait3A_1904 = arith.constant 0 : i32
        %dma_wait3A_1905 = tpu.memref_slice %arg2[%dma_wait3A_1903, %dma_wait3A_1904] : memref<32x1000000xf32, #tpu.memory_space<hbm>> -> memref<32x128xf32, #tpu.memory_space<hbm>>
        %dma_wait3A_1906 = arith.constant 0 : i32
        %dma_wait3A_1907 = arith.constant 0 : i32
        %dma_wait3A_1908 = tpu.memref_slice %arg2[%dma_wait3A_1906, %dma_wait3A_1907] : memref<32x1000000xf32, #tpu.memory_space<hbm>> -> memref<32x128xf32, #tpu.memory_space<hbm>>
        tpu.wait_dma2 semaphore(%arg29 : memref<!tpu.dma_semaphore, #tpu.memory_space<semaphore_mem>>) src(%dma_wait3A_1908 : memref<32x128xf32, #tpu.memory_space<hbm>>) dst(%arg13 : memref<32x128xf32, #tpu.memory_space<vmem>>)
        %dma_wait3A_1909 = arith.constant 0 : i32
        %dma_wait3A_1910 = arith.constant 0 : i32
        %dma_wait3A_1911 = tpu.memref_slice %arg3[%dma_wait3A_1909, %dma_wait3A_1910] : memref<32x1000000xf32, #tpu.memory_space<hbm>> -> memref<32x128xf32, #tpu.memory_space<hbm>>
        %dma_wait3A_1912 = arith.constant 0 : i32
        %dma_wait3A_1913 = arith.constant 0 : i32
        %dma_wait3A_1914 = tpu.memref_slice %arg3[%dma_wait3A_1912, %dma_wait3A_1913] : memref<32x1000000xf32, #tpu.memory_space<hbm>> -> memref<32x128xf32, #tpu.memory_space<hbm>>
        tpu.wait_dma2 semaphore(%arg37 : memref<!tpu.dma_semaphore, #tpu.memory_space<semaphore_mem>>) src(%dma_wait3A_1914 : memref<32x128xf32, #tpu.memory_space<hbm>>) dst(%arg21 : memref<32x128xf32, #tpu.memory_space<vmem>>)
        %broadcast_in_dim3A_1915 = arith.constant 0 : i32
        %broadcast_in_dim3A_1916 = vector.broadcast %broadcast_in_dim3A_1915 : i32 to vector<16xi32>
        %jit3A_1917 = arith.constant 128 : i32
        %eq3A_1918 = arith.constant 0 : i32
        %eq3A_1919 = arith.cmpi eq, %jit3A_1917, %eq3A_1918 : i32
        %jit3A_1920 = arith.constant 1 : i32
        %select_n3A_1921 = arith.select %eq3A_1919, %jit3A_1920, %jit3A_1917 : i32
        %rem3A_1922 = arith.remsi %squeeze3A_1894, %select_n3A_1921 : i32
        %ne3A_1923 = arith.constant 0 : i32
        %ne3A_1924 = arith.cmpi ne, %rem3A_1922, %ne3A_1923 : i32
        %lt3A_1925 = arith.constant 0 : i32
        %lt3A_1926 = arith.cmpi slt, %rem3A_1922, %lt3A_1925 : i32
        %lt3A_1927 = arith.constant 0 : i32
        %lt3A_1928 = arith.cmpi slt, %select_n3A_1921, %lt3A_1927 : i32
        %ne3A_1929 = arith.xori %lt3A_1926, %lt3A_1928 : i1
        %and3A_1930 = arith.andi %ne3A_1929, %ne3A_1924 : i1
        %add3A_1931 = arith.addi %rem3A_1922, %select_n3A_1921 : i32
        %select_n3A_1932 = arith.select %and3A_1930, %add3A_1931, %rem3A_1922 : i32
        %add3A_1933 = vector.broadcast %select_n3A_1932 : i32 to vector<16xi32>
        %add3A_1934 = arith.addi %broadcast_in_dim3A_1916, %add3A_1933 : vector<16xi32>
        %broadcast_in_dim3A_1935 = arith.constant 0 : i32
        %broadcast_in_dim3A_1936 = vector.broadcast %broadcast_in_dim3A_1935 : i32 to vector<16xi32>
        %jit3A_1937 = arith.constant 128 : i32
        %eq3A_1938 = arith.constant 0 : i32
        %eq3A_1939 = arith.cmpi eq, %jit3A_1937, %eq3A_1938 : i32
        %jit3A_1940 = arith.constant 1 : i32
        %select_n3A_1941 = arith.select %eq3A_1939, %jit3A_1940, %jit3A_1937 : i32
        %rem3A_1942 = arith.remsi %squeeze3A_1896, %select_n3A_1941 : i32
        %ne3A_1943 = arith.constant 0 : i32
        %ne3A_1944 = arith.cmpi ne, %rem3A_1942, %ne3A_1943 : i32
        %lt3A_1945 = arith.constant 0 : i32
        %lt3A_1946 = arith.cmpi slt, %rem3A_1942, %lt3A_1945 : i32
        %lt3A_1947 = arith.constant 0 : i32
        %lt3A_1948 = arith.cmpi slt, %select_n3A_1941, %lt3A_1947 : i32
        %ne3A_1949 = arith.xori %lt3A_1946, %lt3A_1948 : i1
        %and3A_1950 = arith.andi %ne3A_1949, %ne3A_1944 : i1
        %add3A_1951 = arith.addi %rem3A_1942, %select_n3A_1941 : i32
        %select_n3A_1952 = arith.select %and3A_1950, %add3A_1951, %rem3A_1942 : i32
        %add3A_1953 = vector.broadcast %select_n3A_1952 : i32 to vector<16xi32>
        %add3A_1954 = arith.addi %broadcast_in_dim3A_1936, %add3A_1953 : vector<16xi32>
        %broadcast_in_dim3A_1955 = arith.constant 0 : i32
        %broadcast_in_dim3A_1956 = vector.broadcast %broadcast_in_dim3A_1955 : i32 to vector<16xi32>
        %add3A_1957 = vector.broadcast %sub3A_1902 : i32 to vector<16xi32>
        %add3A_1958 = arith.addi %broadcast_in_dim3A_1956, %add3A_1957 : vector<16xi32>
        %gather3A_1959 = tpu.vector_load_idx %arg13[%iota3A, %add3A_1934] : memref<32x128xf32, #tpu.memory_space<vmem>>[vector<16xi32>, vector<16xi32>], vector<16xf32>,
        %gather3A_1960 = tpu.vector_load_idx %arg21[%iota3A, %add3A_1954] : memref<32x128xf32, #tpu.memory_space<vmem>>[vector<16xi32>, vector<16xi32>], vector<16xf32>,
        tpu.vector_store_idx %arg10[%iota3A, %add3A_1958], %gather3A_1959 : memref<32x512xf32, #tpu.memory_space<vmem>>[vector<16xi32>, vector<16xi32>], vector<16xf32>,
        tpu.vector_store_idx %arg11[%iota3A, %add3A_1958], %gather3A_1960 : memref<32x512xf32, #tpu.memory_space<vmem>>[vector<16xi32>, vector<16xi32>], vector<16xf32>,
        %gather3A_1961 = tpu.vector_load_idx %arg13[%add3A_5, %add3A_1934] : memref<32x128xf32, #tpu.memory_space<vmem>>[vector<16xi32>, vector<16xi32>], vector<16xf32>,
        %gather3A_1962 = tpu.vector_load_idx %arg21[%add3A_5, %add3A_1954] : memref<32x128xf32, #tpu.memory_space<vmem>>[vector<16xi32>, vector<16xi32>], vector<16xf32>,
        tpu.vector_store_idx %arg10[%add3A_5, %add3A_1958], %gather3A_1961 : memref<32x512xf32, #tpu.memory_space<vmem>>[vector<16xi32>, vector<16xi32>], vector<16xf32>,
        tpu.vector_store_idx %arg11[%add3A_5, %add3A_1958], %gather3A_1962 : memref<32x512xf32, #tpu.memory_space<vmem>>[vector<16xi32>, vector<16xi32>], vector<16xf32>,
      } else {
      }
      %slice3A_583 = vector.extract_strided_slice %get3A_526 {offsets = [1], sizes = [1], strides = [1]} : vector<16xi32> to vector<1xi32>
      %squeeze3A_584 = vector.extract %slice3A_583[0] : i32 from vector<1xi32>
      %slice3A_585 = vector.extract_strided_slice %get3A_530 {offsets = [1], sizes = [1], strides = [1]} : vector<16xi32> to vector<1xi32>
      %squeeze3A_586 = vector.extract %slice3A_585[0] : i32 from vector<1xi32>
      %jit3A_587 = arith.constant 128 : i32
      %eq3A_588 = arith.constant 0 : i32
      %eq3A_589 = arith.cmpi eq, %jit3A_587, %eq3A_588 : i32
      %jit3A_590 = arith.constant 1 : i32
      %select_n3A_591 = arith.select %eq3A_589, %jit3A_590, %jit3A_587 : i32
      %rem3A_592 = arith.remsi %squeeze3A_584, %select_n3A_591 : i32
      %ne3A_593 = arith.constant 0 : i32
      %ne3A_594 = arith.cmpi ne, %rem3A_592, %ne3A_593 : i32
      %lt3A_595 = arith.constant 0 : i32
      %lt3A_596 = arith.cmpi slt, %rem3A_592, %lt3A_595 : i32
      %lt3A_597 = arith.constant 0 : i32
      %lt3A_598 = arith.cmpi slt, %select_n3A_591, %lt3A_597 : i32
      %ne3A_599 = arith.xori %lt3A_596, %lt3A_598 : i1
      %and3A_600 = arith.andi %ne3A_599, %ne3A_594 : i1
      %add3A_601 = arith.addi %rem3A_592, %select_n3A_591 : i32
      %select_n3A_602 = arith.select %and3A_600, %add3A_601, %rem3A_592 : i32
      %sub3A_603 = arith.subi %squeeze3A_584, %select_n3A_602 : i32
      %multiple_of3A_604 = tpu.assume_multiple %sub3A_603, 128 : i32
      %jit3A_605 = arith.constant 128 : i32
      %eq3A_606 = arith.constant 0 : i32
      %eq3A_607 = arith.cmpi eq, %jit3A_605, %eq3A_606 : i32
      %jit3A_608 = arith.constant 1 : i32
      %select_n3A_609 = arith.select %eq3A_607, %jit3A_608, %jit3A_605 : i32
      %rem3A_610 = arith.remsi %squeeze3A_586, %select_n3A_609 : i32
      %ne3A_611 = arith.constant 0 : i32
      %ne3A_612 = arith.cmpi ne, %rem3A_610, %ne3A_611 : i32
      %lt3A_613 = arith.constant 0 : i32
      %lt3A_614 = arith.cmpi slt, %rem3A_610, %lt3A_613 : i32
      %lt3A_615 = arith.constant 0 : i32
      %lt3A_616 = arith.cmpi slt, %select_n3A_609, %lt3A_615 : i32
      %ne3A_617 = arith.xori %lt3A_614, %lt3A_616 : i1
      %and3A_618 = arith.andi %ne3A_617, %ne3A_612 : i1
      %add3A_619 = arith.addi %rem3A_610, %select_n3A_609 : i32
      %select_n3A_620 = arith.select %and3A_618, %add3A_619, %rem3A_610 : i32
      %sub3A_621 = arith.subi %squeeze3A_586, %select_n3A_620 : i32
      %multiple_of3A_622 = tpu.assume_multiple %sub3A_621, 128 : i32
      %dma_start3A_623 = arith.constant 0 : i32
      %dma_start3A_624 = tpu.memref_slice %arg2[%dma_start3A_623, %multiple_of3A_604] : memref<32x1000000xf32, #tpu.memory_space<hbm>> -> memref<32x128xf32, #tpu.memory_space<hbm>>
      %dma_start3A_625 = arith.constant 0 : i32
      %dma_start3A_626 = tpu.memref_slice %arg2[%dma_start3A_625, %multiple_of3A_604] : memref<32x1000000xf32, #tpu.memory_space<hbm>> -> memref<32x128xf32, #tpu.memory_space<hbm>>
      tpu.enqueue_dma source(%dma_start3A_626 : memref<32x128xf32, #tpu.memory_space<hbm>>) target(%arg13 : memref<32x128xf32, #tpu.memory_space<vmem>>) target_semaphore(%arg29 : memref<!tpu.dma_semaphore, #tpu.memory_space<semaphore_mem>>)
      %dma_start3A_627 = arith.constant 0 : i32
      %dma_start3A_628 = tpu.memref_slice %arg3[%dma_start3A_627, %multiple_of3A_622] : memref<32x1000000xf32, #tpu.memory_space<hbm>> -> memref<32x128xf32, #tpu.memory_space<hbm>>
      %dma_start3A_629 = arith.constant 0 : i32
      %dma_start3A_630 = tpu.memref_slice %arg3[%dma_start3A_629, %multiple_of3A_622] : memref<32x1000000xf32, #tpu.memory_space<hbm>> -> memref<32x128xf32, #tpu.memory_space<hbm>>
      tpu.enqueue_dma source(%dma_start3A_630 : memref<32x128xf32, #tpu.memory_space<hbm>>) target(%arg21 : memref<32x128xf32, #tpu.memory_space<vmem>>) target_semaphore(%arg37 : memref<!tpu.dma_semaphore, #tpu.memory_space<semaphore_mem>>)
      %ge3A_631 = arith.constant 1 : i32
      %ge3A_632 = arith.cmpi sge, %scan3A_521, %ge3A_631 : i32
      %convert_element_type3A_633 = arith.extui %ge3A_632 : i1 to i32
      %cond3A_634 = arith.constant 0 : i32
      %cond3A_635 = arith.cmpi ne, %convert_element_type3A_633, %cond3A_634 : i32
      scf.if %cond3A_635 {
        %slice3A_1893 = vector.extract_strided_slice %scan3A_522 {offsets = [10], sizes = [1], strides = [1]} : vector<16xi32> to vector<1xi32>
        %squeeze3A_1894 = vector.extract %slice3A_1893[0] : i32 from vector<1xi32>
        %slice3A_1895 = vector.extract_strided_slice %scan3A_523 {offsets = [10], sizes = [1], strides = [1]} : vector<16xi32> to vector<1xi32>
        %squeeze3A_1896 = vector.extract %slice3A_1895[0] : i32 from vector<1xi32>
        %mul3A_1897 = arith.constant 16 : i32
        %mul3A_1898 = arith.muli %scan3A_521, %mul3A_1897 : i32
        %add3A_1899 = arith.constant 2 : i32
        %add3A_1900 = arith.addi %mul3A_1898, %add3A_1899 : i32
        %sub3A_1901 = arith.constant 8 : i32
        %sub3A_1902 = arith.subi %add3A_1900, %sub3A_1901 : i32
        %dma_wait3A_1903 = arith.constant 0 : i32
        %dma_wait3A_1904 = arith.constant 0 : i32
        %dma_wait3A_1905 = tpu.memref_slice %arg2[%dma_wait3A_1903, %dma_wait3A_1904] : memref<32x1000000xf32, #tpu.memory_space<hbm>> -> memref<32x128xf32, #tpu.memory_space<hbm>>
        %dma_wait3A_1906 = arith.constant 0 : i32
        %dma_wait3A_1907 = arith.constant 0 : i32
        %dma_wait3A_1908 = tpu.memref_slice %arg2[%dma_wait3A_1906, %dma_wait3A_1907] : memref<32x1000000xf32, #tpu.memory_space<hbm>> -> memref<32x128xf32, #tpu.memory_space<hbm>>
        tpu.wait_dma2 semaphore(%arg30 : memref<!tpu.dma_semaphore, #tpu.memory_space<semaphore_mem>>) src(%dma_wait3A_1908 : memref<32x128xf32, #tpu.memory_space<hbm>>) dst(%arg14 : memref<32x128xf32, #tpu.memory_space<vmem>>)
        %dma_wait3A_1909 = arith.constant 0 : i32
        %dma_wait3A_1910 = arith.constant 0 : i32
        %dma_wait3A_1911 = tpu.memref_slice %arg3[%dma_wait3A_1909, %dma_wait3A_1910] : memref<32x1000000xf32, #tpu.memory_space<hbm>> -> memref<32x128xf32, #tpu.memory_space<hbm>>
        %dma_wait3A_1912 = arith.constant 0 : i32
        %dma_wait3A_1913 = arith.constant 0 : i32
        %dma_wait3A_1914 = tpu.memref_slice %arg3[%dma_wait3A_1912, %dma_wait3A_1913] : memref<32x1000000xf32, #tpu.memory_space<hbm>> -> memref<32x128xf32, #tpu.memory_space<hbm>>
        tpu.wait_dma2 semaphore(%arg38 : memref<!tpu.dma_semaphore, #tpu.memory_space<semaphore_mem>>) src(%dma_wait3A_1914 : memref<32x128xf32, #tpu.memory_space<hbm>>) dst(%arg22 : memref<32x128xf32, #tpu.memory_space<vmem>>)
        %broadcast_in_dim3A_1915 = arith.constant 0 : i32
        %broadcast_in_dim3A_1916 = vector.broadcast %broadcast_in_dim3A_1915 : i32 to vector<16xi32>
        %jit3A_1917 = arith.constant 128 : i32
        %eq3A_1918 = arith.constant 0 : i32
        %eq3A_1919 = arith.cmpi eq, %jit3A_1917, %eq3A_1918 : i32
        %jit3A_1920 = arith.constant 1 : i32
        %select_n3A_1921 = arith.select %eq3A_1919, %jit3A_1920, %jit3A_1917 : i32
        %rem3A_1922 = arith.remsi %squeeze3A_1894, %select_n3A_1921 : i32
        %ne3A_1923 = arith.constant 0 : i32
        %ne3A_1924 = arith.cmpi ne, %rem3A_1922, %ne3A_1923 : i32
        %lt3A_1925 = arith.constant 0 : i32
        %lt3A_1926 = arith.cmpi slt, %rem3A_1922, %lt3A_1925 : i32
        %lt3A_1927 = arith.constant 0 : i32
        %lt3A_1928 = arith.cmpi slt, %select_n3A_1921, %lt3A_1927 : i32
        %ne3A_1929 = arith.xori %lt3A_1926, %lt3A_1928 : i1
        %and3A_1930 = arith.andi %ne3A_1929, %ne3A_1924 : i1
        %add3A_1931 = arith.addi %rem3A_1922, %select_n3A_1921 : i32
        %select_n3A_1932 = arith.select %and3A_1930, %add3A_1931, %rem3A_1922 : i32
        %add3A_1933 = vector.broadcast %select_n3A_1932 : i32 to vector<16xi32>
        %add3A_1934 = arith.addi %broadcast_in_dim3A_1916, %add3A_1933 : vector<16xi32>
        %broadcast_in_dim3A_1935 = arith.constant 0 : i32
        %broadcast_in_dim3A_1936 = vector.broadcast %broadcast_in_dim3A_1935 : i32 to vector<16xi32>
        %jit3A_1937 = arith.constant 128 : i32
        %eq3A_1938 = arith.constant 0 : i32
        %eq3A_1939 = arith.cmpi eq, %jit3A_1937, %eq3A_1938 : i32
        %jit3A_1940 = arith.constant 1 : i32
        %select_n3A_1941 = arith.select %eq3A_1939, %jit3A_1940, %jit3A_1937 : i32
        %rem3A_1942 = arith.remsi %squeeze3A_1896, %select_n3A_1941 : i32
        %ne3A_1943 = arith.constant 0 : i32
        %ne3A_1944 = arith.cmpi ne, %rem3A_1942, %ne3A_1943 : i32
        %lt3A_1945 = arith.constant 0 : i32
        %lt3A_1946 = arith.cmpi slt, %rem3A_1942, %lt3A_1945 : i32
        %lt3A_1947 = arith.constant 0 : i32
        %lt3A_1948 = arith.cmpi slt, %select_n3A_1941, %lt3A_1947 : i32
        %ne3A_1949 = arith.xori %lt3A_1946, %lt3A_1948 : i1
        %and3A_1950 = arith.andi %ne3A_1949, %ne3A_1944 : i1
        %add3A_1951 = arith.addi %rem3A_1942, %select_n3A_1941 : i32
        %select_n3A_1952 = arith.select %and3A_1950, %add3A_1951, %rem3A_1942 : i32
        %add3A_1953 = vector.broadcast %select_n3A_1952 : i32 to vector<16xi32>
        %add3A_1954 = arith.addi %broadcast_in_dim3A_1936, %add3A_1953 : vector<16xi32>
        %broadcast_in_dim3A_1955 = arith.constant 0 : i32
        %broadcast_in_dim3A_1956 = vector.broadcast %broadcast_in_dim3A_1955 : i32 to vector<16xi32>
        %add3A_1957 = vector.broadcast %sub3A_1902 : i32 to vector<16xi32>
        %add3A_1958 = arith.addi %broadcast_in_dim3A_1956, %add3A_1957 : vector<16xi32>
        %gather3A_1959 = tpu.vector_load_idx %arg14[%iota3A, %add3A_1934] : memref<32x128xf32, #tpu.memory_space<vmem>>[vector<16xi32>, vector<16xi32>], vector<16xf32>,
        %gather3A_1960 = tpu.vector_load_idx %arg22[%iota3A, %add3A_1954] : memref<32x128xf32, #tpu.memory_space<vmem>>[vector<16xi32>, vector<16xi32>], vector<16xf32>,
        tpu.vector_store_idx %arg10[%iota3A, %add3A_1958], %gather3A_1959 : memref<32x512xf32, #tpu.memory_space<vmem>>[vector<16xi32>, vector<16xi32>], vector<16xf32>,
        tpu.vector_store_idx %arg11[%iota3A, %add3A_1958], %gather3A_1960 : memref<32x512xf32, #tpu.memory_space<vmem>>[vector<16xi32>, vector<16xi32>], vector<16xf32>,
        %gather3A_1961 = tpu.vector_load_idx %arg14[%add3A_5, %add3A_1934] : memref<32x128xf32, #tpu.memory_space<vmem>>[vector<16xi32>, vector<16xi32>], vector<16xf32>,
        %gather3A_1962 = tpu.vector_load_idx %arg22[%add3A_5, %add3A_1954] : memref<32x128xf32, #tpu.memory_space<vmem>>[vector<16xi32>, vector<16xi32>], vector<16xf32>,
        tpu.vector_store_idx %arg10[%add3A_5, %add3A_1958], %gather3A_1961 : memref<32x512xf32, #tpu.memory_space<vmem>>[vector<16xi32>, vector<16xi32>], vector<16xf32>,
        tpu.vector_store_idx %arg11[%add3A_5, %add3A_1958], %gather3A_1962 : memref<32x512xf32, #tpu.memory_space<vmem>>[vector<16xi32>, vector<16xi32>], vector<16xf32>,
      } else {
      }
      %slice3A_636 = vector.extract_strided_slice %get3A_526 {offsets = [2], sizes = [1], strides = [1]} : vector<16xi32> to vector<1xi32>
      %squeeze3A_637 = vector.extract %slice3A_636[0] : i32 from vector<1xi32>
      %slice3A_638 = vector.extract_strided_slice %get3A_530 {offsets = [2], sizes = [1], strides = [1]} : vector<16xi32> to vector<1xi32>
      %squeeze3A_639 = vector.extract %slice3A_638[0] : i32 from vector<1xi32>
      %jit3A_640 = arith.constant 128 : i32
      %eq3A_641 = arith.constant 0 : i32
      %eq3A_642 = arith.cmpi eq, %jit3A_640, %eq3A_641 : i32
      %jit3A_643 = arith.constant 1 : i32
      %select_n3A_644 = arith.select %eq3A_642, %jit3A_643, %jit3A_640 : i32
      %rem3A_645 = arith.remsi %squeeze3A_637, %select_n3A_644 : i32
      %ne3A_646 = arith.constant 0 : i32
      %ne3A_647 = arith.cmpi ne, %rem3A_645, %ne3A_646 : i32
      %lt3A_648 = arith.constant 0 : i32
      %lt3A_649 = arith.cmpi slt, %rem3A_645, %lt3A_648 : i32
      %lt3A_650 = arith.constant 0 : i32
      %lt3A_651 = arith.cmpi slt, %select_n3A_644, %lt3A_650 : i32
      %ne3A_652 = arith.xori %lt3A_649, %lt3A_651 : i1
      %and3A_653 = arith.andi %ne3A_652, %ne3A_647 : i1
      %add3A_654 = arith.addi %rem3A_645, %select_n3A_644 : i32
      %select_n3A_655 = arith.select %and3A_653, %add3A_654, %rem3A_645 : i32
      %sub3A_656 = arith.subi %squeeze3A_637, %select_n3A_655 : i32
      %multiple_of3A_657 = tpu.assume_multiple %sub3A_656, 128 : i32
      %jit3A_658 = arith.constant 128 : i32
      %eq3A_659 = arith.constant 0 : i32
      %eq3A_660 = arith.cmpi eq, %jit3A_658, %eq3A_659 : i32
      %jit3A_661 = arith.constant 1 : i32
      %select_n3A_662 = arith.select %eq3A_660, %jit3A_661, %jit3A_658 : i32
      %rem3A_663 = arith.remsi %squeeze3A_639, %select_n3A_662 : i32
      %ne3A_664 = arith.constant 0 : i32
      %ne3A_665 = arith.cmpi ne, %rem3A_663, %ne3A_664 : i32
      %lt3A_666 = arith.constant 0 : i32
      %lt3A_667 = arith.cmpi slt, %rem3A_663, %lt3A_666 : i32
      %lt3A_668 = arith.constant 0 : i32
      %lt3A_669 = arith.cmpi slt, %select_n3A_662, %lt3A_668 : i32
      %ne3A_670 = arith.xori %lt3A_667, %lt3A_669 : i1
      %and3A_671 = arith.andi %ne3A_670, %ne3A_665 : i1
      %add3A_672 = arith.addi %rem3A_663, %select_n3A_662 : i32
      %select_n3A_673 = arith.select %and3A_671, %add3A_672, %rem3A_663 : i32
      %sub3A_674 = arith.subi %squeeze3A_639, %select_n3A_673 : i32
      %multiple_of3A_675 = tpu.assume_multiple %sub3A_674, 128 : i32
      %dma_start3A_676 = arith.constant 0 : i32
      %dma_start3A_677 = tpu.memref_slice %arg2[%dma_start3A_676, %multiple_of3A_657] : memref<32x1000000xf32, #tpu.memory_space<hbm>> -> memref<32x128xf32, #tpu.memory_space<hbm>>
      %dma_start3A_678 = arith.constant 0 : i32
      %dma_start3A_679 = tpu.memref_slice %arg2[%dma_start3A_678, %multiple_of3A_657] : memref<32x1000000xf32, #tpu.memory_space<hbm>> -> memref<32x128xf32, #tpu.memory_space<hbm>>
      tpu.enqueue_dma source(%dma_start3A_679 : memref<32x128xf32, #tpu.memory_space<hbm>>) target(%arg14 : memref<32x128xf32, #tpu.memory_space<vmem>>) target_semaphore(%arg30 : memref<!tpu.dma_semaphore, #tpu.memory_space<semaphore_mem>>)
      %dma_start3A_680 = arith.constant 0 : i32
      %dma_start3A_681 = tpu.memref_slice %arg3[%dma_start3A_680, %multiple_of3A_675] : memref<32x1000000xf32, #tpu.memory_space<hbm>> -> memref<32x128xf32, #tpu.memory_space<hbm>>
      %dma_start3A_682 = arith.constant 0 : i32
      %dma_start3A_683 = tpu.memref_slice %arg3[%dma_start3A_682, %multiple_of3A_675] : memref<32x1000000xf32, #tpu.memory_space<hbm>> -> memref<32x128xf32, #tpu.memory_space<hbm>>
      tpu.enqueue_dma source(%dma_start3A_683 : memref<32x128xf32, #tpu.memory_space<hbm>>) target(%arg22 : memref<32x128xf32, #tpu.memory_space<vmem>>) target_semaphore(%arg38 : memref<!tpu.dma_semaphore, #tpu.memory_space<semaphore_mem>>)
      %ge3A_684 = arith.constant 1 : i32
      %ge3A_685 = arith.cmpi sge, %scan3A_521, %ge3A_684 : i32
      %convert_element_type3A_686 = arith.extui %ge3A_685 : i1 to i32
      %cond3A_687 = arith.constant 0 : i32
      %cond3A_688 = arith.cmpi ne, %convert_element_type3A_686, %cond3A_687 : i32
      scf.if %cond3A_688 {
        %slice3A_1893 = vector.extract_strided_slice %scan3A_522 {offsets = [11], sizes = [1], strides = [1]} : vector<16xi32> to vector<1xi32>
        %squeeze3A_1894 = vector.extract %slice3A_1893[0] : i32 from vector<1xi32>
        %slice3A_1895 = vector.extract_strided_slice %scan3A_523 {offsets = [11], sizes = [1], strides = [1]} : vector<16xi32> to vector<1xi32>
        %squeeze3A_1896 = vector.extract %slice3A_1895[0] : i32 from vector<1xi32>
        %mul3A_1897 = arith.constant 16 : i32
        %mul3A_1898 = arith.muli %scan3A_521, %mul3A_1897 : i32
        %add3A_1899 = arith.constant 3 : i32
        %add3A_1900 = arith.addi %mul3A_1898, %add3A_1899 : i32
        %sub3A_1901 = arith.constant 8 : i32
        %sub3A_1902 = arith.subi %add3A_1900, %sub3A_1901 : i32
        %dma_wait3A_1903 = arith.constant 0 : i32
        %dma_wait3A_1904 = arith.constant 0 : i32
        %dma_wait3A_1905 = tpu.memref_slice %arg2[%dma_wait3A_1903, %dma_wait3A_1904] : memref<32x1000000xf32, #tpu.memory_space<hbm>> -> memref<32x128xf32, #tpu.memory_space<hbm>>
        %dma_wait3A_1906 = arith.constant 0 : i32
        %dma_wait3A_1907 = arith.constant 0 : i32
        %dma_wait3A_1908 = tpu.memref_slice %arg2[%dma_wait3A_1906, %dma_wait3A_1907] : memref<32x1000000xf32, #tpu.memory_space<hbm>> -> memref<32x128xf32, #tpu.memory_space<hbm>>
        tpu.wait_dma2 semaphore(%arg31 : memref<!tpu.dma_semaphore, #tpu.memory_space<semaphore_mem>>) src(%dma_wait3A_1908 : memref<32x128xf32, #tpu.memory_space<hbm>>) dst(%arg15 : memref<32x128xf32, #tpu.memory_space<vmem>>)
        %dma_wait3A_1909 = arith.constant 0 : i32
        %dma_wait3A_1910 = arith.constant 0 : i32
        %dma_wait3A_1911 = tpu.memref_slice %arg3[%dma_wait3A_1909, %dma_wait3A_1910] : memref<32x1000000xf32, #tpu.memory_space<hbm>> -> memref<32x128xf32, #tpu.memory_space<hbm>>
        %dma_wait3A_1912 = arith.constant 0 : i32
        %dma_wait3A_1913 = arith.constant 0 : i32
        %dma_wait3A_1914 = tpu.memref_slice %arg3[%dma_wait3A_1912, %dma_wait3A_1913] : memref<32x1000000xf32, #tpu.memory_space<hbm>> -> memref<32x128xf32, #tpu.memory_space<hbm>>
        tpu.wait_dma2 semaphore(%arg39 : memref<!tpu.dma_semaphore, #tpu.memory_space<semaphore_mem>>) src(%dma_wait3A_1914 : memref<32x128xf32, #tpu.memory_space<hbm>>) dst(%arg23 : memref<32x128xf32, #tpu.memory_space<vmem>>)
        %broadcast_in_dim3A_1915 = arith.constant 0 : i32
        %broadcast_in_dim3A_1916 = vector.broadcast %broadcast_in_dim3A_1915 : i32 to vector<16xi32>
        %jit3A_1917 = arith.constant 128 : i32
        %eq3A_1918 = arith.constant 0 : i32
        %eq3A_1919 = arith.cmpi eq, %jit3A_1917, %eq3A_1918 : i32
        %jit3A_1920 = arith.constant 1 : i32
        %select_n3A_1921 = arith.select %eq3A_1919, %jit3A_1920, %jit3A_1917 : i32
        %rem3A_1922 = arith.remsi %squeeze3A_1894, %select_n3A_1921 : i32
        %ne3A_1923 = arith.constant 0 : i32
        %ne3A_1924 = arith.cmpi ne, %rem3A_1922, %ne3A_1923 : i32
        %lt3A_1925 = arith.constant 0 : i32
        %lt3A_1926 = arith.cmpi slt, %rem3A_1922, %lt3A_1925 : i32
        %lt3A_1927 = arith.constant 0 : i32
        %lt3A_1928 = arith.cmpi slt, %select_n3A_1921, %lt3A_1927 : i32
        %ne3A_1929 = arith.xori %lt3A_1926, %lt3A_1928 : i1
        %and3A_1930 = arith.andi %ne3A_1929, %ne3A_1924 : i1
        %add3A_1931 = arith.addi %rem3A_1922, %select_n3A_1921 : i32
        %select_n3A_1932 = arith.select %and3A_1930, %add3A_1931, %rem3A_1922 : i32
        %add3A_1933 = vector.broadcast %select_n3A_1932 : i32 to vector<16xi32>
        %add3A_1934 = arith.addi %broadcast_in_dim3A_1916, %add3A_1933 : vector<16xi32>
        %broadcast_in_dim3A_1935 = arith.constant 0 : i32
        %broadcast_in_dim3A_1936 = vector.broadcast %broadcast_in_dim3A_1935 : i32 to vector<16xi32>
        %jit3A_1937 = arith.constant 128 : i32
        %eq3A_1938 = arith.constant 0 : i32
        %eq3A_1939 = arith.cmpi eq, %jit3A_1937, %eq3A_1938 : i32
        %jit3A_1940 = arith.constant 1 : i32
        %select_n3A_1941 = arith.select %eq3A_1939, %jit3A_1940, %jit3A_1937 : i32
        %rem3A_1942 = arith.remsi %squeeze3A_1896, %select_n3A_1941 : i32
        %ne3A_1943 = arith.constant 0 : i32
        %ne3A_1944 = arith.cmpi ne, %rem3A_1942, %ne3A_1943 : i32
        %lt3A_1945 = arith.constant 0 : i32
        %lt3A_1946 = arith.cmpi slt, %rem3A_1942, %lt3A_1945 : i32
        %lt3A_1947 = arith.constant 0 : i32
        %lt3A_1948 = arith.cmpi slt, %select_n3A_1941, %lt3A_1947 : i32
        %ne3A_1949 = arith.xori %lt3A_1946, %lt3A_1948 : i1
        %and3A_1950 = arith.andi %ne3A_1949, %ne3A_1944 : i1
        %add3A_1951 = arith.addi %rem3A_1942, %select_n3A_1941 : i32
        %select_n3A_1952 = arith.select %and3A_1950, %add3A_1951, %rem3A_1942 : i32
        %add3A_1953 = vector.broadcast %select_n3A_1952 : i32 to vector<16xi32>
        %add3A_1954 = arith.addi %broadcast_in_dim3A_1936, %add3A_1953 : vector<16xi32>
        %broadcast_in_dim3A_1955 = arith.constant 0 : i32
        %broadcast_in_dim3A_1956 = vector.broadcast %broadcast_in_dim3A_1955 : i32 to vector<16xi32>
        %add3A_1957 = vector.broadcast %sub3A_1902 : i32 to vector<16xi32>
        %add3A_1958 = arith.addi %broadcast_in_dim3A_1956, %add3A_1957 : vector<16xi32>
        %gather3A_1959 = tpu.vector_load_idx %arg15[%iota3A, %add3A_1934] : memref<32x128xf32, #tpu.memory_space<vmem>>[vector<16xi32>, vector<16xi32>], vector<16xf32>,
        %gather3A_1960 = tpu.vector_load_idx %arg23[%iota3A, %add3A_1954] : memref<32x128xf32, #tpu.memory_space<vmem>>[vector<16xi32>, vector<16xi32>], vector<16xf32>,
        tpu.vector_store_idx %arg10[%iota3A, %add3A_1958], %gather3A_1959 : memref<32x512xf32, #tpu.memory_space<vmem>>[vector<16xi32>, vector<16xi32>], vector<16xf32>,
        tpu.vector_store_idx %arg11[%iota3A, %add3A_1958], %gather3A_1960 : memref<32x512xf32, #tpu.memory_space<vmem>>[vector<16xi32>, vector<16xi32>], vector<16xf32>,
        %gather3A_1961 = tpu.vector_load_idx %arg15[%add3A_5, %add3A_1934] : memref<32x128xf32, #tpu.memory_space<vmem>>[vector<16xi32>, vector<16xi32>], vector<16xf32>,
        %gather3A_1962 = tpu.vector_load_idx %arg23[%add3A_5, %add3A_1954] : memref<32x128xf32, #tpu.memory_space<vmem>>[vector<16xi32>, vector<16xi32>], vector<16xf32>,
        tpu.vector_store_idx %arg10[%add3A_5, %add3A_1958], %gather3A_1961 : memref<32x512xf32, #tpu.memory_space<vmem>>[vector<16xi32>, vector<16xi32>], vector<16xf32>,
        tpu.vector_store_idx %arg11[%add3A_5, %add3A_1958], %gather3A_1962 : memref<32x512xf32, #tpu.memory_space<vmem>>[vector<16xi32>, vector<16xi32>], vector<16xf32>,
      } else {
      }
      %slice3A_689 = vector.extract_strided_slice %get3A_526 {offsets = [3], sizes = [1], strides = [1]} : vector<16xi32> to vector<1xi32>
      %squeeze3A_690 = vector.extract %slice3A_689[0] : i32 from vector<1xi32>
      %slice3A_691 = vector.extract_strided_slice %get3A_530 {offsets = [3], sizes = [1], strides = [1]} : vector<16xi32> to vector<1xi32>
      %squeeze3A_692 = vector.extract %slice3A_691[0] : i32 from vector<1xi32>
      %jit3A_693 = arith.constant 128 : i32
      %eq3A_694 = arith.constant 0 : i32
      %eq3A_695 = arith.cmpi eq, %jit3A_693, %eq3A_694 : i32
      %jit3A_696 = arith.constant 1 : i32
      %select_n3A_697 = arith.select %eq3A_695, %jit3A_696, %jit3A_693 : i32
      %rem3A_698 = arith.remsi %squeeze3A_690, %select_n3A_697 : i32
      %ne3A_699 = arith.constant 0 : i32
      %ne3A_700 = arith.cmpi ne, %rem3A_698, %ne3A_699 : i32
      %lt3A_701 = arith.constant 0 : i32
      %lt3A_702 = arith.cmpi slt, %rem3A_698, %lt3A_701 : i32
      %lt3A_703 = arith.constant 0 : i32
      %lt3A_704 = arith.cmpi slt, %select_n3A_697, %lt3A_703 : i32
      %ne3A_705 = arith.xori %lt3A_702, %lt3A_704 : i1
      %and3A_706 = arith.andi %ne3A_705, %ne3A_700 : i1
      %add3A_707 = arith.addi %rem3A_698, %select_n3A_697 : i32
      %select_n3A_708 = arith.select %and3A_706, %add3A_707, %rem3A_698 : i32
      %sub3A_709 = arith.subi %squeeze3A_690, %select_n3A_708 : i32
      %multiple_of3A_710 = tpu.assume_multiple %sub3A_709, 128 : i32
      %jit3A_711 = arith.constant 128 : i32
      %eq3A_712 = arith.constant 0 : i32
      %eq3A_713 = arith.cmpi eq, %jit3A_711, %eq3A_712 : i32
      %jit3A_714 = arith.constant 1 : i32
      %select_n3A_715 = arith.select %eq3A_713, %jit3A_714, %jit3A_711 : i32
      %rem3A_716 = arith.remsi %squeeze3A_692, %select_n3A_715 : i32
      %ne3A_717 = arith.constant 0 : i32
      %ne3A_718 = arith.cmpi ne, %rem3A_716, %ne3A_717 : i32
      %lt3A_719 = arith.constant 0 : i32
      %lt3A_720 = arith.cmpi slt, %rem3A_716, %lt3A_719 : i32
      %lt3A_721 = arith.constant 0 : i32
      %lt3A_722 = arith.cmpi slt, %select_n3A_715, %lt3A_721 : i32
      %ne3A_723 = arith.xori %lt3A_720, %lt3A_722 : i1
      %and3A_724 = arith.andi %ne3A_723, %ne3A_718 : i1
      %add3A_725 = arith.addi %rem3A_716, %select_n3A_715 : i32
      %select_n3A_726 = arith.select %and3A_724, %add3A_725, %rem3A_716 : i32
      %sub3A_727 = arith.subi %squeeze3A_692, %select_n3A_726 : i32
      %multiple_of3A_728 = tpu.assume_multiple %sub3A_727, 128 : i32
      %dma_start3A_729 = arith.constant 0 : i32
      %dma_start3A_730 = tpu.memref_slice %arg2[%dma_start3A_729, %multiple_of3A_710] : memref<32x1000000xf32, #tpu.memory_space<hbm>> -> memref<32x128xf32, #tpu.memory_space<hbm>>
      %dma_start3A_731 = arith.constant 0 : i32
      %dma_start3A_732 = tpu.memref_slice %arg2[%dma_start3A_731, %multiple_of3A_710] : memref<32x1000000xf32, #tpu.memory_space<hbm>> -> memref<32x128xf32, #tpu.memory_space<hbm>>
      tpu.enqueue_dma source(%dma_start3A_732 : memref<32x128xf32, #tpu.memory_space<hbm>>) target(%arg15 : memref<32x128xf32, #tpu.memory_space<vmem>>) target_semaphore(%arg31 : memref<!tpu.dma_semaphore, #tpu.memory_space<semaphore_mem>>)
      %dma_start3A_733 = arith.constant 0 : i32
      %dma_start3A_734 = tpu.memref_slice %arg3[%dma_start3A_733, %multiple_of3A_728] : memref<32x1000000xf32, #tpu.memory_space<hbm>> -> memref<32x128xf32, #tpu.memory_space<hbm>>
      %dma_start3A_735 = arith.constant 0 : i32
      %dma_start3A_736 = tpu.memref_slice %arg3[%dma_start3A_735, %multiple_of3A_728] : memref<32x1000000xf32, #tpu.memory_space<hbm>> -> memref<32x128xf32, #tpu.memory_space<hbm>>
      tpu.enqueue_dma source(%dma_start3A_736 : memref<32x128xf32, #tpu.memory_space<hbm>>) target(%arg23 : memref<32x128xf32, #tpu.memory_space<vmem>>) target_semaphore(%arg39 : memref<!tpu.dma_semaphore, #tpu.memory_space<semaphore_mem>>)
      %ge3A_737 = arith.constant 1 : i32
      %ge3A_738 = arith.cmpi sge, %scan3A_521, %ge3A_737 : i32
      %convert_element_type3A_739 = arith.extui %ge3A_738 : i1 to i32
      %cond3A_740 = arith.constant 0 : i32
      %cond3A_741 = arith.cmpi ne, %convert_element_type3A_739, %cond3A_740 : i32
      scf.if %cond3A_741 {
        %slice3A_1893 = vector.extract_strided_slice %scan3A_522 {offsets = [12], sizes = [1], strides = [1]} : vector<16xi32> to vector<1xi32>
        %squeeze3A_1894 = vector.extract %slice3A_1893[0] : i32 from vector<1xi32>
        %slice3A_1895 = vector.extract_strided_slice %scan3A_523 {offsets = [12], sizes = [1], strides = [1]} : vector<16xi32> to vector<1xi32>
        %squeeze3A_1896 = vector.extract %slice3A_1895[0] : i32 from vector<1xi32>
        %mul3A_1897 = arith.constant 16 : i32
        %mul3A_1898 = arith.muli %scan3A_521, %mul3A_1897 : i32
        %add3A_1899 = arith.constant 4 : i32
        %add3A_1900 = arith.addi %mul3A_1898, %add3A_1899 : i32
        %sub3A_1901 = arith.constant 8 : i32
        %sub3A_1902 = arith.subi %add3A_1900, %sub3A_1901 : i32
        %dma_wait3A_1903 = arith.constant 0 : i32
        %dma_wait3A_1904 = arith.constant 0 : i32
        %dma_wait3A_1905 = tpu.memref_slice %arg2[%dma_wait3A_1903, %dma_wait3A_1904] : memref<32x1000000xf32, #tpu.memory_space<hbm>> -> memref<32x128xf32, #tpu.memory_space<hbm>>
        %dma_wait3A_1906 = arith.constant 0 : i32
        %dma_wait3A_1907 = arith.constant 0 : i32
        %dma_wait3A_1908 = tpu.memref_slice %arg2[%dma_wait3A_1906, %dma_wait3A_1907] : memref<32x1000000xf32, #tpu.memory_space<hbm>> -> memref<32x128xf32, #tpu.memory_space<hbm>>
        tpu.wait_dma2 semaphore(%arg32 : memref<!tpu.dma_semaphore, #tpu.memory_space<semaphore_mem>>) src(%dma_wait3A_1908 : memref<32x128xf32, #tpu.memory_space<hbm>>) dst(%arg16 : memref<32x128xf32, #tpu.memory_space<vmem>>)
        %dma_wait3A_1909 = arith.constant 0 : i32
        %dma_wait3A_1910 = arith.constant 0 : i32
        %dma_wait3A_1911 = tpu.memref_slice %arg3[%dma_wait3A_1909, %dma_wait3A_1910] : memref<32x1000000xf32, #tpu.memory_space<hbm>> -> memref<32x128xf32, #tpu.memory_space<hbm>>
        %dma_wait3A_1912 = arith.constant 0 : i32
        %dma_wait3A_1913 = arith.constant 0 : i32
        %dma_wait3A_1914 = tpu.memref_slice %arg3[%dma_wait3A_1912, %dma_wait3A_1913] : memref<32x1000000xf32, #tpu.memory_space<hbm>> -> memref<32x128xf32, #tpu.memory_space<hbm>>
        tpu.wait_dma2 semaphore(%arg40 : memref<!tpu.dma_semaphore, #tpu.memory_space<semaphore_mem>>) src(%dma_wait3A_1914 : memref<32x128xf32, #tpu.memory_space<hbm>>) dst(%arg24 : memref<32x128xf32, #tpu.memory_space<vmem>>)
        %broadcast_in_dim3A_1915 = arith.constant 0 : i32
        %broadcast_in_dim3A_1916 = vector.broadcast %broadcast_in_dim3A_1915 : i32 to vector<16xi32>
        %jit3A_1917 = arith.constant 128 : i32
        %eq3A_1918 = arith.constant 0 : i32
        %eq3A_1919 = arith.cmpi eq, %jit3A_1917, %eq3A_1918 : i32
        %jit3A_1920 = arith.constant 1 : i32
        %select_n3A_1921 = arith.select %eq3A_1919, %jit3A_1920, %jit3A_1917 : i32
        %rem3A_1922 = arith.remsi %squeeze3A_1894, %select_n3A_1921 : i32
        %ne3A_1923 = arith.constant 0 : i32
        %ne3A_1924 = arith.cmpi ne, %rem3A_1922, %ne3A_1923 : i32
        %lt3A_1925 = arith.constant 0 : i32
        %lt3A_1926 = arith.cmpi slt, %rem3A_1922, %lt3A_1925 : i32
        %lt3A_1927 = arith.constant 0 : i32
        %lt3A_1928 = arith.cmpi slt, %select_n3A_1921, %lt3A_1927 : i32
        %ne3A_1929 = arith.xori %lt3A_1926, %lt3A_1928 : i1
        %and3A_1930 = arith.andi %ne3A_1929, %ne3A_1924 : i1
        %add3A_1931 = arith.addi %rem3A_1922, %select_n3A_1921 : i32
        %select_n3A_1932 = arith.select %and3A_1930, %add3A_1931, %rem3A_1922 : i32
        %add3A_1933 = vector.broadcast %select_n3A_1932 : i32 to vector<16xi32>
        %add3A_1934 = arith.addi %broadcast_in_dim3A_1916, %add3A_1933 : vector<16xi32>
        %broadcast_in_dim3A_1935 = arith.constant 0 : i32
        %broadcast_in_dim3A_1936 = vector.broadcast %broadcast_in_dim3A_1935 : i32 to vector<16xi32>
        %jit3A_1937 = arith.constant 128 : i32
        %eq3A_1938 = arith.constant 0 : i32
        %eq3A_1939 = arith.cmpi eq, %jit3A_1937, %eq3A_1938 : i32
        %jit3A_1940 = arith.constant 1 : i32
        %select_n3A_1941 = arith.select %eq3A_1939, %jit3A_1940, %jit3A_1937 : i32
        %rem3A_1942 = arith.remsi %squeeze3A_1896, %select_n3A_1941 : i32
        %ne3A_1943 = arith.constant 0 : i32
        %ne3A_1944 = arith.cmpi ne, %rem3A_1942, %ne3A_1943 : i32
        %lt3A_1945 = arith.constant 0 : i32
        %lt3A_1946 = arith.cmpi slt, %rem3A_1942, %lt3A_1945 : i32
        %lt3A_1947 = arith.constant 0 : i32
        %lt3A_1948 = arith.cmpi slt, %select_n3A_1941, %lt3A_1947 : i32
        %ne3A_1949 = arith.xori %lt3A_1946, %lt3A_1948 : i1
        %and3A_1950 = arith.andi %ne3A_1949, %ne3A_1944 : i1
        %add3A_1951 = arith.addi %rem3A_1942, %select_n3A_1941 : i32
        %select_n3A_1952 = arith.select %and3A_1950, %add3A_1951, %rem3A_1942 : i32
        %add3A_1953 = vector.broadcast %select_n3A_1952 : i32 to vector<16xi32>
        %add3A_1954 = arith.addi %broadcast_in_dim3A_1936, %add3A_1953 : vector<16xi32>
        %broadcast_in_dim3A_1955 = arith.constant 0 : i32
        %broadcast_in_dim3A_1956 = vector.broadcast %broadcast_in_dim3A_1955 : i32 to vector<16xi32>
        %add3A_1957 = vector.broadcast %sub3A_1902 : i32 to vector<16xi32>
        %add3A_1958 = arith.addi %broadcast_in_dim3A_1956, %add3A_1957 : vector<16xi32>
        %gather3A_1959 = tpu.vector_load_idx %arg16[%iota3A, %add3A_1934] : memref<32x128xf32, #tpu.memory_space<vmem>>[vector<16xi32>, vector<16xi32>], vector<16xf32>,
        %gather3A_1960 = tpu.vector_load_idx %arg24[%iota3A, %add3A_1954] : memref<32x128xf32, #tpu.memory_space<vmem>>[vector<16xi32>, vector<16xi32>], vector<16xf32>,
        tpu.vector_store_idx %arg10[%iota3A, %add3A_1958], %gather3A_1959 : memref<32x512xf32, #tpu.memory_space<vmem>>[vector<16xi32>, vector<16xi32>], vector<16xf32>,
        tpu.vector_store_idx %arg11[%iota3A, %add3A_1958], %gather3A_1960 : memref<32x512xf32, #tpu.memory_space<vmem>>[vector<16xi32>, vector<16xi32>], vector<16xf32>,
        %gather3A_1961 = tpu.vector_load_idx %arg16[%add3A_5, %add3A_1934] : memref<32x128xf32, #tpu.memory_space<vmem>>[vector<16xi32>, vector<16xi32>], vector<16xf32>,
        %gather3A_1962 = tpu.vector_load_idx %arg24[%add3A_5, %add3A_1954] : memref<32x128xf32, #tpu.memory_space<vmem>>[vector<16xi32>, vector<16xi32>], vector<16xf32>,
        tpu.vector_store_idx %arg10[%add3A_5, %add3A_1958], %gather3A_1961 : memref<32x512xf32, #tpu.memory_space<vmem>>[vector<16xi32>, vector<16xi32>], vector<16xf32>,
        tpu.vector_store_idx %arg11[%add3A_5, %add3A_1958], %gather3A_1962 : memref<32x512xf32, #tpu.memory_space<vmem>>[vector<16xi32>, vector<16xi32>], vector<16xf32>,
      } else {
      }
      %slice3A_742 = vector.extract_strided_slice %get3A_526 {offsets = [4], sizes = [1], strides = [1]} : vector<16xi32> to vector<1xi32>
      %squeeze3A_743 = vector.extract %slice3A_742[0] : i32 from vector<1xi32>
      %slice3A_744 = vector.extract_strided_slice %get3A_530 {offsets = [4], sizes = [1], strides = [1]} : vector<16xi32> to vector<1xi32>
      %squeeze3A_745 = vector.extract %slice3A_744[0] : i32 from vector<1xi32>
      %jit3A_746 = arith.constant 128 : i32
      %eq3A_747 = arith.constant 0 : i32
      %eq3A_748 = arith.cmpi eq, %jit3A_746, %eq3A_747 : i32
      %jit3A_749 = arith.constant 1 : i32
      %select_n3A_750 = arith.select %eq3A_748, %jit3A_749, %jit3A_746 : i32
      %rem3A_751 = arith.remsi %squeeze3A_743, %select_n3A_750 : i32
      %ne3A_752 = arith.constant 0 : i32
      %ne3A_753 = arith.cmpi ne, %rem3A_751, %ne3A_752 : i32
      %lt3A_754 = arith.constant 0 : i32
      %lt3A_755 = arith.cmpi slt, %rem3A_751, %lt3A_754 : i32
      %lt3A_756 = arith.constant 0 : i32
      %lt3A_757 = arith.cmpi slt, %select_n3A_750, %lt3A_756 : i32
      %ne3A_758 = arith.xori %lt3A_755, %lt3A_757 : i1
      %and3A_759 = arith.andi %ne3A_758, %ne3A_753 : i1
      %add3A_760 = arith.addi %rem3A_751, %select_n3A_750 : i32
      %select_n3A_761 = arith.select %and3A_759, %add3A_760, %rem3A_751 : i32
      %sub3A_762 = arith.subi %squeeze3A_743, %select_n3A_761 : i32
      %multiple_of3A_763 = tpu.assume_multiple %sub3A_762, 128 : i32
      %jit3A_764 = arith.constant 128 : i32
      %eq3A_765 = arith.constant 0 : i32
      %eq3A_766 = arith.cmpi eq, %jit3A_764, %eq3A_765 : i32
      %jit3A_767 = arith.constant 1 : i32
      %select_n3A_768 = arith.select %eq3A_766, %jit3A_767, %jit3A_764 : i32
      %rem3A_769 = arith.remsi %squeeze3A_745, %select_n3A_768 : i32
      %ne3A_770 = arith.constant 0 : i32
      %ne3A_771 = arith.cmpi ne, %rem3A_769, %ne3A_770 : i32
      %lt3A_772 = arith.constant 0 : i32
      %lt3A_773 = arith.cmpi slt, %rem3A_769, %lt3A_772 : i32
      %lt3A_774 = arith.constant 0 : i32
      %lt3A_775 = arith.cmpi slt, %select_n3A_768, %lt3A_774 : i32
      %ne3A_776 = arith.xori %lt3A_773, %lt3A_775 : i1
      %and3A_777 = arith.andi %ne3A_776, %ne3A_771 : i1
      %add3A_778 = arith.addi %rem3A_769, %select_n3A_768 : i32
      %select_n3A_779 = arith.select %and3A_777, %add3A_778, %rem3A_769 : i32
      %sub3A_780 = arith.subi %squeeze3A_745, %select_n3A_779 : i32
      %multiple_of3A_781 = tpu.assume_multiple %sub3A_780, 128 : i32
      %dma_start3A_782 = arith.constant 0 : i32
      %dma_start3A_783 = tpu.memref_slice %arg2[%dma_start3A_782, %multiple_of3A_763] : memref<32x1000000xf32, #tpu.memory_space<hbm>> -> memref<32x128xf32, #tpu.memory_space<hbm>>
      %dma_start3A_784 = arith.constant 0 : i32
      %dma_start3A_785 = tpu.memref_slice %arg2[%dma_start3A_784, %multiple_of3A_763] : memref<32x1000000xf32, #tpu.memory_space<hbm>> -> memref<32x128xf32, #tpu.memory_space<hbm>>
      tpu.enqueue_dma source(%dma_start3A_785 : memref<32x128xf32, #tpu.memory_space<hbm>>) target(%arg16 : memref<32x128xf32, #tpu.memory_space<vmem>>) target_semaphore(%arg32 : memref<!tpu.dma_semaphore, #tpu.memory_space<semaphore_mem>>)
      %dma_start3A_786 = arith.constant 0 : i32
      %dma_start3A_787 = tpu.memref_slice %arg3[%dma_start3A_786, %multiple_of3A_781] : memref<32x1000000xf32, #tpu.memory_space<hbm>> -> memref<32x128xf32, #tpu.memory_space<hbm>>
      %dma_start3A_788 = arith.constant 0 : i32
      %dma_start3A_789 = tpu.memref_slice %arg3[%dma_start3A_788, %multiple_of3A_781] : memref<32x1000000xf32, #tpu.memory_space<hbm>> -> memref<32x128xf32, #tpu.memory_space<hbm>>
      tpu.enqueue_dma source(%dma_start3A_789 : memref<32x128xf32, #tpu.memory_space<hbm>>) target(%arg24 : memref<32x128xf32, #tpu.memory_space<vmem>>) target_semaphore(%arg40 : memref<!tpu.dma_semaphore, #tpu.memory_space<semaphore_mem>>)
      %ge3A_790 = arith.constant 1 : i32
      %ge3A_791 = arith.cmpi sge, %scan3A_521, %ge3A_790 : i32
      %convert_element_type3A_792 = arith.extui %ge3A_791 : i1 to i32
      %cond3A_793 = arith.constant 0 : i32
      %cond3A_794 = arith.cmpi ne, %convert_element_type3A_792, %cond3A_793 : i32
      scf.if %cond3A_794 {
        %slice3A_1893 = vector.extract_strided_slice %scan3A_522 {offsets = [13], sizes = [1], strides = [1]} : vector<16xi32> to vector<1xi32>
        %squeeze3A_1894 = vector.extract %slice3A_1893[0] : i32 from vector<1xi32>
        %slice3A_1895 = vector.extract_strided_slice %scan3A_523 {offsets = [13], sizes = [1], strides = [1]} : vector<16xi32> to vector<1xi32>
        %squeeze3A_1896 = vector.extract %slice3A_1895[0] : i32 from vector<1xi32>
        %mul3A_1897 = arith.constant 16 : i32
        %mul3A_1898 = arith.muli %scan3A_521, %mul3A_1897 : i32
        %add3A_1899 = arith.constant 5 : i32
        %add3A_1900 = arith.addi %mul3A_1898, %add3A_1899 : i32
        %sub3A_1901 = arith.constant 8 : i32
        %sub3A_1902 = arith.subi %add3A_1900, %sub3A_1901 : i32
        %dma_wait3A_1903 = arith.constant 0 : i32
        %dma_wait3A_1904 = arith.constant 0 : i32
        %dma_wait3A_1905 = tpu.memref_slice %arg2[%dma_wait3A_1903, %dma_wait3A_1904] : memref<32x1000000xf32, #tpu.memory_space<hbm>> -> memref<32x128xf32, #tpu.memory_space<hbm>>
        %dma_wait3A_1906 = arith.constant 0 : i32
        %dma_wait3A_1907 = arith.constant 0 : i32
        %dma_wait3A_1908 = tpu.memref_slice %arg2[%dma_wait3A_1906, %dma_wait3A_1907] : memref<32x1000000xf32, #tpu.memory_space<hbm>> -> memref<32x128xf32, #tpu.memory_space<hbm>>
        tpu.wait_dma2 semaphore(%arg33 : memref<!tpu.dma_semaphore, #tpu.memory_space<semaphore_mem>>) src(%dma_wait3A_1908 : memref<32x128xf32, #tpu.memory_space<hbm>>) dst(%arg17 : memref<32x128xf32, #tpu.memory_space<vmem>>)
        %dma_wait3A_1909 = arith.constant 0 : i32
        %dma_wait3A_1910 = arith.constant 0 : i32
        %dma_wait3A_1911 = tpu.memref_slice %arg3[%dma_wait3A_1909, %dma_wait3A_1910] : memref<32x1000000xf32, #tpu.memory_space<hbm>> -> memref<32x128xf32, #tpu.memory_space<hbm>>
        %dma_wait3A_1912 = arith.constant 0 : i32
        %dma_wait3A_1913 = arith.constant 0 : i32
        %dma_wait3A_1914 = tpu.memref_slice %arg3[%dma_wait3A_1912, %dma_wait3A_1913] : memref<32x1000000xf32, #tpu.memory_space<hbm>> -> memref<32x128xf32, #tpu.memory_space<hbm>>
        tpu.wait_dma2 semaphore(%arg41 : memref<!tpu.dma_semaphore, #tpu.memory_space<semaphore_mem>>) src(%dma_wait3A_1914 : memref<32x128xf32, #tpu.memory_space<hbm>>) dst(%arg25 : memref<32x128xf32, #tpu.memory_space<vmem>>)
        %broadcast_in_dim3A_1915 = arith.constant 0 : i32
        %broadcast_in_dim3A_1916 = vector.broadcast %broadcast_in_dim3A_1915 : i32 to vector<16xi32>
        %jit3A_1917 = arith.constant 128 : i32
        %eq3A_1918 = arith.constant 0 : i32
        %eq3A_1919 = arith.cmpi eq, %jit3A_1917, %eq3A_1918 : i32
        %jit3A_1920 = arith.constant 1 : i32
        %select_n3A_1921 = arith.select %eq3A_1919, %jit3A_1920, %jit3A_1917 : i32
        %rem3A_1922 = arith.remsi %squeeze3A_1894, %select_n3A_1921 : i32
        %ne3A_1923 = arith.constant 0 : i32
        %ne3A_1924 = arith.cmpi ne, %rem3A_1922, %ne3A_1923 : i32
        %lt3A_1925 = arith.constant 0 : i32
        %lt3A_1926 = arith.cmpi slt, %rem3A_1922, %lt3A_1925 : i32
        %lt3A_1927 = arith.constant 0 : i32
        %lt3A_1928 = arith.cmpi slt, %select_n3A_1921, %lt3A_1927 : i32
        %ne3A_1929 = arith.xori %lt3A_1926, %lt3A_1928 : i1
        %and3A_1930 = arith.andi %ne3A_1929, %ne3A_1924 : i1
        %add3A_1931 = arith.addi %rem3A_1922, %select_n3A_1921 : i32
        %select_n3A_1932 = arith.select %and3A_1930, %add3A_1931, %rem3A_1922 : i32
        %add3A_1933 = vector.broadcast %select_n3A_1932 : i32 to vector<16xi32>
        %add3A_1934 = arith.addi %broadcast_in_dim3A_1916, %add3A_1933 : vector<16xi32>
        %broadcast_in_dim3A_1935 = arith.constant 0 : i32
        %broadcast_in_dim3A_1936 = vector.broadcast %broadcast_in_dim3A_1935 : i32 to vector<16xi32>
        %jit3A_1937 = arith.constant 128 : i32
        %eq3A_1938 = arith.constant 0 : i32
        %eq3A_1939 = arith.cmpi eq, %jit3A_1937, %eq3A_1938 : i32
        %jit3A_1940 = arith.constant 1 : i32
        %select_n3A_1941 = arith.select %eq3A_1939, %jit3A_1940, %jit3A_1937 : i32
        %rem3A_1942 = arith.remsi %squeeze3A_1896, %select_n3A_1941 : i32
        %ne3A_1943 = arith.constant 0 : i32
        %ne3A_1944 = arith.cmpi ne, %rem3A_1942, %ne3A_1943 : i32
        %lt3A_1945 = arith.constant 0 : i32
        %lt3A_1946 = arith.cmpi slt, %rem3A_1942, %lt3A_1945 : i32
        %lt3A_1947 = arith.constant 0 : i32
        %lt3A_1948 = arith.cmpi slt, %select_n3A_1941, %lt3A_1947 : i32
        %ne3A_1949 = arith.xori %lt3A_1946, %lt3A_1948 : i1
        %and3A_1950 = arith.andi %ne3A_1949, %ne3A_1944 : i1
        %add3A_1951 = arith.addi %rem3A_1942, %select_n3A_1941 : i32
        %select_n3A_1952 = arith.select %and3A_1950, %add3A_1951, %rem3A_1942 : i32
        %add3A_1953 = vector.broadcast %select_n3A_1952 : i32 to vector<16xi32>
        %add3A_1954 = arith.addi %broadcast_in_dim3A_1936, %add3A_1953 : vector<16xi32>
        %broadcast_in_dim3A_1955 = arith.constant 0 : i32
        %broadcast_in_dim3A_1956 = vector.broadcast %broadcast_in_dim3A_1955 : i32 to vector<16xi32>
        %add3A_1957 = vector.broadcast %sub3A_1902 : i32 to vector<16xi32>
        %add3A_1958 = arith.addi %broadcast_in_dim3A_1956, %add3A_1957 : vector<16xi32>
        %gather3A_1959 = tpu.vector_load_idx %arg17[%iota3A, %add3A_1934] : memref<32x128xf32, #tpu.memory_space<vmem>>[vector<16xi32>, vector<16xi32>], vector<16xf32>,
        %gather3A_1960 = tpu.vector_load_idx %arg25[%iota3A, %add3A_1954] : memref<32x128xf32, #tpu.memory_space<vmem>>[vector<16xi32>, vector<16xi32>], vector<16xf32>,
        tpu.vector_store_idx %arg10[%iota3A, %add3A_1958], %gather3A_1959 : memref<32x512xf32, #tpu.memory_space<vmem>>[vector<16xi32>, vector<16xi32>], vector<16xf32>,
        tpu.vector_store_idx %arg11[%iota3A, %add3A_1958], %gather3A_1960 : memref<32x512xf32, #tpu.memory_space<vmem>>[vector<16xi32>, vector<16xi32>], vector<16xf32>,
        %gather3A_1961 = tpu.vector_load_idx %arg17[%add3A_5, %add3A_1934] : memref<32x128xf32, #tpu.memory_space<vmem>>[vector<16xi32>, vector<16xi32>], vector<16xf32>,
        %gather3A_1962 = tpu.vector_load_idx %arg25[%add3A_5, %add3A_1954] : memref<32x128xf32, #tpu.memory_space<vmem>>[vector<16xi32>, vector<16xi32>], vector<16xf32>,
        tpu.vector_store_idx %arg10[%add3A_5, %add3A_1958], %gather3A_1961 : memref<32x512xf32, #tpu.memory_space<vmem>>[vector<16xi32>, vector<16xi32>], vector<16xf32>,
        tpu.vector_store_idx %arg11[%add3A_5, %add3A_1958], %gather3A_1962 : memref<32x512xf32, #tpu.memory_space<vmem>>[vector<16xi32>, vector<16xi32>], vector<16xf32>,
      } else {
      }
      %slice3A_795 = vector.extract_strided_slice %get3A_526 {offsets = [5], sizes = [1], strides = [1]} : vector<16xi32> to vector<1xi32>
      %squeeze3A_796 = vector.extract %slice3A_795[0] : i32 from vector<1xi32>
      %slice3A_797 = vector.extract_strided_slice %get3A_530 {offsets = [5], sizes = [1], strides = [1]} : vector<16xi32> to vector<1xi32>
      %squeeze3A_798 = vector.extract %slice3A_797[0] : i32 from vector<1xi32>
      %jit3A_799 = arith.constant 128 : i32
      %eq3A_800 = arith.constant 0 : i32
      %eq3A_801 = arith.cmpi eq, %jit3A_799, %eq3A_800 : i32
      %jit3A_802 = arith.constant 1 : i32
      %select_n3A_803 = arith.select %eq3A_801, %jit3A_802, %jit3A_799 : i32
      %rem3A_804 = arith.remsi %squeeze3A_796, %select_n3A_803 : i32
      %ne3A_805 = arith.constant 0 : i32
      %ne3A_806 = arith.cmpi ne, %rem3A_804, %ne3A_805 : i32
      %lt3A_807 = arith.constant 0 : i32
      %lt3A_808 = arith.cmpi slt, %rem3A_804, %lt3A_807 : i32
      %lt3A_809 = arith.constant 0 : i32
      %lt3A_810 = arith.cmpi slt, %select_n3A_803, %lt3A_809 : i32
      %ne3A_811 = arith.xori %lt3A_808, %lt3A_810 : i1
      %and3A_812 = arith.andi %ne3A_811, %ne3A_806 : i1
      %add3A_813 = arith.addi %rem3A_804, %select_n3A_803 : i32
      %select_n3A_814 = arith.select %and3A_812, %add3A_813, %rem3A_804 : i32
      %sub3A_815 = arith.subi %squeeze3A_796, %select_n3A_814 : i32
      %multiple_of3A_816 = tpu.assume_multiple %sub3A_815, 128 : i32
      %jit3A_817 = arith.constant 128 : i32
      %eq3A_818 = arith.constant 0 : i32
      %eq3A_819 = arith.cmpi eq, %jit3A_817, %eq3A_818 : i32
      %jit3A_820 = arith.constant 1 : i32
      %select_n3A_821 = arith.select %eq3A_819, %jit3A_820, %jit3A_817 : i32
      %rem3A_822 = arith.remsi %squeeze3A_798, %select_n3A_821 : i32
      %ne3A_823 = arith.constant 0 : i32
      %ne3A_824 = arith.cmpi ne, %rem3A_822, %ne3A_823 : i32
      %lt3A_825 = arith.constant 0 : i32
      %lt3A_826 = arith.cmpi slt, %rem3A_822, %lt3A_825 : i32
      %lt3A_827 = arith.constant 0 : i32
      %lt3A_828 = arith.cmpi slt, %select_n3A_821, %lt3A_827 : i32
      %ne3A_829 = arith.xori %lt3A_826, %lt3A_828 : i1
      %and3A_830 = arith.andi %ne3A_829, %ne3A_824 : i1
      %add3A_831 = arith.addi %rem3A_822, %select_n3A_821 : i32
      %select_n3A_832 = arith.select %and3A_830, %add3A_831, %rem3A_822 : i32
      %sub3A_833 = arith.subi %squeeze3A_798, %select_n3A_832 : i32
      %multiple_of3A_834 = tpu.assume_multiple %sub3A_833, 128 : i32
      %dma_start3A_835 = arith.constant 0 : i32
      %dma_start3A_836 = tpu.memref_slice %arg2[%dma_start3A_835, %multiple_of3A_816] : memref<32x1000000xf32, #tpu.memory_space<hbm>> -> memref<32x128xf32, #tpu.memory_space<hbm>>
      %dma_start3A_837 = arith.constant 0 : i32
      %dma_start3A_838 = tpu.memref_slice %arg2[%dma_start3A_837, %multiple_of3A_816] : memref<32x1000000xf32, #tpu.memory_space<hbm>> -> memref<32x128xf32, #tpu.memory_space<hbm>>
      tpu.enqueue_dma source(%dma_start3A_838 : memref<32x128xf32, #tpu.memory_space<hbm>>) target(%arg17 : memref<32x128xf32, #tpu.memory_space<vmem>>) target_semaphore(%arg33 : memref<!tpu.dma_semaphore, #tpu.memory_space<semaphore_mem>>)
      %dma_start3A_839 = arith.constant 0 : i32
      %dma_start3A_840 = tpu.memref_slice %arg3[%dma_start3A_839, %multiple_of3A_834] : memref<32x1000000xf32, #tpu.memory_space<hbm>> -> memref<32x128xf32, #tpu.memory_space<hbm>>
      %dma_start3A_841 = arith.constant 0 : i32
      %dma_start3A_842 = tpu.memref_slice %arg3[%dma_start3A_841, %multiple_of3A_834] : memref<32x1000000xf32, #tpu.memory_space<hbm>> -> memref<32x128xf32, #tpu.memory_space<hbm>>
      tpu.enqueue_dma source(%dma_start3A_842 : memref<32x128xf32, #tpu.memory_space<hbm>>) target(%arg25 : memref<32x128xf32, #tpu.memory_space<vmem>>) target_semaphore(%arg41 : memref<!tpu.dma_semaphore, #tpu.memory_space<semaphore_mem>>)
      %ge3A_843 = arith.constant 1 : i32
      %ge3A_844 = arith.cmpi sge, %scan3A_521, %ge3A_843 : i32
      %convert_element_type3A_845 = arith.extui %ge3A_844 : i1 to i32
      %cond3A_846 = arith.constant 0 : i32
      %cond3A_847 = arith.cmpi ne, %convert_element_type3A_845, %cond3A_846 : i32
      scf.if %cond3A_847 {
        %slice3A_1893 = vector.extract_strided_slice %scan3A_522 {offsets = [14], sizes = [1], strides = [1]} : vector<16xi32> to vector<1xi32>
        %squeeze3A_1894 = vector.extract %slice3A_1893[0] : i32 from vector<1xi32>
        %slice3A_1895 = vector.extract_strided_slice %scan3A_523 {offsets = [14], sizes = [1], strides = [1]} : vector<16xi32> to vector<1xi32>
        %squeeze3A_1896 = vector.extract %slice3A_1895[0] : i32 from vector<1xi32>
        %mul3A_1897 = arith.constant 16 : i32
        %mul3A_1898 = arith.muli %scan3A_521, %mul3A_1897 : i32
        %add3A_1899 = arith.constant 6 : i32
        %add3A_1900 = arith.addi %mul3A_1898, %add3A_1899 : i32
        %sub3A_1901 = arith.constant 8 : i32
        %sub3A_1902 = arith.subi %add3A_1900, %sub3A_1901 : i32
        %dma_wait3A_1903 = arith.constant 0 : i32
        %dma_wait3A_1904 = arith.constant 0 : i32
        %dma_wait3A_1905 = tpu.memref_slice %arg2[%dma_wait3A_1903, %dma_wait3A_1904] : memref<32x1000000xf32, #tpu.memory_space<hbm>> -> memref<32x128xf32, #tpu.memory_space<hbm>>
        %dma_wait3A_1906 = arith.constant 0 : i32
        %dma_wait3A_1907 = arith.constant 0 : i32
        %dma_wait3A_1908 = tpu.memref_slice %arg2[%dma_wait3A_1906, %dma_wait3A_1907] : memref<32x1000000xf32, #tpu.memory_space<hbm>> -> memref<32x128xf32, #tpu.memory_space<hbm>>
        tpu.wait_dma2 semaphore(%arg34 : memref<!tpu.dma_semaphore, #tpu.memory_space<semaphore_mem>>) src(%dma_wait3A_1908 : memref<32x128xf32, #tpu.memory_space<hbm>>) dst(%arg18 : memref<32x128xf32, #tpu.memory_space<vmem>>)
        %dma_wait3A_1909 = arith.constant 0 : i32
        %dma_wait3A_1910 = arith.constant 0 : i32
        %dma_wait3A_1911 = tpu.memref_slice %arg3[%dma_wait3A_1909, %dma_wait3A_1910] : memref<32x1000000xf32, #tpu.memory_space<hbm>> -> memref<32x128xf32, #tpu.memory_space<hbm>>
        %dma_wait3A_1912 = arith.constant 0 : i32
        %dma_wait3A_1913 = arith.constant 0 : i32
        %dma_wait3A_1914 = tpu.memref_slice %arg3[%dma_wait3A_1912, %dma_wait3A_1913] : memref<32x1000000xf32, #tpu.memory_space<hbm>> -> memref<32x128xf32, #tpu.memory_space<hbm>>
        tpu.wait_dma2 semaphore(%arg42 : memref<!tpu.dma_semaphore, #tpu.memory_space<semaphore_mem>>) src(%dma_wait3A_1914 : memref<32x128xf32, #tpu.memory_space<hbm>>) dst(%arg26 : memref<32x128xf32, #tpu.memory_space<vmem>>)
        %broadcast_in_dim3A_1915 = arith.constant 0 : i32
        %broadcast_in_dim3A_1916 = vector.broadcast %broadcast_in_dim3A_1915 : i32 to vector<16xi32>
        %jit3A_1917 = arith.constant 128 : i32
        %eq3A_1918 = arith.constant 0 : i32
        %eq3A_1919 = arith.cmpi eq, %jit3A_1917, %eq3A_1918 : i32
        %jit3A_1920 = arith.constant 1 : i32
        %select_n3A_1921 = arith.select %eq3A_1919, %jit3A_1920, %jit3A_1917 : i32
        %rem3A_1922 = arith.remsi %squeeze3A_1894, %select_n3A_1921 : i32
        %ne3A_1923 = arith.constant 0 : i32
        %ne3A_1924 = arith.cmpi ne, %rem3A_1922, %ne3A_1923 : i32
        %lt3A_1925 = arith.constant 0 : i32
        %lt3A_1926 = arith.cmpi slt, %rem3A_1922, %lt3A_1925 : i32
        %lt3A_1927 = arith.constant 0 : i32
        %lt3A_1928 = arith.cmpi slt, %select_n3A_1921, %lt3A_1927 : i32
        %ne3A_1929 = arith.xori %lt3A_1926, %lt3A_1928 : i1
        %and3A_1930 = arith.andi %ne3A_1929, %ne3A_1924 : i1
        %add3A_1931 = arith.addi %rem3A_1922, %select_n3A_1921 : i32
        %select_n3A_1932 = arith.select %and3A_1930, %add3A_1931, %rem3A_1922 : i32
        %add3A_1933 = vector.broadcast %select_n3A_1932 : i32 to vector<16xi32>
        %add3A_1934 = arith.addi %broadcast_in_dim3A_1916, %add3A_1933 : vector<16xi32>
        %broadcast_in_dim3A_1935 = arith.constant 0 : i32
        %broadcast_in_dim3A_1936 = vector.broadcast %broadcast_in_dim3A_1935 : i32 to vector<16xi32>
        %jit3A_1937 = arith.constant 128 : i32
        %eq3A_1938 = arith.constant 0 : i32
        %eq3A_1939 = arith.cmpi eq, %jit3A_1937, %eq3A_1938 : i32
        %jit3A_1940 = arith.constant 1 : i32
        %select_n3A_1941 = arith.select %eq3A_1939, %jit3A_1940, %jit3A_1937 : i32
        %rem3A_1942 = arith.remsi %squeeze3A_1896, %select_n3A_1941 : i32
        %ne3A_1943 = arith.constant 0 : i32
        %ne3A_1944 = arith.cmpi ne, %rem3A_1942, %ne3A_1943 : i32
        %lt3A_1945 = arith.constant 0 : i32
        %lt3A_1946 = arith.cmpi slt, %rem3A_1942, %lt3A_1945 : i32
        %lt3A_1947 = arith.constant 0 : i32
        %lt3A_1948 = arith.cmpi slt, %select_n3A_1941, %lt3A_1947 : i32
        %ne3A_1949 = arith.xori %lt3A_1946, %lt3A_1948 : i1
        %and3A_1950 = arith.andi %ne3A_1949, %ne3A_1944 : i1
        %add3A_1951 = arith.addi %rem3A_1942, %select_n3A_1941 : i32
        %select_n3A_1952 = arith.select %and3A_1950, %add3A_1951, %rem3A_1942 : i32
        %add3A_1953 = vector.broadcast %select_n3A_1952 : i32 to vector<16xi32>
        %add3A_1954 = arith.addi %broadcast_in_dim3A_1936, %add3A_1953 : vector<16xi32>
        %broadcast_in_dim3A_1955 = arith.constant 0 : i32
        %broadcast_in_dim3A_1956 = vector.broadcast %broadcast_in_dim3A_1955 : i32 to vector<16xi32>
        %add3A_1957 = vector.broadcast %sub3A_1902 : i32 to vector<16xi32>
        %add3A_1958 = arith.addi %broadcast_in_dim3A_1956, %add3A_1957 : vector<16xi32>
        %gather3A_1959 = tpu.vector_load_idx %arg18[%iota3A, %add3A_1934] : memref<32x128xf32, #tpu.memory_space<vmem>>[vector<16xi32>, vector<16xi32>], vector<16xf32>,
        %gather3A_1960 = tpu.vector_load_idx %arg26[%iota3A, %add3A_1954] : memref<32x128xf32, #tpu.memory_space<vmem>>[vector<16xi32>, vector<16xi32>], vector<16xf32>,
        tpu.vector_store_idx %arg10[%iota3A, %add3A_1958], %gather3A_1959 : memref<32x512xf32, #tpu.memory_space<vmem>>[vector<16xi32>, vector<16xi32>], vector<16xf32>,
        tpu.vector_store_idx %arg11[%iota3A, %add3A_1958], %gather3A_1960 : memref<32x512xf32, #tpu.memory_space<vmem>>[vector<16xi32>, vector<16xi32>], vector<16xf32>,
        %gather3A_1961 = tpu.vector_load_idx %arg18[%add3A_5, %add3A_1934] : memref<32x128xf32, #tpu.memory_space<vmem>>[vector<16xi32>, vector<16xi32>], vector<16xf32>,
        %gather3A_1962 = tpu.vector_load_idx %arg26[%add3A_5, %add3A_1954] : memref<32x128xf32, #tpu.memory_space<vmem>>[vector<16xi32>, vector<16xi32>], vector<16xf32>,
        tpu.vector_store_idx %arg10[%add3A_5, %add3A_1958], %gather3A_1961 : memref<32x512xf32, #tpu.memory_space<vmem>>[vector<16xi32>, vector<16xi32>], vector<16xf32>,
        tpu.vector_store_idx %arg11[%add3A_5, %add3A_1958], %gather3A_1962 : memref<32x512xf32, #tpu.memory_space<vmem>>[vector<16xi32>, vector<16xi32>], vector<16xf32>,
      } else {
      }
      %slice3A_848 = vector.extract_strided_slice %get3A_526 {offsets = [6], sizes = [1], strides = [1]} : vector<16xi32> to vector<1xi32>
      %squeeze3A_849 = vector.extract %slice3A_848[0] : i32 from vector<1xi32>
      %slice3A_850 = vector.extract_strided_slice %get3A_530 {offsets = [6], sizes = [1], strides = [1]} : vector<16xi32> to vector<1xi32>
      %squeeze3A_851 = vector.extract %slice3A_850[0] : i32 from vector<1xi32>
      %jit3A_852 = arith.constant 128 : i32
      %eq3A_853 = arith.constant 0 : i32
      %eq3A_854 = arith.cmpi eq, %jit3A_852, %eq3A_853 : i32
      %jit3A_855 = arith.constant 1 : i32
      %select_n3A_856 = arith.select %eq3A_854, %jit3A_855, %jit3A_852 : i32
      %rem3A_857 = arith.remsi %squeeze3A_849, %select_n3A_856 : i32
      %ne3A_858 = arith.constant 0 : i32
      %ne3A_859 = arith.cmpi ne, %rem3A_857, %ne3A_858 : i32
      %lt3A_860 = arith.constant 0 : i32
      %lt3A_861 = arith.cmpi slt, %rem3A_857, %lt3A_860 : i32
      %lt3A_862 = arith.constant 0 : i32
      %lt3A_863 = arith.cmpi slt, %select_n3A_856, %lt3A_862 : i32
      %ne3A_864 = arith.xori %lt3A_861, %lt3A_863 : i1
      %and3A_865 = arith.andi %ne3A_864, %ne3A_859 : i1
      %add3A_866 = arith.addi %rem3A_857, %select_n3A_856 : i32
      %select_n3A_867 = arith.select %and3A_865, %add3A_866, %rem3A_857 : i32
      %sub3A_868 = arith.subi %squeeze3A_849, %select_n3A_867 : i32
      %multiple_of3A_869 = tpu.assume_multiple %sub3A_868, 128 : i32
      %jit3A_870 = arith.constant 128 : i32
      %eq3A_871 = arith.constant 0 : i32
      %eq3A_872 = arith.cmpi eq, %jit3A_870, %eq3A_871 : i32
      %jit3A_873 = arith.constant 1 : i32
      %select_n3A_874 = arith.select %eq3A_872, %jit3A_873, %jit3A_870 : i32
      %rem3A_875 = arith.remsi %squeeze3A_851, %select_n3A_874 : i32
      %ne3A_876 = arith.constant 0 : i32
      %ne3A_877 = arith.cmpi ne, %rem3A_875, %ne3A_876 : i32
      %lt3A_878 = arith.constant 0 : i32
      %lt3A_879 = arith.cmpi slt, %rem3A_875, %lt3A_878 : i32
      %lt3A_880 = arith.constant 0 : i32
      %lt3A_881 = arith.cmpi slt, %select_n3A_874, %lt3A_880 : i32
      %ne3A_882 = arith.xori %lt3A_879, %lt3A_881 : i1
      %and3A_883 = arith.andi %ne3A_882, %ne3A_877 : i1
      %add3A_884 = arith.addi %rem3A_875, %select_n3A_874 : i32
      %select_n3A_885 = arith.select %and3A_883, %add3A_884, %rem3A_875 : i32
      %sub3A_886 = arith.subi %squeeze3A_851, %select_n3A_885 : i32
      %multiple_of3A_887 = tpu.assume_multiple %sub3A_886, 128 : i32
      %dma_start3A_888 = arith.constant 0 : i32
      %dma_start3A_889 = tpu.memref_slice %arg2[%dma_start3A_888, %multiple_of3A_869] : memref<32x1000000xf32, #tpu.memory_space<hbm>> -> memref<32x128xf32, #tpu.memory_space<hbm>>
      %dma_start3A_890 = arith.constant 0 : i32
      %dma_start3A_891 = tpu.memref_slice %arg2[%dma_start3A_890, %multiple_of3A_869] : memref<32x1000000xf32, #tpu.memory_space<hbm>> -> memref<32x128xf32, #tpu.memory_space<hbm>>
      tpu.enqueue_dma source(%dma_start3A_891 : memref<32x128xf32, #tpu.memory_space<hbm>>) target(%arg18 : memref<32x128xf32, #tpu.memory_space<vmem>>) target_semaphore(%arg34 : memref<!tpu.dma_semaphore, #tpu.memory_space<semaphore_mem>>)
      %dma_start3A_892 = arith.constant 0 : i32
      %dma_start3A_893 = tpu.memref_slice %arg3[%dma_start3A_892, %multiple_of3A_887] : memref<32x1000000xf32, #tpu.memory_space<hbm>> -> memref<32x128xf32, #tpu.memory_space<hbm>>
      %dma_start3A_894 = arith.constant 0 : i32
      %dma_start3A_895 = tpu.memref_slice %arg3[%dma_start3A_894, %multiple_of3A_887] : memref<32x1000000xf32, #tpu.memory_space<hbm>> -> memref<32x128xf32, #tpu.memory_space<hbm>>
      tpu.enqueue_dma source(%dma_start3A_895 : memref<32x128xf32, #tpu.memory_space<hbm>>) target(%arg26 : memref<32x128xf32, #tpu.memory_space<vmem>>) target_semaphore(%arg42 : memref<!tpu.dma_semaphore, #tpu.memory_space<semaphore_mem>>)
      %ge3A_896 = arith.constant 1 : i32
      %ge3A_897 = arith.cmpi sge, %scan3A_521, %ge3A_896 : i32
      %convert_element_type3A_898 = arith.extui %ge3A_897 : i1 to i32
      %cond3A_899 = arith.constant 0 : i32
      %cond3A_900 = arith.cmpi ne, %convert_element_type3A_898, %cond3A_899 : i32
      scf.if %cond3A_900 {
        %slice3A_1893 = vector.extract_strided_slice %scan3A_522 {offsets = [15], sizes = [1], strides = [1]} : vector<16xi32> to vector<1xi32>
        %squeeze3A_1894 = vector.extract %slice3A_1893[0] : i32 from vector<1xi32>
        %slice3A_1895 = vector.extract_strided_slice %scan3A_523 {offsets = [15], sizes = [1], strides = [1]} : vector<16xi32> to vector<1xi32>
        %squeeze3A_1896 = vector.extract %slice3A_1895[0] : i32 from vector<1xi32>
        %mul3A_1897 = arith.constant 16 : i32
        %mul3A_1898 = arith.muli %scan3A_521, %mul3A_1897 : i32
        %add3A_1899 = arith.constant 7 : i32
        %add3A_1900 = arith.addi %mul3A_1898, %add3A_1899 : i32
        %sub3A_1901 = arith.constant 8 : i32
        %sub3A_1902 = arith.subi %add3A_1900, %sub3A_1901 : i32
        %dma_wait3A_1903 = arith.constant 0 : i32
        %dma_wait3A_1904 = arith.constant 0 : i32
        %dma_wait3A_1905 = tpu.memref_slice %arg2[%dma_wait3A_1903, %dma_wait3A_1904] : memref<32x1000000xf32, #tpu.memory_space<hbm>> -> memref<32x128xf32, #tpu.memory_space<hbm>>
        %dma_wait3A_1906 = arith.constant 0 : i32
        %dma_wait3A_1907 = arith.constant 0 : i32
        %dma_wait3A_1908 = tpu.memref_slice %arg2[%dma_wait3A_1906, %dma_wait3A_1907] : memref<32x1000000xf32, #tpu.memory_space<hbm>> -> memref<32x128xf32, #tpu.memory_space<hbm>>
        tpu.wait_dma2 semaphore(%arg35 : memref<!tpu.dma_semaphore, #tpu.memory_space<semaphore_mem>>) src(%dma_wait3A_1908 : memref<32x128xf32, #tpu.memory_space<hbm>>) dst(%arg19 : memref<32x128xf32, #tpu.memory_space<vmem>>)
        %dma_wait3A_1909 = arith.constant 0 : i32
        %dma_wait3A_1910 = arith.constant 0 : i32
        %dma_wait3A_1911 = tpu.memref_slice %arg3[%dma_wait3A_1909, %dma_wait3A_1910] : memref<32x1000000xf32, #tpu.memory_space<hbm>> -> memref<32x128xf32, #tpu.memory_space<hbm>>
        %dma_wait3A_1912 = arith.constant 0 : i32
        %dma_wait3A_1913 = arith.constant 0 : i32
        %dma_wait3A_1914 = tpu.memref_slice %arg3[%dma_wait3A_1912, %dma_wait3A_1913] : memref<32x1000000xf32, #tpu.memory_space<hbm>> -> memref<32x128xf32, #tpu.memory_space<hbm>>
        tpu.wait_dma2 semaphore(%arg43 : memref<!tpu.dma_semaphore, #tpu.memory_space<semaphore_mem>>) src(%dma_wait3A_1914 : memref<32x128xf32, #tpu.memory_space<hbm>>) dst(%arg27 : memref<32x128xf32, #tpu.memory_space<vmem>>)
        %broadcast_in_dim3A_1915 = arith.constant 0 : i32
        %broadcast_in_dim3A_1916 = vector.broadcast %broadcast_in_dim3A_1915 : i32 to vector<16xi32>
        %jit3A_1917 = arith.constant 128 : i32
        %eq3A_1918 = arith.constant 0 : i32
        %eq3A_1919 = arith.cmpi eq, %jit3A_1917, %eq3A_1918 : i32
        %jit3A_1920 = arith.constant 1 : i32
        %select_n3A_1921 = arith.select %eq3A_1919, %jit3A_1920, %jit3A_1917 : i32
        %rem3A_1922 = arith.remsi %squeeze3A_1894, %select_n3A_1921 : i32
        %ne3A_1923 = arith.constant 0 : i32
        %ne3A_1924 = arith.cmpi ne, %rem3A_1922, %ne3A_1923 : i32
        %lt3A_1925 = arith.constant 0 : i32
        %lt3A_1926 = arith.cmpi slt, %rem3A_1922, %lt3A_1925 : i32
        %lt3A_1927 = arith.constant 0 : i32
        %lt3A_1928 = arith.cmpi slt, %select_n3A_1921, %lt3A_1927 : i32
        %ne3A_1929 = arith.xori %lt3A_1926, %lt3A_1928 : i1
        %and3A_1930 = arith.andi %ne3A_1929, %ne3A_1924 : i1
        %add3A_1931 = arith.addi %rem3A_1922, %select_n3A_1921 : i32
        %select_n3A_1932 = arith.select %and3A_1930, %add3A_1931, %rem3A_1922 : i32
        %add3A_1933 = vector.broadcast %select_n3A_1932 : i32 to vector<16xi32>
        %add3A_1934 = arith.addi %broadcast_in_dim3A_1916, %add3A_1933 : vector<16xi32>
        %broadcast_in_dim3A_1935 = arith.constant 0 : i32
        %broadcast_in_dim3A_1936 = vector.broadcast %broadcast_in_dim3A_1935 : i32 to vector<16xi32>
        %jit3A_1937 = arith.constant 128 : i32
        %eq3A_1938 = arith.constant 0 : i32
        %eq3A_1939 = arith.cmpi eq, %jit3A_1937, %eq3A_1938 : i32
        %jit3A_1940 = arith.constant 1 : i32
        %select_n3A_1941 = arith.select %eq3A_1939, %jit3A_1940, %jit3A_1937 : i32
        %rem3A_1942 = arith.remsi %squeeze3A_1896, %select_n3A_1941 : i32
        %ne3A_1943 = arith.constant 0 : i32
        %ne3A_1944 = arith.cmpi ne, %rem3A_1942, %ne3A_1943 : i32
        %lt3A_1945 = arith.constant 0 : i32
        %lt3A_1946 = arith.cmpi slt, %rem3A_1942, %lt3A_1945 : i32
        %lt3A_1947 = arith.constant 0 : i32
        %lt3A_1948 = arith.cmpi slt, %select_n3A_1941, %lt3A_1947 : i32
        %ne3A_1949 = arith.xori %lt3A_1946, %lt3A_1948 : i1
        %and3A_1950 = arith.andi %ne3A_1949, %ne3A_1944 : i1
        %add3A_1951 = arith.addi %rem3A_1942, %select_n3A_1941 : i32
        %select_n3A_1952 = arith.select %and3A_1950, %add3A_1951, %rem3A_1942 : i32
        %add3A_1953 = vector.broadcast %select_n3A_1952 : i32 to vector<16xi32>
        %add3A_1954 = arith.addi %broadcast_in_dim3A_1936, %add3A_1953 : vector<16xi32>
        %broadcast_in_dim3A_1955 = arith.constant 0 : i32
        %broadcast_in_dim3A_1956 = vector.broadcast %broadcast_in_dim3A_1955 : i32 to vector<16xi32>
        %add3A_1957 = vector.broadcast %sub3A_1902 : i32 to vector<16xi32>
        %add3A_1958 = arith.addi %broadcast_in_dim3A_1956, %add3A_1957 : vector<16xi32>
        %gather3A_1959 = tpu.vector_load_idx %arg19[%iota3A, %add3A_1934] : memref<32x128xf32, #tpu.memory_space<vmem>>[vector<16xi32>, vector<16xi32>], vector<16xf32>,
        %gather3A_1960 = tpu.vector_load_idx %arg27[%iota3A, %add3A_1954] : memref<32x128xf32, #tpu.memory_space<vmem>>[vector<16xi32>, vector<16xi32>], vector<16xf32>,
        tpu.vector_store_idx %arg10[%iota3A, %add3A_1958], %gather3A_1959 : memref<32x512xf32, #tpu.memory_space<vmem>>[vector<16xi32>, vector<16xi32>], vector<16xf32>,
        tpu.vector_store_idx %arg11[%iota3A, %add3A_1958], %gather3A_1960 : memref<32x512xf32, #tpu.memory_space<vmem>>[vector<16xi32>, vector<16xi32>], vector<16xf32>,
        %gather3A_1961 = tpu.vector_load_idx %arg19[%add3A_5, %add3A_1934] : memref<32x128xf32, #tpu.memory_space<vmem>>[vector<16xi32>, vector<16xi32>], vector<16xf32>,
        %gather3A_1962 = tpu.vector_load_idx %arg27[%add3A_5, %add3A_1954] : memref<32x128xf32, #tpu.memory_space<vmem>>[vector<16xi32>, vector<16xi32>], vector<16xf32>,
        tpu.vector_store_idx %arg10[%add3A_5, %add3A_1958], %gather3A_1961 : memref<32x512xf32, #tpu.memory_space<vmem>>[vector<16xi32>, vector<16xi32>], vector<16xf32>,
        tpu.vector_store_idx %arg11[%add3A_5, %add3A_1958], %gather3A_1962 : memref<32x512xf32, #tpu.memory_space<vmem>>[vector<16xi32>, vector<16xi32>], vector<16xf32>,
      } else {
      }
      %slice3A_901 = vector.extract_strided_slice %get3A_526 {offsets = [7], sizes = [1], strides = [1]} : vector<16xi32> to vector<1xi32>
      %squeeze3A_902 = vector.extract %slice3A_901[0] : i32 from vector<1xi32>
      %slice3A_903 = vector.extract_strided_slice %get3A_530 {offsets = [7], sizes = [1], strides = [1]} : vector<16xi32> to vector<1xi32>
      %squeeze3A_904 = vector.extract %slice3A_903[0] : i32 from vector<1xi32>
      %jit3A_905 = arith.constant 128 : i32
      %eq3A_906 = arith.constant 0 : i32
      %eq3A_907 = arith.cmpi eq, %jit3A_905, %eq3A_906 : i32
      %jit3A_908 = arith.constant 1 : i32
      %select_n3A_909 = arith.select %eq3A_907, %jit3A_908, %jit3A_905 : i32
      %rem3A_910 = arith.remsi %squeeze3A_902, %select_n3A_909 : i32
      %ne3A_911 = arith.constant 0 : i32
      %ne3A_912 = arith.cmpi ne, %rem3A_910, %ne3A_911 : i32
      %lt3A_913 = arith.constant 0 : i32
      %lt3A_914 = arith.cmpi slt, %rem3A_910, %lt3A_913 : i32
      %lt3A_915 = arith.constant 0 : i32
      %lt3A_916 = arith.cmpi slt, %select_n3A_909, %lt3A_915 : i32
      %ne3A_917 = arith.xori %lt3A_914, %lt3A_916 : i1
      %and3A_918 = arith.andi %ne3A_917, %ne3A_912 : i1
      %add3A_919 = arith.addi %rem3A_910, %select_n3A_909 : i32
      %select_n3A_920 = arith.select %and3A_918, %add3A_919, %rem3A_910 : i32
      %sub3A_921 = arith.subi %squeeze3A_902, %select_n3A_920 : i32
      %multiple_of3A_922 = tpu.assume_multiple %sub3A_921, 128 : i32
      %jit3A_923 = arith.constant 128 : i32
      %eq3A_924 = arith.constant 0 : i32
      %eq3A_925 = arith.cmpi eq, %jit3A_923, %eq3A_924 : i32
      %jit3A_926 = arith.constant 1 : i32
      %select_n3A_927 = arith.select %eq3A_925, %jit3A_926, %jit3A_923 : i32
      %rem3A_928 = arith.remsi %squeeze3A_904, %select_n3A_927 : i32
      %ne3A_929 = arith.constant 0 : i32
      %ne3A_930 = arith.cmpi ne, %rem3A_928, %ne3A_929 : i32
      %lt3A_931 = arith.constant 0 : i32
      %lt3A_932 = arith.cmpi slt, %rem3A_928, %lt3A_931 : i32
      %lt3A_933 = arith.constant 0 : i32
      %lt3A_934 = arith.cmpi slt, %select_n3A_927, %lt3A_933 : i32
      %ne3A_935 = arith.xori %lt3A_932, %lt3A_934 : i1
      %and3A_936 = arith.andi %ne3A_935, %ne3A_930 : i1
      %add3A_937 = arith.addi %rem3A_928, %select_n3A_927 : i32
      %select_n3A_938 = arith.select %and3A_936, %add3A_937, %rem3A_928 : i32
      %sub3A_939 = arith.subi %squeeze3A_904, %select_n3A_938 : i32
      %multiple_of3A_940 = tpu.assume_multiple %sub3A_939, 128 : i32
      %dma_start3A_941 = arith.constant 0 : i32
      %dma_start3A_942 = tpu.memref_slice %arg2[%dma_start3A_941, %multiple_of3A_922] : memref<32x1000000xf32, #tpu.memory_space<hbm>> -> memref<32x128xf32, #tpu.memory_space<hbm>>
      %dma_start3A_943 = arith.constant 0 : i32
      %dma_start3A_944 = tpu.memref_slice %arg2[%dma_start3A_943, %multiple_of3A_922] : memref<32x1000000xf32, #tpu.memory_space<hbm>> -> memref<32x128xf32, #tpu.memory_space<hbm>>
      tpu.enqueue_dma source(%dma_start3A_944 : memref<32x128xf32, #tpu.memory_space<hbm>>) target(%arg19 : memref<32x128xf32, #tpu.memory_space<vmem>>) target_semaphore(%arg35 : memref<!tpu.dma_semaphore, #tpu.memory_space<semaphore_mem>>)
      %dma_start3A_945 = arith.constant 0 : i32
      %dma_start3A_946 = tpu.memref_slice %arg3[%dma_start3A_945, %multiple_of3A_940] : memref<32x1000000xf32, #tpu.memory_space<hbm>> -> memref<32x128xf32, #tpu.memory_space<hbm>>
      %dma_start3A_947 = arith.constant 0 : i32
      %dma_start3A_948 = tpu.memref_slice %arg3[%dma_start3A_947, %multiple_of3A_940] : memref<32x1000000xf32, #tpu.memory_space<hbm>> -> memref<32x128xf32, #tpu.memory_space<hbm>>
      tpu.enqueue_dma source(%dma_start3A_948 : memref<32x128xf32, #tpu.memory_space<hbm>>) target(%arg27 : memref<32x128xf32, #tpu.memory_space<vmem>>) target_semaphore(%arg43 : memref<!tpu.dma_semaphore, #tpu.memory_space<semaphore_mem>>)
      %slice3A_949 = vector.extract_strided_slice %get3A_526 {offsets = [0], sizes = [1], strides = [1]} : vector<16xi32> to vector<1xi32>
      %squeeze3A_950 = vector.extract %slice3A_949[0] : i32 from vector<1xi32>
      %slice3A_951 = vector.extract_strided_slice %get3A_530 {offsets = [0], sizes = [1], strides = [1]} : vector<16xi32> to vector<1xi32>
      %squeeze3A_952 = vector.extract %slice3A_951[0] : i32 from vector<1xi32>
      %mul3A_953 = arith.constant 16 : i32
      %mul3A_954 = arith.muli %scan3A_521, %mul3A_953 : i32
      %add3A_955 = arith.constant 8 : i32
      %add3A_956 = arith.addi %mul3A_954, %add3A_955 : i32
      %sub3A_957 = arith.constant 8 : i32
      %sub3A_958 = arith.subi %add3A_956, %sub3A_957 : i32
      %dma_wait3A_959 = arith.constant 0 : i32
      %dma_wait3A_960 = arith.constant 0 : i32
      %dma_wait3A_961 = tpu.memref_slice %arg2[%dma_wait3A_959, %dma_wait3A_960] : memref<32x1000000xf32, #tpu.memory_space<hbm>> -> memref<32x128xf32, #tpu.memory_space<hbm>>
      %dma_wait3A_962 = arith.constant 0 : i32
      %dma_wait3A_963 = arith.constant 0 : i32
      %dma_wait3A_964 = tpu.memref_slice %arg2[%dma_wait3A_962, %dma_wait3A_963] : memref<32x1000000xf32, #tpu.memory_space<hbm>> -> memref<32x128xf32, #tpu.memory_space<hbm>>
      tpu.wait_dma2 semaphore(%arg28 : memref<!tpu.dma_semaphore, #tpu.memory_space<semaphore_mem>>) src(%dma_wait3A_964 : memref<32x128xf32, #tpu.memory_space<hbm>>) dst(%arg12 : memref<32x128xf32, #tpu.memory_space<vmem>>)
      %dma_wait3A_965 = arith.constant 0 : i32
      %dma_wait3A_966 = arith.constant 0 : i32
      %dma_wait3A_967 = tpu.memref_slice %arg3[%dma_wait3A_965, %dma_wait3A_966] : memref<32x1000000xf32, #tpu.memory_space<hbm>> -> memref<32x128xf32, #tpu.memory_space<hbm>>
      %dma_wait3A_968 = arith.constant 0 : i32
      %dma_wait3A_969 = arith.constant 0 : i32
      %dma_wait3A_970 = tpu.memref_slice %arg3[%dma_wait3A_968, %dma_wait3A_969] : memref<32x1000000xf32, #tpu.memory_space<hbm>> -> memref<32x128xf32, #tpu.memory_space<hbm>>
      tpu.wait_dma2 semaphore(%arg36 : memref<!tpu.dma_semaphore, #tpu.memory_space<semaphore_mem>>) src(%dma_wait3A_970 : memref<32x128xf32, #tpu.memory_space<hbm>>) dst(%arg20 : memref<32x128xf32, #tpu.memory_space<vmem>>)
      %broadcast_in_dim3A_971 = arith.constant 0 : i32
      %broadcast_in_dim3A_972 = vector.broadcast %broadcast_in_dim3A_971 : i32 to vector<16xi32>
      %jit3A_973 = arith.constant 128 : i32
      %eq3A_974 = arith.constant 0 : i32
      %eq3A_975 = arith.cmpi eq, %jit3A_973, %eq3A_974 : i32
      %jit3A_976 = arith.constant 1 : i32
      %select_n3A_977 = arith.select %eq3A_975, %jit3A_976, %jit3A_973 : i32
      %rem3A_978 = arith.remsi %squeeze3A_950, %select_n3A_977 : i32
      %ne3A_979 = arith.constant 0 : i32
      %ne3A_980 = arith.cmpi ne, %rem3A_978, %ne3A_979 : i32
      %lt3A_981 = arith.constant 0 : i32
      %lt3A_982 = arith.cmpi slt, %rem3A_978, %lt3A_981 : i32
      %lt3A_983 = arith.constant 0 : i32
      %lt3A_984 = arith.cmpi slt, %select_n3A_977, %lt3A_983 : i32
      %ne3A_985 = arith.xori %lt3A_982, %lt3A_984 : i1
      %and3A_986 = arith.andi %ne3A_985, %ne3A_980 : i1
      %add3A_987 = arith.addi %rem3A_978, %select_n3A_977 : i32
      %select_n3A_988 = arith.select %and3A_986, %add3A_987, %rem3A_978 : i32
      %add3A_989 = vector.broadcast %select_n3A_988 : i32 to vector<16xi32>
      %add3A_990 = arith.addi %broadcast_in_dim3A_972, %add3A_989 : vector<16xi32>
      %broadcast_in_dim3A_991 = arith.constant 0 : i32
      %broadcast_in_dim3A_992 = vector.broadcast %broadcast_in_dim3A_991 : i32 to vector<16xi32>
      %jit3A_993 = arith.constant 128 : i32
      %eq3A_994 = arith.constant 0 : i32
      %eq3A_995 = arith.cmpi eq, %jit3A_993, %eq3A_994 : i32
      %jit3A_996 = arith.constant 1 : i32
      %select_n3A_997 = arith.select %eq3A_995, %jit3A_996, %jit3A_993 : i32
      %rem3A_998 = arith.remsi %squeeze3A_952, %select_n3A_997 : i32
      %ne3A_999 = arith.constant 0 : i32
      %ne3A_1000 = arith.cmpi ne, %rem3A_998, %ne3A_999 : i32
      %lt3A_1001 = arith.constant 0 : i32
      %lt3A_1002 = arith.cmpi slt, %rem3A_998, %lt3A_1001 : i32
      %lt3A_1003 = arith.constant 0 : i32
      %lt3A_1004 = arith.cmpi slt, %select_n3A_997, %lt3A_1003 : i32
      %ne3A_1005 = arith.xori %lt3A_1002, %lt3A_1004 : i1
      %and3A_1006 = arith.andi %ne3A_1005, %ne3A_1000 : i1
      %add3A_1007 = arith.addi %rem3A_998, %select_n3A_997 : i32
      %select_n3A_1008 = arith.select %and3A_1006, %add3A_1007, %rem3A_998 : i32
      %add3A_1009 = vector.broadcast %select_n3A_1008 : i32 to vector<16xi32>
      %add3A_1010 = arith.addi %broadcast_in_dim3A_992, %add3A_1009 : vector<16xi32>
      %broadcast_in_dim3A_1011 = arith.constant 0 : i32
      %broadcast_in_dim3A_1012 = vector.broadcast %broadcast_in_dim3A_1011 : i32 to vector<16xi32>
      %add3A_1013 = vector.broadcast %sub3A_958 : i32 to vector<16xi32>
      %add3A_1014 = arith.addi %broadcast_in_dim3A_1012, %add3A_1013 : vector<16xi32>
      %gather3A_1015 = tpu.vector_load_idx %arg12[%iota3A, %add3A_990] : memref<32x128xf32, #tpu.memory_space<vmem>>[vector<16xi32>, vector<16xi32>], vector<16xf32>,
      %gather3A_1016 = tpu.vector_load_idx %arg20[%iota3A, %add3A_1010] : memref<32x128xf32, #tpu.memory_space<vmem>>[vector<16xi32>, vector<16xi32>], vector<16xf32>,
      tpu.vector_store_idx %arg10[%iota3A, %add3A_1014], %gather3A_1015 : memref<32x512xf32, #tpu.memory_space<vmem>>[vector<16xi32>, vector<16xi32>], vector<16xf32>,
      tpu.vector_store_idx %arg11[%iota3A, %add3A_1014], %gather3A_1016 : memref<32x512xf32, #tpu.memory_space<vmem>>[vector<16xi32>, vector<16xi32>], vector<16xf32>,
      %gather3A_1017 = tpu.vector_load_idx %arg12[%add3A_5, %add3A_990] : memref<32x128xf32, #tpu.memory_space<vmem>>[vector<16xi32>, vector<16xi32>], vector<16xf32>,
      %gather3A_1018 = tpu.vector_load_idx %arg20[%add3A_5, %add3A_1010] : memref<32x128xf32, #tpu.memory_space<vmem>>[vector<16xi32>, vector<16xi32>], vector<16xf32>,
      tpu.vector_store_idx %arg10[%add3A_5, %add3A_1014], %gather3A_1017 : memref<32x512xf32, #tpu.memory_space<vmem>>[vector<16xi32>, vector<16xi32>], vector<16xf32>,
      tpu.vector_store_idx %arg11[%add3A_5, %add3A_1014], %gather3A_1018 : memref<32x512xf32, #tpu.memory_space<vmem>>[vector<16xi32>, vector<16xi32>], vector<16xf32>,
      %slice3A_1019 = vector.extract_strided_slice %get3A_526 {offsets = [8], sizes = [1], strides = [1]} : vector<16xi32> to vector<1xi32>
      %squeeze3A_1020 = vector.extract %slice3A_1019[0] : i32 from vector<1xi32>
      %slice3A_1021 = vector.extract_strided_slice %get3A_530 {offsets = [8], sizes = [1], strides = [1]} : vector<16xi32> to vector<1xi32>
      %squeeze3A_1022 = vector.extract %slice3A_1021[0] : i32 from vector<1xi32>
      %jit3A_1023 = arith.constant 128 : i32
      %eq3A_1024 = arith.constant 0 : i32
      %eq3A_1025 = arith.cmpi eq, %jit3A_1023, %eq3A_1024 : i32
      %jit3A_1026 = arith.constant 1 : i32
      %select_n3A_1027 = arith.select %eq3A_1025, %jit3A_1026, %jit3A_1023 : i32
      %rem3A_1028 = arith.remsi %squeeze3A_1020, %select_n3A_1027 : i32
      %ne3A_1029 = arith.constant 0 : i32
      %ne3A_1030 = arith.cmpi ne, %rem3A_1028, %ne3A_1029 : i32
      %lt3A_1031 = arith.constant 0 : i32
      %lt3A_1032 = arith.cmpi slt, %rem3A_1028, %lt3A_1031 : i32
      %lt3A_1033 = arith.constant 0 : i32
      %lt3A_1034 = arith.cmpi slt, %select_n3A_1027, %lt3A_1033 : i32
      %ne3A_1035 = arith.xori %lt3A_1032, %lt3A_1034 : i1
      %and3A_1036 = arith.andi %ne3A_1035, %ne3A_1030 : i1
      %add3A_1037 = arith.addi %rem3A_1028, %select_n3A_1027 : i32
      %select_n3A_1038 = arith.select %and3A_1036, %add3A_1037, %rem3A_1028 : i32
      %sub3A_1039 = arith.subi %squeeze3A_1020, %select_n3A_1038 : i32
      %multiple_of3A_1040 = tpu.assume_multiple %sub3A_1039, 128 : i32
      %jit3A_1041 = arith.constant 128 : i32
      %eq3A_1042 = arith.constant 0 : i32
      %eq3A_1043 = arith.cmpi eq, %jit3A_1041, %eq3A_1042 : i32
      %jit3A_1044 = arith.constant 1 : i32
      %select_n3A_1045 = arith.select %eq3A_1043, %jit3A_1044, %jit3A_1041 : i32
      %rem3A_1046 = arith.remsi %squeeze3A_1022, %select_n3A_1045 : i32
      %ne3A_1047 = arith.constant 0 : i32
      %ne3A_1048 = arith.cmpi ne, %rem3A_1046, %ne3A_1047 : i32
      %lt3A_1049 = arith.constant 0 : i32
      %lt3A_1050 = arith.cmpi slt, %rem3A_1046, %lt3A_1049 : i32
      %lt3A_1051 = arith.constant 0 : i32
      %lt3A_1052 = arith.cmpi slt, %select_n3A_1045, %lt3A_1051 : i32
      %ne3A_1053 = arith.xori %lt3A_1050, %lt3A_1052 : i1
      %and3A_1054 = arith.andi %ne3A_1053, %ne3A_1048 : i1
      %add3A_1055 = arith.addi %rem3A_1046, %select_n3A_1045 : i32
      %select_n3A_1056 = arith.select %and3A_1054, %add3A_1055, %rem3A_1046 : i32
      %sub3A_1057 = arith.subi %squeeze3A_1022, %select_n3A_1056 : i32
      %multiple_of3A_1058 = tpu.assume_multiple %sub3A_1057, 128 : i32
      %dma_start3A_1059 = arith.constant 0 : i32
      %dma_start3A_1060 = tpu.memref_slice %arg2[%dma_start3A_1059, %multiple_of3A_1040] : memref<32x1000000xf32, #tpu.memory_space<hbm>> -> memref<32x128xf32, #tpu.memory_space<hbm>>
      %dma_start3A_1061 = arith.constant 0 : i32
      %dma_start3A_1062 = tpu.memref_slice %arg2[%dma_start3A_1061, %multiple_of3A_1040] : memref<32x1000000xf32, #tpu.memory_space<hbm>> -> memref<32x128xf32, #tpu.memory_space<hbm>>
      tpu.enqueue_dma source(%dma_start3A_1062 : memref<32x128xf32, #tpu.memory_space<hbm>>) target(%arg12 : memref<32x128xf32, #tpu.memory_space<vmem>>) target_semaphore(%arg28 : memref<!tpu.dma_semaphore, #tpu.memory_space<semaphore_mem>>)
      %dma_start3A_1063 = arith.constant 0 : i32
      %dma_start3A_1064 = tpu.memref_slice %arg3[%dma_start3A_1063, %multiple_of3A_1058] : memref<32x1000000xf32, #tpu.memory_space<hbm>> -> memref<32x128xf32, #tpu.memory_space<hbm>>
      %dma_start3A_1065 = arith.constant 0 : i32
      %dma_start3A_1066 = tpu.memref_slice %arg3[%dma_start3A_1065, %multiple_of3A_1058] : memref<32x1000000xf32, #tpu.memory_space<hbm>> -> memref<32x128xf32, #tpu.memory_space<hbm>>
      tpu.enqueue_dma source(%dma_start3A_1066 : memref<32x128xf32, #tpu.memory_space<hbm>>) target(%arg20 : memref<32x128xf32, #tpu.memory_space<vmem>>) target_semaphore(%arg36 : memref<!tpu.dma_semaphore, #tpu.memory_space<semaphore_mem>>)
      %slice3A_1067 = vector.extract_strided_slice %get3A_526 {offsets = [1], sizes = [1], strides = [1]} : vector<16xi32> to vector<1xi32>
      %squeeze3A_1068 = vector.extract %slice3A_1067[0] : i32 from vector<1xi32>
      %slice3A_1069 = vector.extract_strided_slice %get3A_530 {offsets = [1], sizes = [1], strides = [1]} : vector<16xi32> to vector<1xi32>
      %squeeze3A_1070 = vector.extract %slice3A_1069[0] : i32 from vector<1xi32>
      %mul3A_1071 = arith.constant 16 : i32
      %mul3A_1072 = arith.muli %scan3A_521, %mul3A_1071 : i32
      %add3A_1073 = arith.constant 9 : i32
      %add3A_1074 = arith.addi %mul3A_1072, %add3A_1073 : i32
      %sub3A_1075 = arith.constant 8 : i32
      %sub3A_1076 = arith.subi %add3A_1074, %sub3A_1075 : i32
      %dma_wait3A_1077 = arith.constant 0 : i32
      %dma_wait3A_1078 = arith.constant 0 : i32
      %dma_wait3A_1079 = tpu.memref_slice %arg2[%dma_wait3A_1077, %dma_wait3A_1078] : memref<32x1000000xf32, #tpu.memory_space<hbm>> -> memref<32x128xf32, #tpu.memory_space<hbm>>
      %dma_wait3A_1080 = arith.constant 0 : i32
      %dma_wait3A_1081 = arith.constant 0 : i32
      %dma_wait3A_1082 = tpu.memref_slice %arg2[%dma_wait3A_1080, %dma_wait3A_1081] : memref<32x1000000xf32, #tpu.memory_space<hbm>> -> memref<32x128xf32, #tpu.memory_space<hbm>>
      tpu.wait_dma2 semaphore(%arg29 : memref<!tpu.dma_semaphore, #tpu.memory_space<semaphore_mem>>) src(%dma_wait3A_1082 : memref<32x128xf32, #tpu.memory_space<hbm>>) dst(%arg13 : memref<32x128xf32, #tpu.memory_space<vmem>>)
      %dma_wait3A_1083 = arith.constant 0 : i32
      %dma_wait3A_1084 = arith.constant 0 : i32
      %dma_wait3A_1085 = tpu.memref_slice %arg3[%dma_wait3A_1083, %dma_wait3A_1084] : memref<32x1000000xf32, #tpu.memory_space<hbm>> -> memref<32x128xf32, #tpu.memory_space<hbm>>
      %dma_wait3A_1086 = arith.constant 0 : i32
      %dma_wait3A_1087 = arith.constant 0 : i32
      %dma_wait3A_1088 = tpu.memref_slice %arg3[%dma_wait3A_1086, %dma_wait3A_1087] : memref<32x1000000xf32, #tpu.memory_space<hbm>> -> memref<32x128xf32, #tpu.memory_space<hbm>>
      tpu.wait_dma2 semaphore(%arg37 : memref<!tpu.dma_semaphore, #tpu.memory_space<semaphore_mem>>) src(%dma_wait3A_1088 : memref<32x128xf32, #tpu.memory_space<hbm>>) dst(%arg21 : memref<32x128xf32, #tpu.memory_space<vmem>>)
      %broadcast_in_dim3A_1089 = arith.constant 0 : i32
      %broadcast_in_dim3A_1090 = vector.broadcast %broadcast_in_dim3A_1089 : i32 to vector<16xi32>
      %jit3A_1091 = arith.constant 128 : i32
      %eq3A_1092 = arith.constant 0 : i32
      %eq3A_1093 = arith.cmpi eq, %jit3A_1091, %eq3A_1092 : i32
      %jit3A_1094 = arith.constant 1 : i32
      %select_n3A_1095 = arith.select %eq3A_1093, %jit3A_1094, %jit3A_1091 : i32
      %rem3A_1096 = arith.remsi %squeeze3A_1068, %select_n3A_1095 : i32
      %ne3A_1097 = arith.constant 0 : i32
      %ne3A_1098 = arith.cmpi ne, %rem3A_1096, %ne3A_1097 : i32
      %lt3A_1099 = arith.constant 0 : i32
      %lt3A_1100 = arith.cmpi slt, %rem3A_1096, %lt3A_1099 : i32
      %lt3A_1101 = arith.constant 0 : i32
      %lt3A_1102 = arith.cmpi slt, %select_n3A_1095, %lt3A_1101 : i32
      %ne3A_1103 = arith.xori %lt3A_1100, %lt3A_1102 : i1
      %and3A_1104 = arith.andi %ne3A_1103, %ne3A_1098 : i1
      %add3A_1105 = arith.addi %rem3A_1096, %select_n3A_1095 : i32
      %select_n3A_1106 = arith.select %and3A_1104, %add3A_1105, %rem3A_1096 : i32
      %add3A_1107 = vector.broadcast %select_n3A_1106 : i32 to vector<16xi32>
      %add3A_1108 = arith.addi %broadcast_in_dim3A_1090, %add3A_1107 : vector<16xi32>
      %broadcast_in_dim3A_1109 = arith.constant 0 : i32
      %broadcast_in_dim3A_1110 = vector.broadcast %broadcast_in_dim3A_1109 : i32 to vector<16xi32>
      %jit3A_1111 = arith.constant 128 : i32
      %eq3A_1112 = arith.constant 0 : i32
      %eq3A_1113 = arith.cmpi eq, %jit3A_1111, %eq3A_1112 : i32
      %jit3A_1114 = arith.constant 1 : i32
      %select_n3A_1115 = arith.select %eq3A_1113, %jit3A_1114, %jit3A_1111 : i32
      %rem3A_1116 = arith.remsi %squeeze3A_1070, %select_n3A_1115 : i32
      %ne3A_1117 = arith.constant 0 : i32
      %ne3A_1118 = arith.cmpi ne, %rem3A_1116, %ne3A_1117 : i32
      %lt3A_1119 = arith.constant 0 : i32
      %lt3A_1120 = arith.cmpi slt, %rem3A_1116, %lt3A_1119 : i32
      %lt3A_1121 = arith.constant 0 : i32
      %lt3A_1122 = arith.cmpi slt, %select_n3A_1115, %lt3A_1121 : i32
      %ne3A_1123 = arith.xori %lt3A_1120, %lt3A_1122 : i1
      %and3A_1124 = arith.andi %ne3A_1123, %ne3A_1118 : i1
      %add3A_1125 = arith.addi %rem3A_1116, %select_n3A_1115 : i32
      %select_n3A_1126 = arith.select %and3A_1124, %add3A_1125, %rem3A_1116 : i32
      %add3A_1127 = vector.broadcast %select_n3A_1126 : i32 to vector<16xi32>
      %add3A_1128 = arith.addi %broadcast_in_dim3A_1110, %add3A_1127 : vector<16xi32>
      %broadcast_in_dim3A_1129 = arith.constant 0 : i32
      %broadcast_in_dim3A_1130 = vector.broadcast %broadcast_in_dim3A_1129 : i32 to vector<16xi32>
      %add3A_1131 = vector.broadcast %sub3A_1076 : i32 to vector<16xi32>
      %add3A_1132 = arith.addi %broadcast_in_dim3A_1130, %add3A_1131 : vector<16xi32>
      %gather3A_1133 = tpu.vector_load_idx %arg13[%iota3A, %add3A_1108] : memref<32x128xf32, #tpu.memory_space<vmem>>[vector<16xi32>, vector<16xi32>], vector<16xf32>,
      %gather3A_1134 = tpu.vector_load_idx %arg21[%iota3A, %add3A_1128] : memref<32x128xf32, #tpu.memory_space<vmem>>[vector<16xi32>, vector<16xi32>], vector<16xf32>,
      tpu.vector_store_idx %arg10[%iota3A, %add3A_1132], %gather3A_1133 : memref<32x512xf32, #tpu.memory_space<vmem>>[vector<16xi32>, vector<16xi32>], vector<16xf32>,
      tpu.vector_store_idx %arg11[%iota3A, %add3A_1132], %gather3A_1134 : memref<32x512xf32, #tpu.memory_space<vmem>>[vector<16xi32>, vector<16xi32>], vector<16xf32>,
      %gather3A_1135 = tpu.vector_load_idx %arg13[%add3A_5, %add3A_1108] : memref<32x128xf32, #tpu.memory_space<vmem>>[vector<16xi32>, vector<16xi32>], vector<16xf32>,
      %gather3A_1136 = tpu.vector_load_idx %arg21[%add3A_5, %add3A_1128] : memref<32x128xf32, #tpu.memory_space<vmem>>[vector<16xi32>, vector<16xi32>], vector<16xf32>,
      tpu.vector_store_idx %arg10[%add3A_5, %add3A_1132], %gather3A_1135 : memref<32x512xf32, #tpu.memory_space<vmem>>[vector<16xi32>, vector<16xi32>], vector<16xf32>,
      tpu.vector_store_idx %arg11[%add3A_5, %add3A_1132], %gather3A_1136 : memref<32x512xf32, #tpu.memory_space<vmem>>[vector<16xi32>, vector<16xi32>], vector<16xf32>,
      %slice3A_1137 = vector.extract_strided_slice %get3A_526 {offsets = [9], sizes = [1], strides = [1]} : vector<16xi32> to vector<1xi32>
      %squeeze3A_1138 = vector.extract %slice3A_1137[0] : i32 from vector<1xi32>
      %slice3A_1139 = vector.extract_strided_slice %get3A_530 {offsets = [9], sizes = [1], strides = [1]} : vector<16xi32> to vector<1xi32>
      %squeeze3A_1140 = vector.extract %slice3A_1139[0] : i32 from vector<1xi32>
      %jit3A_1141 = arith.constant 128 : i32
      %eq3A_1142 = arith.constant 0 : i32
      %eq3A_1143 = arith.cmpi eq, %jit3A_1141, %eq3A_1142 : i32
      %jit3A_1144 = arith.constant 1 : i32
      %select_n3A_1145 = arith.select %eq3A_1143, %jit3A_1144, %jit3A_1141 : i32
      %rem3A_1146 = arith.remsi %squeeze3A_1138, %select_n3A_1145 : i32
      %ne3A_1147 = arith.constant 0 : i32
      %ne3A_1148 = arith.cmpi ne, %rem3A_1146, %ne3A_1147 : i32
      %lt3A_1149 = arith.constant 0 : i32
      %lt3A_1150 = arith.cmpi slt, %rem3A_1146, %lt3A_1149 : i32
      %lt3A_1151 = arith.constant 0 : i32
      %lt3A_1152 = arith.cmpi slt, %select_n3A_1145, %lt3A_1151 : i32
      %ne3A_1153 = arith.xori %lt3A_1150, %lt3A_1152 : i1
      %and3A_1154 = arith.andi %ne3A_1153, %ne3A_1148 : i1
      %add3A_1155 = arith.addi %rem3A_1146, %select_n3A_1145 : i32
      %select_n3A_1156 = arith.select %and3A_1154, %add3A_1155, %rem3A_1146 : i32
      %sub3A_1157 = arith.subi %squeeze3A_1138, %select_n3A_1156 : i32
      %multiple_of3A_1158 = tpu.assume_multiple %sub3A_1157, 128 : i32
      %jit3A_1159 = arith.constant 128 : i32
      %eq3A_1160 = arith.constant 0 : i32
      %eq3A_1161 = arith.cmpi eq, %jit3A_1159, %eq3A_1160 : i32
      %jit3A_1162 = arith.constant 1 : i32
      %select_n3A_1163 = arith.select %eq3A_1161, %jit3A_1162, %jit3A_1159 : i32
      %rem3A_1164 = arith.remsi %squeeze3A_1140, %select_n3A_1163 : i32
      %ne3A_1165 = arith.constant 0 : i32
      %ne3A_1166 = arith.cmpi ne, %rem3A_1164, %ne3A_1165 : i32
      %lt3A_1167 = arith.constant 0 : i32
      %lt3A_1168 = arith.cmpi slt, %rem3A_1164, %lt3A_1167 : i32
      %lt3A_1169 = arith.constant 0 : i32
      %lt3A_1170 = arith.cmpi slt, %select_n3A_1163, %lt3A_1169 : i32
      %ne3A_1171 = arith.xori %lt3A_1168, %lt3A_1170 : i1
      %and3A_1172 = arith.andi %ne3A_1171, %ne3A_1166 : i1
      %add3A_1173 = arith.addi %rem3A_1164, %select_n3A_1163 : i32
      %select_n3A_1174 = arith.select %and3A_1172, %add3A_1173, %rem3A_1164 : i32
      %sub3A_1175 = arith.subi %squeeze3A_1140, %select_n3A_1174 : i32
      %multiple_of3A_1176 = tpu.assume_multiple %sub3A_1175, 128 : i32
      %dma_start3A_1177 = arith.constant 0 : i32
      %dma_start3A_1178 = tpu.memref_slice %arg2[%dma_start3A_1177, %multiple_of3A_1158] : memref<32x1000000xf32, #tpu.memory_space<hbm>> -> memref<32x128xf32, #tpu.memory_space<hbm>>
      %dma_start3A_1179 = arith.constant 0 : i32
      %dma_start3A_1180 = tpu.memref_slice %arg2[%dma_start3A_1179, %multiple_of3A_1158] : memref<32x1000000xf32, #tpu.memory_space<hbm>> -> memref<32x128xf32, #tpu.memory_space<hbm>>
      tpu.enqueue_dma source(%dma_start3A_1180 : memref<32x128xf32, #tpu.memory_space<hbm>>) target(%arg13 : memref<32x128xf32, #tpu.memory_space<vmem>>) target_semaphore(%arg29 : memref<!tpu.dma_semaphore, #tpu.memory_space<semaphore_mem>>)
      %dma_start3A_1181 = arith.constant 0 : i32
      %dma_start3A_1182 = tpu.memref_slice %arg3[%dma_start3A_1181, %multiple_of3A_1176] : memref<32x1000000xf32, #tpu.memory_space<hbm>> -> memref<32x128xf32, #tpu.memory_space<hbm>>
      %dma_start3A_1183 = arith.constant 0 : i32
      %dma_start3A_1184 = tpu.memref_slice %arg3[%dma_start3A_1183, %multiple_of3A_1176] : memref<32x1000000xf32, #tpu.memory_space<hbm>> -> memref<32x128xf32, #tpu.memory_space<hbm>>
      tpu.enqueue_dma source(%dma_start3A_1184 : memref<32x128xf32, #tpu.memory_space<hbm>>) target(%arg21 : memref<32x128xf32, #tpu.memory_space<vmem>>) target_semaphore(%arg37 : memref<!tpu.dma_semaphore, #tpu.memory_space<semaphore_mem>>)
      %slice3A_1185 = vector.extract_strided_slice %get3A_526 {offsets = [2], sizes = [1], strides = [1]} : vector<16xi32> to vector<1xi32>
      %squeeze3A_1186 = vector.extract %slice3A_1185[0] : i32 from vector<1xi32>
      %slice3A_1187 = vector.extract_strided_slice %get3A_530 {offsets = [2], sizes = [1], strides = [1]} : vector<16xi32> to vector<1xi32>
      %squeeze3A_1188 = vector.extract %slice3A_1187[0] : i32 from vector<1xi32>
      %mul3A_1189 = arith.constant 16 : i32
      %mul3A_1190 = arith.muli %scan3A_521, %mul3A_1189 : i32
      %add3A_1191 = arith.constant 10 : i32
      %add3A_1192 = arith.addi %mul3A_1190, %add3A_1191 : i32
      %sub3A_1193 = arith.constant 8 : i32
      %sub3A_1194 = arith.subi %add3A_1192, %sub3A_1193 : i32
      %dma_wait3A_1195 = arith.constant 0 : i32
      %dma_wait3A_1196 = arith.constant 0 : i32
      %dma_wait3A_1197 = tpu.memref_slice %arg2[%dma_wait3A_1195, %dma_wait3A_1196] : memref<32x1000000xf32, #tpu.memory_space<hbm>> -> memref<32x128xf32, #tpu.memory_space<hbm>>
      %dma_wait3A_1198 = arith.constant 0 : i32
      %dma_wait3A_1199 = arith.constant 0 : i32
      %dma_wait3A_1200 = tpu.memref_slice %arg2[%dma_wait3A_1198, %dma_wait3A_1199] : memref<32x1000000xf32, #tpu.memory_space<hbm>> -> memref<32x128xf32, #tpu.memory_space<hbm>>
      tpu.wait_dma2 semaphore(%arg30 : memref<!tpu.dma_semaphore, #tpu.memory_space<semaphore_mem>>) src(%dma_wait3A_1200 : memref<32x128xf32, #tpu.memory_space<hbm>>) dst(%arg14 : memref<32x128xf32, #tpu.memory_space<vmem>>)
      %dma_wait3A_1201 = arith.constant 0 : i32
      %dma_wait3A_1202 = arith.constant 0 : i32
      %dma_wait3A_1203 = tpu.memref_slice %arg3[%dma_wait3A_1201, %dma_wait3A_1202] : memref<32x1000000xf32, #tpu.memory_space<hbm>> -> memref<32x128xf32, #tpu.memory_space<hbm>>
      %dma_wait3A_1204 = arith.constant 0 : i32
      %dma_wait3A_1205 = arith.constant 0 : i32
      %dma_wait3A_1206 = tpu.memref_slice %arg3[%dma_wait3A_1204, %dma_wait3A_1205] : memref<32x1000000xf32, #tpu.memory_space<hbm>> -> memref<32x128xf32, #tpu.memory_space<hbm>>
      tpu.wait_dma2 semaphore(%arg38 : memref<!tpu.dma_semaphore, #tpu.memory_space<semaphore_mem>>) src(%dma_wait3A_1206 : memref<32x128xf32, #tpu.memory_space<hbm>>) dst(%arg22 : memref<32x128xf32, #tpu.memory_space<vmem>>)
      %broadcast_in_dim3A_1207 = arith.constant 0 : i32
      %broadcast_in_dim3A_1208 = vector.broadcast %broadcast_in_dim3A_1207 : i32 to vector<16xi32>
      %jit3A_1209 = arith.constant 128 : i32
      %eq3A_1210 = arith.constant 0 : i32
      %eq3A_1211 = arith.cmpi eq, %jit3A_1209, %eq3A_1210 : i32
      %jit3A_1212 = arith.constant 1 : i32
      %select_n3A_1213 = arith.select %eq3A_1211, %jit3A_1212, %jit3A_1209 : i32
      %rem3A_1214 = arith.remsi %squeeze3A_1186, %select_n3A_1213 : i32
      %ne3A_1215 = arith.constant 0 : i32
      %ne3A_1216 = arith.cmpi ne, %rem3A_1214, %ne3A_1215 : i32
      %lt3A_1217 = arith.constant 0 : i32
      %lt3A_1218 = arith.cmpi slt, %rem3A_1214, %lt3A_1217 : i32
      %lt3A_1219 = arith.constant 0 : i32
      %lt3A_1220 = arith.cmpi slt, %select_n3A_1213, %lt3A_1219 : i32
      %ne3A_1221 = arith.xori %lt3A_1218, %lt3A_1220 : i1
      %and3A_1222 = arith.andi %ne3A_1221, %ne3A_1216 : i1
      %add3A_1223 = arith.addi %rem3A_1214, %select_n3A_1213 : i32
      %select_n3A_1224 = arith.select %and3A_1222, %add3A_1223, %rem3A_1214 : i32
      %add3A_1225 = vector.broadcast %select_n3A_1224 : i32 to vector<16xi32>
      %add3A_1226 = arith.addi %broadcast_in_dim3A_1208, %add3A_1225 : vector<16xi32>
      %broadcast_in_dim3A_1227 = arith.constant 0 : i32
      %broadcast_in_dim3A_1228 = vector.broadcast %broadcast_in_dim3A_1227 : i32 to vector<16xi32>
      %jit3A_1229 = arith.constant 128 : i32
      %eq3A_1230 = arith.constant 0 : i32
      %eq3A_1231 = arith.cmpi eq, %jit3A_1229, %eq3A_1230 : i32
      %jit3A_1232 = arith.constant 1 : i32
      %select_n3A_1233 = arith.select %eq3A_1231, %jit3A_1232, %jit3A_1229 : i32
      %rem3A_1234 = arith.remsi %squeeze3A_1188, %select_n3A_1233 : i32
      %ne3A_1235 = arith.constant 0 : i32
      %ne3A_1236 = arith.cmpi ne, %rem3A_1234, %ne3A_1235 : i32
      %lt3A_1237 = arith.constant 0 : i32
      %lt3A_1238 = arith.cmpi slt, %rem3A_1234, %lt3A_1237 : i32
      %lt3A_1239 = arith.constant 0 : i32
      %lt3A_1240 = arith.cmpi slt, %select_n3A_1233, %lt3A_1239 : i32
      %ne3A_1241 = arith.xori %lt3A_1238, %lt3A_1240 : i1
      %and3A_1242 = arith.andi %ne3A_1241, %ne3A_1236 : i1
      %add3A_1243 = arith.addi %rem3A_1234, %select_n3A_1233 : i32
      %select_n3A_1244 = arith.select %and3A_1242, %add3A_1243, %rem3A_1234 : i32
      %add3A_1245 = vector.broadcast %select_n3A_1244 : i32 to vector<16xi32>
      %add3A_1246 = arith.addi %broadcast_in_dim3A_1228, %add3A_1245 : vector<16xi32>
      %broadcast_in_dim3A_1247 = arith.constant 0 : i32
      %broadcast_in_dim3A_1248 = vector.broadcast %broadcast_in_dim3A_1247 : i32 to vector<16xi32>
      %add3A_1249 = vector.broadcast %sub3A_1194 : i32 to vector<16xi32>
      %add3A_1250 = arith.addi %broadcast_in_dim3A_1248, %add3A_1249 : vector<16xi32>
      %gather3A_1251 = tpu.vector_load_idx %arg14[%iota3A, %add3A_1226] : memref<32x128xf32, #tpu.memory_space<vmem>>[vector<16xi32>, vector<16xi32>], vector<16xf32>,
      %gather3A_1252 = tpu.vector_load_idx %arg22[%iota3A, %add3A_1246] : memref<32x128xf32, #tpu.memory_space<vmem>>[vector<16xi32>, vector<16xi32>], vector<16xf32>,
      tpu.vector_store_idx %arg10[%iota3A, %add3A_1250], %gather3A_1251 : memref<32x512xf32, #tpu.memory_space<vmem>>[vector<16xi32>, vector<16xi32>], vector<16xf32>,
      tpu.vector_store_idx %arg11[%iota3A, %add3A_1250], %gather3A_1252 : memref<32x512xf32, #tpu.memory_space<vmem>>[vector<16xi32>, vector<16xi32>], vector<16xf32>,
      %gather3A_1253 = tpu.vector_load_idx %arg14[%add3A_5, %add3A_1226] : memref<32x128xf32, #tpu.memory_space<vmem>>[vector<16xi32>, vector<16xi32>], vector<16xf32>,
      %gather3A_1254 = tpu.vector_load_idx %arg22[%add3A_5, %add3A_1246] : memref<32x128xf32, #tpu.memory_space<vmem>>[vector<16xi32>, vector<16xi32>], vector<16xf32>,
      tpu.vector_store_idx %arg10[%add3A_5, %add3A_1250], %gather3A_1253 : memref<32x512xf32, #tpu.memory_space<vmem>>[vector<16xi32>, vector<16xi32>], vector<16xf32>,
      tpu.vector_store_idx %arg11[%add3A_5, %add3A_1250], %gather3A_1254 : memref<32x512xf32, #tpu.memory_space<vmem>>[vector<16xi32>, vector<16xi32>], vector<16xf32>,
      %slice3A_1255 = vector.extract_strided_slice %get3A_526 {offsets = [10], sizes = [1], strides = [1]} : vector<16xi32> to vector<1xi32>
      %squeeze3A_1256 = vector.extract %slice3A_1255[0] : i32 from vector<1xi32>
      %slice3A_1257 = vector.extract_strided_slice %get3A_530 {offsets = [10], sizes = [1], strides = [1]} : vector<16xi32> to vector<1xi32>
      %squeeze3A_1258 = vector.extract %slice3A_1257[0] : i32 from vector<1xi32>
      %jit3A_1259 = arith.constant 128 : i32
      %eq3A_1260 = arith.constant 0 : i32
      %eq3A_1261 = arith.cmpi eq, %jit3A_1259, %eq3A_1260 : i32
      %jit3A_1262 = arith.constant 1 : i32
      %select_n3A_1263 = arith.select %eq3A_1261, %jit3A_1262, %jit3A_1259 : i32
      %rem3A_1264 = arith.remsi %squeeze3A_1256, %select_n3A_1263 : i32
      %ne3A_1265 = arith.constant 0 : i32
      %ne3A_1266 = arith.cmpi ne, %rem3A_1264, %ne3A_1265 : i32
      %lt3A_1267 = arith.constant 0 : i32
      %lt3A_1268 = arith.cmpi slt, %rem3A_1264, %lt3A_1267 : i32
      %lt3A_1269 = arith.constant 0 : i32
      %lt3A_1270 = arith.cmpi slt, %select_n3A_1263, %lt3A_1269 : i32
      %ne3A_1271 = arith.xori %lt3A_1268, %lt3A_1270 : i1
      %and3A_1272 = arith.andi %ne3A_1271, %ne3A_1266 : i1
      %add3A_1273 = arith.addi %rem3A_1264, %select_n3A_1263 : i32
      %select_n3A_1274 = arith.select %and3A_1272, %add3A_1273, %rem3A_1264 : i32
      %sub3A_1275 = arith.subi %squeeze3A_1256, %select_n3A_1274 : i32
      %multiple_of3A_1276 = tpu.assume_multiple %sub3A_1275, 128 : i32
      %jit3A_1277 = arith.constant 128 : i32
      %eq3A_1278 = arith.constant 0 : i32
      %eq3A_1279 = arith.cmpi eq, %jit3A_1277, %eq3A_1278 : i32
      %jit3A_1280 = arith.constant 1 : i32
      %select_n3A_1281 = arith.select %eq3A_1279, %jit3A_1280, %jit3A_1277 : i32
      %rem3A_1282 = arith.remsi %squeeze3A_1258, %select_n3A_1281 : i32
      %ne3A_1283 = arith.constant 0 : i32
      %ne3A_1284 = arith.cmpi ne, %rem3A_1282, %ne3A_1283 : i32
      %lt3A_1285 = arith.constant 0 : i32
      %lt3A_1286 = arith.cmpi slt, %rem3A_1282, %lt3A_1285 : i32
      %lt3A_1287 = arith.constant 0 : i32
      %lt3A_1288 = arith.cmpi slt, %select_n3A_1281, %lt3A_1287 : i32
      %ne3A_1289 = arith.xori %lt3A_1286, %lt3A_1288 : i1
      %and3A_1290 = arith.andi %ne3A_1289, %ne3A_1284 : i1
      %add3A_1291 = arith.addi %rem3A_1282, %select_n3A_1281 : i32
      %select_n3A_1292 = arith.select %and3A_1290, %add3A_1291, %rem3A_1282 : i32
      %sub3A_1293 = arith.subi %squeeze3A_1258, %select_n3A_1292 : i32
      %multiple_of3A_1294 = tpu.assume_multiple %sub3A_1293, 128 : i32
      %dma_start3A_1295 = arith.constant 0 : i32
      %dma_start3A_1296 = tpu.memref_slice %arg2[%dma_start3A_1295, %multiple_of3A_1276] : memref<32x1000000xf32, #tpu.memory_space<hbm>> -> memref<32x128xf32, #tpu.memory_space<hbm>>
      %dma_start3A_1297 = arith.constant 0 : i32
      %dma_start3A_1298 = tpu.memref_slice %arg2[%dma_start3A_1297, %multiple_of3A_1276] : memref<32x1000000xf32, #tpu.memory_space<hbm>> -> memref<32x128xf32, #tpu.memory_space<hbm>>
      tpu.enqueue_dma source(%dma_start3A_1298 : memref<32x128xf32, #tpu.memory_space<hbm>>) target(%arg14 : memref<32x128xf32, #tpu.memory_space<vmem>>) target_semaphore(%arg30 : memref<!tpu.dma_semaphore, #tpu.memory_space<semaphore_mem>>)
      %dma_start3A_1299 = arith.constant 0 : i32
      %dma_start3A_1300 = tpu.memref_slice %arg3[%dma_start3A_1299, %multiple_of3A_1294] : memref<32x1000000xf32, #tpu.memory_space<hbm>> -> memref<32x128xf32, #tpu.memory_space<hbm>>
      %dma_start3A_1301 = arith.constant 0 : i32
      %dma_start3A_1302 = tpu.memref_slice %arg3[%dma_start3A_1301, %multiple_of3A_1294] : memref<32x1000000xf32, #tpu.memory_space<hbm>> -> memref<32x128xf32, #tpu.memory_space<hbm>>
      tpu.enqueue_dma source(%dma_start3A_1302 : memref<32x128xf32, #tpu.memory_space<hbm>>) target(%arg22 : memref<32x128xf32, #tpu.memory_space<vmem>>) target_semaphore(%arg38 : memref<!tpu.dma_semaphore, #tpu.memory_space<semaphore_mem>>)
      %slice3A_1303 = vector.extract_strided_slice %get3A_526 {offsets = [3], sizes = [1], strides = [1]} : vector<16xi32> to vector<1xi32>
      %squeeze3A_1304 = vector.extract %slice3A_1303[0] : i32 from vector<1xi32>
      %slice3A_1305 = vector.extract_strided_slice %get3A_530 {offsets = [3], sizes = [1], strides = [1]} : vector<16xi32> to vector<1xi32>
      %squeeze3A_1306 = vector.extract %slice3A_1305[0] : i32 from vector<1xi32>
      %mul3A_1307 = arith.constant 16 : i32
      %mul3A_1308 = arith.muli %scan3A_521, %mul3A_1307 : i32
      %add3A_1309 = arith.constant 11 : i32
      %add3A_1310 = arith.addi %mul3A_1308, %add3A_1309 : i32
      %sub3A_1311 = arith.constant 8 : i32
      %sub3A_1312 = arith.subi %add3A_1310, %sub3A_1311 : i32
      %dma_wait3A_1313 = arith.constant 0 : i32
      %dma_wait3A_1314 = arith.constant 0 : i32
      %dma_wait3A_1315 = tpu.memref_slice %arg2[%dma_wait3A_1313, %dma_wait3A_1314] : memref<32x1000000xf32, #tpu.memory_space<hbm>> -> memref<32x128xf32, #tpu.memory_space<hbm>>
      %dma_wait3A_1316 = arith.constant 0 : i32
      %dma_wait3A_1317 = arith.constant 0 : i32
      %dma_wait3A_1318 = tpu.memref_slice %arg2[%dma_wait3A_1316, %dma_wait3A_1317] : memref<32x1000000xf32, #tpu.memory_space<hbm>> -> memref<32x128xf32, #tpu.memory_space<hbm>>
      tpu.wait_dma2 semaphore(%arg31 : memref<!tpu.dma_semaphore, #tpu.memory_space<semaphore_mem>>) src(%dma_wait3A_1318 : memref<32x128xf32, #tpu.memory_space<hbm>>) dst(%arg15 : memref<32x128xf32, #tpu.memory_space<vmem>>)
      %dma_wait3A_1319 = arith.constant 0 : i32
      %dma_wait3A_1320 = arith.constant 0 : i32
      %dma_wait3A_1321 = tpu.memref_slice %arg3[%dma_wait3A_1319, %dma_wait3A_1320] : memref<32x1000000xf32, #tpu.memory_space<hbm>> -> memref<32x128xf32, #tpu.memory_space<hbm>>
      %dma_wait3A_1322 = arith.constant 0 : i32
      %dma_wait3A_1323 = arith.constant 0 : i32
      %dma_wait3A_1324 = tpu.memref_slice %arg3[%dma_wait3A_1322, %dma_wait3A_1323] : memref<32x1000000xf32, #tpu.memory_space<hbm>> -> memref<32x128xf32, #tpu.memory_space<hbm>>
      tpu.wait_dma2 semaphore(%arg39 : memref<!tpu.dma_semaphore, #tpu.memory_space<semaphore_mem>>) src(%dma_wait3A_1324 : memref<32x128xf32, #tpu.memory_space<hbm>>) dst(%arg23 : memref<32x128xf32, #tpu.memory_space<vmem>>)
      %broadcast_in_dim3A_1325 = arith.constant 0 : i32
      %broadcast_in_dim3A_1326 = vector.broadcast %broadcast_in_dim3A_1325 : i32 to vector<16xi32>
      %jit3A_1327 = arith.constant 128 : i32
      %eq3A_1328 = arith.constant 0 : i32
      %eq3A_1329 = arith.cmpi eq, %jit3A_1327, %eq3A_1328 : i32
      %jit3A_1330 = arith.constant 1 : i32
      %select_n3A_1331 = arith.select %eq3A_1329, %jit3A_1330, %jit3A_1327 : i32
      %rem3A_1332 = arith.remsi %squeeze3A_1304, %select_n3A_1331 : i32
      %ne3A_1333 = arith.constant 0 : i32
      %ne3A_1334 = arith.cmpi ne, %rem3A_1332, %ne3A_1333 : i32
      %lt3A_1335 = arith.constant 0 : i32
      %lt3A_1336 = arith.cmpi slt, %rem3A_1332, %lt3A_1335 : i32
      %lt3A_1337 = arith.constant 0 : i32
      %lt3A_1338 = arith.cmpi slt, %select_n3A_1331, %lt3A_1337 : i32
      %ne3A_1339 = arith.xori %lt3A_1336, %lt3A_1338 : i1
      %and3A_1340 = arith.andi %ne3A_1339, %ne3A_1334 : i1
      %add3A_1341 = arith.addi %rem3A_1332, %select_n3A_1331 : i32
      %select_n3A_1342 = arith.select %and3A_1340, %add3A_1341, %rem3A_1332 : i32
      %add3A_1343 = vector.broadcast %select_n3A_1342 : i32 to vector<16xi32>
      %add3A_1344 = arith.addi %broadcast_in_dim3A_1326, %add3A_1343 : vector<16xi32>
      %broadcast_in_dim3A_1345 = arith.constant 0 : i32
      %broadcast_in_dim3A_1346 = vector.broadcast %broadcast_in_dim3A_1345 : i32 to vector<16xi32>
      %jit3A_1347 = arith.constant 128 : i32
      %eq3A_1348 = arith.constant 0 : i32
      %eq3A_1349 = arith.cmpi eq, %jit3A_1347, %eq3A_1348 : i32
      %jit3A_1350 = arith.constant 1 : i32
      %select_n3A_1351 = arith.select %eq3A_1349, %jit3A_1350, %jit3A_1347 : i32
      %rem3A_1352 = arith.remsi %squeeze3A_1306, %select_n3A_1351 : i32
      %ne3A_1353 = arith.constant 0 : i32
      %ne3A_1354 = arith.cmpi ne, %rem3A_1352, %ne3A_1353 : i32
      %lt3A_1355 = arith.constant 0 : i32
      %lt3A_1356 = arith.cmpi slt, %rem3A_1352, %lt3A_1355 : i32
      %lt3A_1357 = arith.constant 0 : i32
      %lt3A_1358 = arith.cmpi slt, %select_n3A_1351, %lt3A_1357 : i32
      %ne3A_1359 = arith.xori %lt3A_1356, %lt3A_1358 : i1
      %and3A_1360 = arith.andi %ne3A_1359, %ne3A_1354 : i1
      %add3A_1361 = arith.addi %rem3A_1352, %select_n3A_1351 : i32
      %select_n3A_1362 = arith.select %and3A_1360, %add3A_1361, %rem3A_1352 : i32
      %add3A_1363 = vector.broadcast %select_n3A_1362 : i32 to vector<16xi32>
      %add3A_1364 = arith.addi %broadcast_in_dim3A_1346, %add3A_1363 : vector<16xi32>
      %broadcast_in_dim3A_1365 = arith.constant 0 : i32
      %broadcast_in_dim3A_1366 = vector.broadcast %broadcast_in_dim3A_1365 : i32 to vector<16xi32>
      %add3A_1367 = vector.broadcast %sub3A_1312 : i32 to vector<16xi32>
      %add3A_1368 = arith.addi %broadcast_in_dim3A_1366, %add3A_1367 : vector<16xi32>
      %gather3A_1369 = tpu.vector_load_idx %arg15[%iota3A, %add3A_1344] : memref<32x128xf32, #tpu.memory_space<vmem>>[vector<16xi32>, vector<16xi32>], vector<16xf32>,
      %gather3A_1370 = tpu.vector_load_idx %arg23[%iota3A, %add3A_1364] : memref<32x128xf32, #tpu.memory_space<vmem>>[vector<16xi32>, vector<16xi32>], vector<16xf32>,
      tpu.vector_store_idx %arg10[%iota3A, %add3A_1368], %gather3A_1369 : memref<32x512xf32, #tpu.memory_space<vmem>>[vector<16xi32>, vector<16xi32>], vector<16xf32>,
      tpu.vector_store_idx %arg11[%iota3A, %add3A_1368], %gather3A_1370 : memref<32x512xf32, #tpu.memory_space<vmem>>[vector<16xi32>, vector<16xi32>], vector<16xf32>,
      %gather3A_1371 = tpu.vector_load_idx %arg15[%add3A_5, %add3A_1344] : memref<32x128xf32, #tpu.memory_space<vmem>>[vector<16xi32>, vector<16xi32>], vector<16xf32>,
      %gather3A_1372 = tpu.vector_load_idx %arg23[%add3A_5, %add3A_1364] : memref<32x128xf32, #tpu.memory_space<vmem>>[vector<16xi32>, vector<16xi32>], vector<16xf32>,
      tpu.vector_store_idx %arg10[%add3A_5, %add3A_1368], %gather3A_1371 : memref<32x512xf32, #tpu.memory_space<vmem>>[vector<16xi32>, vector<16xi32>], vector<16xf32>,
      tpu.vector_store_idx %arg11[%add3A_5, %add3A_1368], %gather3A_1372 : memref<32x512xf32, #tpu.memory_space<vmem>>[vector<16xi32>, vector<16xi32>], vector<16xf32>,
      %slice3A_1373 = vector.extract_strided_slice %get3A_526 {offsets = [11], sizes = [1], strides = [1]} : vector<16xi32> to vector<1xi32>
      %squeeze3A_1374 = vector.extract %slice3A_1373[0] : i32 from vector<1xi32>
      %slice3A_1375 = vector.extract_strided_slice %get3A_530 {offsets = [11], sizes = [1], strides = [1]} : vector<16xi32> to vector<1xi32>
      %squeeze3A_1376 = vector.extract %slice3A_1375[0] : i32 from vector<1xi32>
      %jit3A_1377 = arith.constant 128 : i32
      %eq3A_1378 = arith.constant 0 : i32
      %eq3A_1379 = arith.cmpi eq, %jit3A_1377, %eq3A_1378 : i32
      %jit3A_1380 = arith.constant 1 : i32
      %select_n3A_1381 = arith.select %eq3A_1379, %jit3A_1380, %jit3A_1377 : i32
      %rem3A_1382 = arith.remsi %squeeze3A_1374, %select_n3A_1381 : i32
      %ne3A_1383 = arith.constant 0 : i32
      %ne3A_1384 = arith.cmpi ne, %rem3A_1382, %ne3A_1383 : i32
      %lt3A_1385 = arith.constant 0 : i32
      %lt3A_1386 = arith.cmpi slt, %rem3A_1382, %lt3A_1385 : i32
      %lt3A_1387 = arith.constant 0 : i32
      %lt3A_1388 = arith.cmpi slt, %select_n3A_1381, %lt3A_1387 : i32
      %ne3A_1389 = arith.xori %lt3A_1386, %lt3A_1388 : i1
      %and3A_1390 = arith.andi %ne3A_1389, %ne3A_1384 : i1
      %add3A_1391 = arith.addi %rem3A_1382, %select_n3A_1381 : i32
      %select_n3A_1392 = arith.select %and3A_1390, %add3A_1391, %rem3A_1382 : i32
      %sub3A_1393 = arith.subi %squeeze3A_1374, %select_n3A_1392 : i32
      %multiple_of3A_1394 = tpu.assume_multiple %sub3A_1393, 128 : i32
      %jit3A_1395 = arith.constant 128 : i32
      %eq3A_1396 = arith.constant 0 : i32
      %eq3A_1397 = arith.cmpi eq, %jit3A_1395, %eq3A_1396 : i32
      %jit3A_1398 = arith.constant 1 : i32
      %select_n3A_1399 = arith.select %eq3A_1397, %jit3A_1398, %jit3A_1395 : i32
      %rem3A_1400 = arith.remsi %squeeze3A_1376, %select_n3A_1399 : i32
      %ne3A_1401 = arith.constant 0 : i32
      %ne3A_1402 = arith.cmpi ne, %rem3A_1400, %ne3A_1401 : i32
      %lt3A_1403 = arith.constant 0 : i32
      %lt3A_1404 = arith.cmpi slt, %rem3A_1400, %lt3A_1403 : i32
      %lt3A_1405 = arith.constant 0 : i32
      %lt3A_1406 = arith.cmpi slt, %select_n3A_1399, %lt3A_1405 : i32
      %ne3A_1407 = arith.xori %lt3A_1404, %lt3A_1406 : i1
      %and3A_1408 = arith.andi %ne3A_1407, %ne3A_1402 : i1
      %add3A_1409 = arith.addi %rem3A_1400, %select_n3A_1399 : i32
      %select_n3A_1410 = arith.select %and3A_1408, %add3A_1409, %rem3A_1400 : i32
      %sub3A_1411 = arith.subi %squeeze3A_1376, %select_n3A_1410 : i32
      %multiple_of3A_1412 = tpu.assume_multiple %sub3A_1411, 128 : i32
      %dma_start3A_1413 = arith.constant 0 : i32
      %dma_start3A_1414 = tpu.memref_slice %arg2[%dma_start3A_1413, %multiple_of3A_1394] : memref<32x1000000xf32, #tpu.memory_space<hbm>> -> memref<32x128xf32, #tpu.memory_space<hbm>>
      %dma_start3A_1415 = arith.constant 0 : i32
      %dma_start3A_1416 = tpu.memref_slice %arg2[%dma_start3A_1415, %multiple_of3A_1394] : memref<32x1000000xf32, #tpu.memory_space<hbm>> -> memref<32x128xf32, #tpu.memory_space<hbm>>
      tpu.enqueue_dma source(%dma_start3A_1416 : memref<32x128xf32, #tpu.memory_space<hbm>>) target(%arg15 : memref<32x128xf32, #tpu.memory_space<vmem>>) target_semaphore(%arg31 : memref<!tpu.dma_semaphore, #tpu.memory_space<semaphore_mem>>)
      %dma_start3A_1417 = arith.constant 0 : i32
      %dma_start3A_1418 = tpu.memref_slice %arg3[%dma_start3A_1417, %multiple_of3A_1412] : memref<32x1000000xf32, #tpu.memory_space<hbm>> -> memref<32x128xf32, #tpu.memory_space<hbm>>
      %dma_start3A_1419 = arith.constant 0 : i32
      %dma_start3A_1420 = tpu.memref_slice %arg3[%dma_start3A_1419, %multiple_of3A_1412] : memref<32x1000000xf32, #tpu.memory_space<hbm>> -> memref<32x128xf32, #tpu.memory_space<hbm>>
      tpu.enqueue_dma source(%dma_start3A_1420 : memref<32x128xf32, #tpu.memory_space<hbm>>) target(%arg23 : memref<32x128xf32, #tpu.memory_space<vmem>>) target_semaphore(%arg39 : memref<!tpu.dma_semaphore, #tpu.memory_space<semaphore_mem>>)
      %slice3A_1421 = vector.extract_strided_slice %get3A_526 {offsets = [4], sizes = [1], strides = [1]} : vector<16xi32> to vector<1xi32>
      %squeeze3A_1422 = vector.extract %slice3A_1421[0] : i32 from vector<1xi32>
      %slice3A_1423 = vector.extract_strided_slice %get3A_530 {offsets = [4], sizes = [1], strides = [1]} : vector<16xi32> to vector<1xi32>
      %squeeze3A_1424 = vector.extract %slice3A_1423[0] : i32 from vector<1xi32>
      %mul3A_1425 = arith.constant 16 : i32
      %mul3A_1426 = arith.muli %scan3A_521, %mul3A_1425 : i32
      %add3A_1427 = arith.constant 12 : i32
      %add3A_1428 = arith.addi %mul3A_1426, %add3A_1427 : i32
      %sub3A_1429 = arith.constant 8 : i32
      %sub3A_1430 = arith.subi %add3A_1428, %sub3A_1429 : i32
      %dma_wait3A_1431 = arith.constant 0 : i32
      %dma_wait3A_1432 = arith.constant 0 : i32
      %dma_wait3A_1433 = tpu.memref_slice %arg2[%dma_wait3A_1431, %dma_wait3A_1432] : memref<32x1000000xf32, #tpu.memory_space<hbm>> -> memref<32x128xf32, #tpu.memory_space<hbm>>
      %dma_wait3A_1434 = arith.constant 0 : i32
      %dma_wait3A_1435 = arith.constant 0 : i32
      %dma_wait3A_1436 = tpu.memref_slice %arg2[%dma_wait3A_1434, %dma_wait3A_1435] : memref<32x1000000xf32, #tpu.memory_space<hbm>> -> memref<32x128xf32, #tpu.memory_space<hbm>>
      tpu.wait_dma2 semaphore(%arg32 : memref<!tpu.dma_semaphore, #tpu.memory_space<semaphore_mem>>) src(%dma_wait3A_1436 : memref<32x128xf32, #tpu.memory_space<hbm>>) dst(%arg16 : memref<32x128xf32, #tpu.memory_space<vmem>>)
      %dma_wait3A_1437 = arith.constant 0 : i32
      %dma_wait3A_1438 = arith.constant 0 : i32
      %dma_wait3A_1439 = tpu.memref_slice %arg3[%dma_wait3A_1437, %dma_wait3A_1438] : memref<32x1000000xf32, #tpu.memory_space<hbm>> -> memref<32x128xf32, #tpu.memory_space<hbm>>
      %dma_wait3A_1440 = arith.constant 0 : i32
      %dma_wait3A_1441 = arith.constant 0 : i32
      %dma_wait3A_1442 = tpu.memref_slice %arg3[%dma_wait3A_1440, %dma_wait3A_1441] : memref<32x1000000xf32, #tpu.memory_space<hbm>> -> memref<32x128xf32, #tpu.memory_space<hbm>>
      tpu.wait_dma2 semaphore(%arg40 : memref<!tpu.dma_semaphore, #tpu.memory_space<semaphore_mem>>) src(%dma_wait3A_1442 : memref<32x128xf32, #tpu.memory_space<hbm>>) dst(%arg24 : memref<32x128xf32, #tpu.memory_space<vmem>>)
      %broadcast_in_dim3A_1443 = arith.constant 0 : i32
      %broadcast_in_dim3A_1444 = vector.broadcast %broadcast_in_dim3A_1443 : i32 to vector<16xi32>
      %jit3A_1445 = arith.constant 128 : i32
      %eq3A_1446 = arith.constant 0 : i32
      %eq3A_1447 = arith.cmpi eq, %jit3A_1445, %eq3A_1446 : i32
      %jit3A_1448 = arith.constant 1 : i32
      %select_n3A_1449 = arith.select %eq3A_1447, %jit3A_1448, %jit3A_1445 : i32
      %rem3A_1450 = arith.remsi %squeeze3A_1422, %select_n3A_1449 : i32
      %ne3A_1451 = arith.constant 0 : i32
      %ne3A_1452 = arith.cmpi ne, %rem3A_1450, %ne3A_1451 : i32
      %lt3A_1453 = arith.constant 0 : i32
      %lt3A_1454 = arith.cmpi slt, %rem3A_1450, %lt3A_1453 : i32
      %lt3A_1455 = arith.constant 0 : i32
      %lt3A_1456 = arith.cmpi slt, %select_n3A_1449, %lt3A_1455 : i32
      %ne3A_1457 = arith.xori %lt3A_1454, %lt3A_1456 : i1
      %and3A_1458 = arith.andi %ne3A_1457, %ne3A_1452 : i1
      %add3A_1459 = arith.addi %rem3A_1450, %select_n3A_1449 : i32
      %select_n3A_1460 = arith.select %and3A_1458, %add3A_1459, %rem3A_1450 : i32
      %add3A_1461 = vector.broadcast %select_n3A_1460 : i32 to vector<16xi32>
      %add3A_1462 = arith.addi %broadcast_in_dim3A_1444, %add3A_1461 : vector<16xi32>
      %broadcast_in_dim3A_1463 = arith.constant 0 : i32
      %broadcast_in_dim3A_1464 = vector.broadcast %broadcast_in_dim3A_1463 : i32 to vector<16xi32>
      %jit3A_1465 = arith.constant 128 : i32
      %eq3A_1466 = arith.constant 0 : i32
      %eq3A_1467 = arith.cmpi eq, %jit3A_1465, %eq3A_1466 : i32
      %jit3A_1468 = arith.constant 1 : i32
      %select_n3A_1469 = arith.select %eq3A_1467, %jit3A_1468, %jit3A_1465 : i32
      %rem3A_1470 = arith.remsi %squeeze3A_1424, %select_n3A_1469 : i32
      %ne3A_1471 = arith.constant 0 : i32
      %ne3A_1472 = arith.cmpi ne, %rem3A_1470, %ne3A_1471 : i32
      %lt3A_1473 = arith.constant 0 : i32
      %lt3A_1474 = arith.cmpi slt, %rem3A_1470, %lt3A_1473 : i32
      %lt3A_1475 = arith.constant 0 : i32
      %lt3A_1476 = arith.cmpi slt, %select_n3A_1469, %lt3A_1475 : i32
      %ne3A_1477 = arith.xori %lt3A_1474, %lt3A_1476 : i1
      %and3A_1478 = arith.andi %ne3A_1477, %ne3A_1472 : i1
      %add3A_1479 = arith.addi %rem3A_1470, %select_n3A_1469 : i32
      %select_n3A_1480 = arith.select %and3A_1478, %add3A_1479, %rem3A_1470 : i32
      %add3A_1481 = vector.broadcast %select_n3A_1480 : i32 to vector<16xi32>
      %add3A_1482 = arith.addi %broadcast_in_dim3A_1464, %add3A_1481 : vector<16xi32>
      %broadcast_in_dim3A_1483 = arith.constant 0 : i32
      %broadcast_in_dim3A_1484 = vector.broadcast %broadcast_in_dim3A_1483 : i32 to vector<16xi32>
      %add3A_1485 = vector.broadcast %sub3A_1430 : i32 to vector<16xi32>
      %add3A_1486 = arith.addi %broadcast_in_dim3A_1484, %add3A_1485 : vector<16xi32>
      %gather3A_1487 = tpu.vector_load_idx %arg16[%iota3A, %add3A_1462] : memref<32x128xf32, #tpu.memory_space<vmem>>[vector<16xi32>, vector<16xi32>], vector<16xf32>,
      %gather3A_1488 = tpu.vector_load_idx %arg24[%iota3A, %add3A_1482] : memref<32x128xf32, #tpu.memory_space<vmem>>[vector<16xi32>, vector<16xi32>], vector<16xf32>,
      tpu.vector_store_idx %arg10[%iota3A, %add3A_1486], %gather3A_1487 : memref<32x512xf32, #tpu.memory_space<vmem>>[vector<16xi32>, vector<16xi32>], vector<16xf32>,
      tpu.vector_store_idx %arg11[%iota3A, %add3A_1486], %gather3A_1488 : memref<32x512xf32, #tpu.memory_space<vmem>>[vector<16xi32>, vector<16xi32>], vector<16xf32>,
      %gather3A_1489 = tpu.vector_load_idx %arg16[%add3A_5, %add3A_1462] : memref<32x128xf32, #tpu.memory_space<vmem>>[vector<16xi32>, vector<16xi32>], vector<16xf32>,
      %gather3A_1490 = tpu.vector_load_idx %arg24[%add3A_5, %add3A_1482] : memref<32x128xf32, #tpu.memory_space<vmem>>[vector<16xi32>, vector<16xi32>], vector<16xf32>,
      tpu.vector_store_idx %arg10[%add3A_5, %add3A_1486], %gather3A_1489 : memref<32x512xf32, #tpu.memory_space<vmem>>[vector<16xi32>, vector<16xi32>], vector<16xf32>,
      tpu.vector_store_idx %arg11[%add3A_5, %add3A_1486], %gather3A_1490 : memref<32x512xf32, #tpu.memory_space<vmem>>[vector<16xi32>, vector<16xi32>], vector<16xf32>,
      %slice3A_1491 = vector.extract_strided_slice %get3A_526 {offsets = [12], sizes = [1], strides = [1]} : vector<16xi32> to vector<1xi32>
      %squeeze3A_1492 = vector.extract %slice3A_1491[0] : i32 from vector<1xi32>
      %slice3A_1493 = vector.extract_strided_slice %get3A_530 {offsets = [12], sizes = [1], strides = [1]} : vector<16xi32> to vector<1xi32>
      %squeeze3A_1494 = vector.extract %slice3A_1493[0] : i32 from vector<1xi32>
      %jit3A_1495 = arith.constant 128 : i32
      %eq3A_1496 = arith.constant 0 : i32
      %eq3A_1497 = arith.cmpi eq, %jit3A_1495, %eq3A_1496 : i32
      %jit3A_1498 = arith.constant 1 : i32
      %select_n3A_1499 = arith.select %eq3A_1497, %jit3A_1498, %jit3A_1495 : i32
      %rem3A_1500 = arith.remsi %squeeze3A_1492, %select_n3A_1499 : i32
      %ne3A_1501 = arith.constant 0 : i32
      %ne3A_1502 = arith.cmpi ne, %rem3A_1500, %ne3A_1501 : i32
      %lt3A_1503 = arith.constant 0 : i32
      %lt3A_1504 = arith.cmpi slt, %rem3A_1500, %lt3A_1503 : i32
      %lt3A_1505 = arith.constant 0 : i32
      %lt3A_1506 = arith.cmpi slt, %select_n3A_1499, %lt3A_1505 : i32
      %ne3A_1507 = arith.xori %lt3A_1504, %lt3A_1506 : i1
      %and3A_1508 = arith.andi %ne3A_1507, %ne3A_1502 : i1
      %add3A_1509 = arith.addi %rem3A_1500, %select_n3A_1499 : i32
      %select_n3A_1510 = arith.select %and3A_1508, %add3A_1509, %rem3A_1500 : i32
      %sub3A_1511 = arith.subi %squeeze3A_1492, %select_n3A_1510 : i32
      %multiple_of3A_1512 = tpu.assume_multiple %sub3A_1511, 128 : i32
      %jit3A_1513 = arith.constant 128 : i32
      %eq3A_1514 = arith.constant 0 : i32
      %eq3A_1515 = arith.cmpi eq, %jit3A_1513, %eq3A_1514 : i32
      %jit3A_1516 = arith.constant 1 : i32
      %select_n3A_1517 = arith.select %eq3A_1515, %jit3A_1516, %jit3A_1513 : i32
      %rem3A_1518 = arith.remsi %squeeze3A_1494, %select_n3A_1517 : i32
      %ne3A_1519 = arith.constant 0 : i32
      %ne3A_1520 = arith.cmpi ne, %rem3A_1518, %ne3A_1519 : i32
      %lt3A_1521 = arith.constant 0 : i32
      %lt3A_1522 = arith.cmpi slt, %rem3A_1518, %lt3A_1521 : i32
      %lt3A_1523 = arith.constant 0 : i32
      %lt3A_1524 = arith.cmpi slt, %select_n3A_1517, %lt3A_1523 : i32
      %ne3A_1525 = arith.xori %lt3A_1522, %lt3A_1524 : i1
      %and3A_1526 = arith.andi %ne3A_1525, %ne3A_1520 : i1
      %add3A_1527 = arith.addi %rem3A_1518, %select_n3A_1517 : i32
      %select_n3A_1528 = arith.select %and3A_1526, %add3A_1527, %rem3A_1518 : i32
      %sub3A_1529 = arith.subi %squeeze3A_1494, %select_n3A_1528 : i32
      %multiple_of3A_1530 = tpu.assume_multiple %sub3A_1529, 128 : i32
      %dma_start3A_1531 = arith.constant 0 : i32
      %dma_start3A_1532 = tpu.memref_slice %arg2[%dma_start3A_1531, %multiple_of3A_1512] : memref<32x1000000xf32, #tpu.memory_space<hbm>> -> memref<32x128xf32, #tpu.memory_space<hbm>>
      %dma_start3A_1533 = arith.constant 0 : i32
      %dma_start3A_1534 = tpu.memref_slice %arg2[%dma_start3A_1533, %multiple_of3A_1512] : memref<32x1000000xf32, #tpu.memory_space<hbm>> -> memref<32x128xf32, #tpu.memory_space<hbm>>
      tpu.enqueue_dma source(%dma_start3A_1534 : memref<32x128xf32, #tpu.memory_space<hbm>>) target(%arg16 : memref<32x128xf32, #tpu.memory_space<vmem>>) target_semaphore(%arg32 : memref<!tpu.dma_semaphore, #tpu.memory_space<semaphore_mem>>)
      %dma_start3A_1535 = arith.constant 0 : i32
      %dma_start3A_1536 = tpu.memref_slice %arg3[%dma_start3A_1535, %multiple_of3A_1530] : memref<32x1000000xf32, #tpu.memory_space<hbm>> -> memref<32x128xf32, #tpu.memory_space<hbm>>
      %dma_start3A_1537 = arith.constant 0 : i32
      %dma_start3A_1538 = tpu.memref_slice %arg3[%dma_start3A_1537, %multiple_of3A_1530] : memref<32x1000000xf32, #tpu.memory_space<hbm>> -> memref<32x128xf32, #tpu.memory_space<hbm>>
      tpu.enqueue_dma source(%dma_start3A_1538 : memref<32x128xf32, #tpu.memory_space<hbm>>) target(%arg24 : memref<32x128xf32, #tpu.memory_space<vmem>>) target_semaphore(%arg40 : memref<!tpu.dma_semaphore, #tpu.memory_space<semaphore_mem>>)
      %slice3A_1539 = vector.extract_strided_slice %get3A_526 {offsets = [5], sizes = [1], strides = [1]} : vector<16xi32> to vector<1xi32>
      %squeeze3A_1540 = vector.extract %slice3A_1539[0] : i32 from vector<1xi32>
      %slice3A_1541 = vector.extract_strided_slice %get3A_530 {offsets = [5], sizes = [1], strides = [1]} : vector<16xi32> to vector<1xi32>
      %squeeze3A_1542 = vector.extract %slice3A_1541[0] : i32 from vector<1xi32>
      %mul3A_1543 = arith.constant 16 : i32
      %mul3A_1544 = arith.muli %scan3A_521, %mul3A_1543 : i32
      %add3A_1545 = arith.constant 13 : i32
      %add3A_1546 = arith.addi %mul3A_1544, %add3A_1545 : i32
      %sub3A_1547 = arith.constant 8 : i32
      %sub3A_1548 = arith.subi %add3A_1546, %sub3A_1547 : i32
      %dma_wait3A_1549 = arith.constant 0 : i32
      %dma_wait3A_1550 = arith.constant 0 : i32
      %dma_wait3A_1551 = tpu.memref_slice %arg2[%dma_wait3A_1549, %dma_wait3A_1550] : memref<32x1000000xf32, #tpu.memory_space<hbm>> -> memref<32x128xf32, #tpu.memory_space<hbm>>
      %dma_wait3A_1552 = arith.constant 0 : i32
      %dma_wait3A_1553 = arith.constant 0 : i32
      %dma_wait3A_1554 = tpu.memref_slice %arg2[%dma_wait3A_1552, %dma_wait3A_1553] : memref<32x1000000xf32, #tpu.memory_space<hbm>> -> memref<32x128xf32, #tpu.memory_space<hbm>>
      tpu.wait_dma2 semaphore(%arg33 : memref<!tpu.dma_semaphore, #tpu.memory_space<semaphore_mem>>) src(%dma_wait3A_1554 : memref<32x128xf32, #tpu.memory_space<hbm>>) dst(%arg17 : memref<32x128xf32, #tpu.memory_space<vmem>>)
      %dma_wait3A_1555 = arith.constant 0 : i32
      %dma_wait3A_1556 = arith.constant 0 : i32
      %dma_wait3A_1557 = tpu.memref_slice %arg3[%dma_wait3A_1555, %dma_wait3A_1556] : memref<32x1000000xf32, #tpu.memory_space<hbm>> -> memref<32x128xf32, #tpu.memory_space<hbm>>
      %dma_wait3A_1558 = arith.constant 0 : i32
      %dma_wait3A_1559 = arith.constant 0 : i32
      %dma_wait3A_1560 = tpu.memref_slice %arg3[%dma_wait3A_1558, %dma_wait3A_1559] : memref<32x1000000xf32, #tpu.memory_space<hbm>> -> memref<32x128xf32, #tpu.memory_space<hbm>>
      tpu.wait_dma2 semaphore(%arg41 : memref<!tpu.dma_semaphore, #tpu.memory_space<semaphore_mem>>) src(%dma_wait3A_1560 : memref<32x128xf32, #tpu.memory_space<hbm>>) dst(%arg25 : memref<32x128xf32, #tpu.memory_space<vmem>>)
      %broadcast_in_dim3A_1561 = arith.constant 0 : i32
      %broadcast_in_dim3A_1562 = vector.broadcast %broadcast_in_dim3A_1561 : i32 to vector<16xi32>
      %jit3A_1563 = arith.constant 128 : i32
      %eq3A_1564 = arith.constant 0 : i32
      %eq3A_1565 = arith.cmpi eq, %jit3A_1563, %eq3A_1564 : i32
      %jit3A_1566 = arith.constant 1 : i32
      %select_n3A_1567 = arith.select %eq3A_1565, %jit3A_1566, %jit3A_1563 : i32
      %rem3A_1568 = arith.remsi %squeeze3A_1540, %select_n3A_1567 : i32
      %ne3A_1569 = arith.constant 0 : i32
      %ne3A_1570 = arith.cmpi ne, %rem3A_1568, %ne3A_1569 : i32
      %lt3A_1571 = arith.constant 0 : i32
      %lt3A_1572 = arith.cmpi slt, %rem3A_1568, %lt3A_1571 : i32
      %lt3A_1573 = arith.constant 0 : i32
      %lt3A_1574 = arith.cmpi slt, %select_n3A_1567, %lt3A_1573 : i32
      %ne3A_1575 = arith.xori %lt3A_1572, %lt3A_1574 : i1
      %and3A_1576 = arith.andi %ne3A_1575, %ne3A_1570 : i1
      %add3A_1577 = arith.addi %rem3A_1568, %select_n3A_1567 : i32
      %select_n3A_1578 = arith.select %and3A_1576, %add3A_1577, %rem3A_1568 : i32
      %add3A_1579 = vector.broadcast %select_n3A_1578 : i32 to vector<16xi32>
      %add3A_1580 = arith.addi %broadcast_in_dim3A_1562, %add3A_1579 : vector<16xi32>
      %broadcast_in_dim3A_1581 = arith.constant 0 : i32
      %broadcast_in_dim3A_1582 = vector.broadcast %broadcast_in_dim3A_1581 : i32 to vector<16xi32>
      %jit3A_1583 = arith.constant 128 : i32
      %eq3A_1584 = arith.constant 0 : i32
      %eq3A_1585 = arith.cmpi eq, %jit3A_1583, %eq3A_1584 : i32
      %jit3A_1586 = arith.constant 1 : i32
      %select_n3A_1587 = arith.select %eq3A_1585, %jit3A_1586, %jit3A_1583 : i32
      %rem3A_1588 = arith.remsi %squeeze3A_1542, %select_n3A_1587 : i32
      %ne3A_1589 = arith.constant 0 : i32
      %ne3A_1590 = arith.cmpi ne, %rem3A_1588, %ne3A_1589 : i32
      %lt3A_1591 = arith.constant 0 : i32
      %lt3A_1592 = arith.cmpi slt, %rem3A_1588, %lt3A_1591 : i32
      %lt3A_1593 = arith.constant 0 : i32
      %lt3A_1594 = arith.cmpi slt, %select_n3A_1587, %lt3A_1593 : i32
      %ne3A_1595 = arith.xori %lt3A_1592, %lt3A_1594 : i1
      %and3A_1596 = arith.andi %ne3A_1595, %ne3A_1590 : i1
      %add3A_1597 = arith.addi %rem3A_1588, %select_n3A_1587 : i32
      %select_n3A_1598 = arith.select %and3A_1596, %add3A_1597, %rem3A_1588 : i32
      %add3A_1599 = vector.broadcast %select_n3A_1598 : i32 to vector<16xi32>
      %add3A_1600 = arith.addi %broadcast_in_dim3A_1582, %add3A_1599 : vector<16xi32>
      %broadcast_in_dim3A_1601 = arith.constant 0 : i32
      %broadcast_in_dim3A_1602 = vector.broadcast %broadcast_in_dim3A_1601 : i32 to vector<16xi32>
      %add3A_1603 = vector.broadcast %sub3A_1548 : i32 to vector<16xi32>
      %add3A_1604 = arith.addi %broadcast_in_dim3A_1602, %add3A_1603 : vector<16xi32>
      %gather3A_1605 = tpu.vector_load_idx %arg17[%iota3A, %add3A_1580] : memref<32x128xf32, #tpu.memory_space<vmem>>[vector<16xi32>, vector<16xi32>], vector<16xf32>,
      %gather3A_1606 = tpu.vector_load_idx %arg25[%iota3A, %add3A_1600] : memref<32x128xf32, #tpu.memory_space<vmem>>[vector<16xi32>, vector<16xi32>], vector<16xf32>,
      tpu.vector_store_idx %arg10[%iota3A, %add3A_1604], %gather3A_1605 : memref<32x512xf32, #tpu.memory_space<vmem>>[vector<16xi32>, vector<16xi32>], vector<16xf32>,
      tpu.vector_store_idx %arg11[%iota3A, %add3A_1604], %gather3A_1606 : memref<32x512xf32, #tpu.memory_space<vmem>>[vector<16xi32>, vector<16xi32>], vector<16xf32>,
      %gather3A_1607 = tpu.vector_load_idx %arg17[%add3A_5, %add3A_1580] : memref<32x128xf32, #tpu.memory_space<vmem>>[vector<16xi32>, vector<16xi32>], vector<16xf32>,
      %gather3A_1608 = tpu.vector_load_idx %arg25[%add3A_5, %add3A_1600] : memref<32x128xf32, #tpu.memory_space<vmem>>[vector<16xi32>, vector<16xi32>], vector<16xf32>,
      tpu.vector_store_idx %arg10[%add3A_5, %add3A_1604], %gather3A_1607 : memref<32x512xf32, #tpu.memory_space<vmem>>[vector<16xi32>, vector<16xi32>], vector<16xf32>,
      tpu.vector_store_idx %arg11[%add3A_5, %add3A_1604], %gather3A_1608 : memref<32x512xf32, #tpu.memory_space<vmem>>[vector<16xi32>, vector<16xi32>], vector<16xf32>,
      %slice3A_1609 = vector.extract_strided_slice %get3A_526 {offsets = [13], sizes = [1], strides = [1]} : vector<16xi32> to vector<1xi32>
      %squeeze3A_1610 = vector.extract %slice3A_1609[0] : i32 from vector<1xi32>
      %slice3A_1611 = vector.extract_strided_slice %get3A_530 {offsets = [13], sizes = [1], strides = [1]} : vector<16xi32> to vector<1xi32>
      %squeeze3A_1612 = vector.extract %slice3A_1611[0] : i32 from vector<1xi32>
      %jit3A_1613 = arith.constant 128 : i32
      %eq3A_1614 = arith.constant 0 : i32
      %eq3A_1615 = arith.cmpi eq, %jit3A_1613, %eq3A_1614 : i32
      %jit3A_1616 = arith.constant 1 : i32
      %select_n3A_1617 = arith.select %eq3A_1615, %jit3A_1616, %jit3A_1613 : i32
      %rem3A_1618 = arith.remsi %squeeze3A_1610, %select_n3A_1617 : i32
      %ne3A_1619 = arith.constant 0 : i32
      %ne3A_1620 = arith.cmpi ne, %rem3A_1618, %ne3A_1619 : i32
      %lt3A_1621 = arith.constant 0 : i32
      %lt3A_1622 = arith.cmpi slt, %rem3A_1618, %lt3A_1621 : i32
      %lt3A_1623 = arith.constant 0 : i32
      %lt3A_1624 = arith.cmpi slt, %select_n3A_1617, %lt3A_1623 : i32
      %ne3A_1625 = arith.xori %lt3A_1622, %lt3A_1624 : i1
      %and3A_1626 = arith.andi %ne3A_1625, %ne3A_1620 : i1
      %add3A_1627 = arith.addi %rem3A_1618, %select_n3A_1617 : i32
      %select_n3A_1628 = arith.select %and3A_1626, %add3A_1627, %rem3A_1618 : i32
      %sub3A_1629 = arith.subi %squeeze3A_1610, %select_n3A_1628 : i32
      %multiple_of3A_1630 = tpu.assume_multiple %sub3A_1629, 128 : i32
      %jit3A_1631 = arith.constant 128 : i32
      %eq3A_1632 = arith.constant 0 : i32
      %eq3A_1633 = arith.cmpi eq, %jit3A_1631, %eq3A_1632 : i32
      %jit3A_1634 = arith.constant 1 : i32
      %select_n3A_1635 = arith.select %eq3A_1633, %jit3A_1634, %jit3A_1631 : i32
      %rem3A_1636 = arith.remsi %squeeze3A_1612, %select_n3A_1635 : i32
      %ne3A_1637 = arith.constant 0 : i32
      %ne3A_1638 = arith.cmpi ne, %rem3A_1636, %ne3A_1637 : i32
      %lt3A_1639 = arith.constant 0 : i32
      %lt3A_1640 = arith.cmpi slt, %rem3A_1636, %lt3A_1639 : i32
      %lt3A_1641 = arith.constant 0 : i32
      %lt3A_1642 = arith.cmpi slt, %select_n3A_1635, %lt3A_1641 : i32
      %ne3A_1643 = arith.xori %lt3A_1640, %lt3A_1642 : i1
      %and3A_1644 = arith.andi %ne3A_1643, %ne3A_1638 : i1
      %add3A_1645 = arith.addi %rem3A_1636, %select_n3A_1635 : i32
      %select_n3A_1646 = arith.select %and3A_1644, %add3A_1645, %rem3A_1636 : i32
      %sub3A_1647 = arith.subi %squeeze3A_1612, %select_n3A_1646 : i32
      %multiple_of3A_1648 = tpu.assume_multiple %sub3A_1647, 128 : i32
      %dma_start3A_1649 = arith.constant 0 : i32
      %dma_start3A_1650 = tpu.memref_slice %arg2[%dma_start3A_1649, %multiple_of3A_1630] : memref<32x1000000xf32, #tpu.memory_space<hbm>> -> memref<32x128xf32, #tpu.memory_space<hbm>>
      %dma_start3A_1651 = arith.constant 0 : i32
      %dma_start3A_1652 = tpu.memref_slice %arg2[%dma_start3A_1651, %multiple_of3A_1630] : memref<32x1000000xf32, #tpu.memory_space<hbm>> -> memref<32x128xf32, #tpu.memory_space<hbm>>
      tpu.enqueue_dma source(%dma_start3A_1652 : memref<32x128xf32, #tpu.memory_space<hbm>>) target(%arg17 : memref<32x128xf32, #tpu.memory_space<vmem>>) target_semaphore(%arg33 : memref<!tpu.dma_semaphore, #tpu.memory_space<semaphore_mem>>)
      %dma_start3A_1653 = arith.constant 0 : i32
      %dma_start3A_1654 = tpu.memref_slice %arg3[%dma_start3A_1653, %multiple_of3A_1648] : memref<32x1000000xf32, #tpu.memory_space<hbm>> -> memref<32x128xf32, #tpu.memory_space<hbm>>
      %dma_start3A_1655 = arith.constant 0 : i32
      %dma_start3A_1656 = tpu.memref_slice %arg3[%dma_start3A_1655, %multiple_of3A_1648] : memref<32x1000000xf32, #tpu.memory_space<hbm>> -> memref<32x128xf32, #tpu.memory_space<hbm>>
      tpu.enqueue_dma source(%dma_start3A_1656 : memref<32x128xf32, #tpu.memory_space<hbm>>) target(%arg25 : memref<32x128xf32, #tpu.memory_space<vmem>>) target_semaphore(%arg41 : memref<!tpu.dma_semaphore, #tpu.memory_space<semaphore_mem>>)
      %slice3A_1657 = vector.extract_strided_slice %get3A_526 {offsets = [6], sizes = [1], strides = [1]} : vector<16xi32> to vector<1xi32>
      %squeeze3A_1658 = vector.extract %slice3A_1657[0] : i32 from vector<1xi32>
      %slice3A_1659 = vector.extract_strided_slice %get3A_530 {offsets = [6], sizes = [1], strides = [1]} : vector<16xi32> to vector<1xi32>
      %squeeze3A_1660 = vector.extract %slice3A_1659[0] : i32 from vector<1xi32>
      %mul3A_1661 = arith.constant 16 : i32
      %mul3A_1662 = arith.muli %scan3A_521, %mul3A_1661 : i32
      %add3A_1663 = arith.constant 14 : i32
      %add3A_1664 = arith.addi %mul3A_1662, %add3A_1663 : i32
      %sub3A_1665 = arith.constant 8 : i32
      %sub3A_1666 = arith.subi %add3A_1664, %sub3A_1665 : i32
      %dma_wait3A_1667 = arith.constant 0 : i32
      %dma_wait3A_1668 = arith.constant 0 : i32
      %dma_wait3A_1669 = tpu.memref_slice %arg2[%dma_wait3A_1667, %dma_wait3A_1668] : memref<32x1000000xf32, #tpu.memory_space<hbm>> -> memref<32x128xf32, #tpu.memory_space<hbm>>
      %dma_wait3A_1670 = arith.constant 0 : i32
      %dma_wait3A_1671 = arith.constant 0 : i32
      %dma_wait3A_1672 = tpu.memref_slice %arg2[%dma_wait3A_1670, %dma_wait3A_1671] : memref<32x1000000xf32, #tpu.memory_space<hbm>> -> memref<32x128xf32, #tpu.memory_space<hbm>>
      tpu.wait_dma2 semaphore(%arg34 : memref<!tpu.dma_semaphore, #tpu.memory_space<semaphore_mem>>) src(%dma_wait3A_1672 : memref<32x128xf32, #tpu.memory_space<hbm>>) dst(%arg18 : memref<32x128xf32, #tpu.memory_space<vmem>>)
      %dma_wait3A_1673 = arith.constant 0 : i32
      %dma_wait3A_1674 = arith.constant 0 : i32
      %dma_wait3A_1675 = tpu.memref_slice %arg3[%dma_wait3A_1673, %dma_wait3A_1674] : memref<32x1000000xf32, #tpu.memory_space<hbm>> -> memref<32x128xf32, #tpu.memory_space<hbm>>
      %dma_wait3A_1676 = arith.constant 0 : i32
      %dma_wait3A_1677 = arith.constant 0 : i32
      %dma_wait3A_1678 = tpu.memref_slice %arg3[%dma_wait3A_1676, %dma_wait3A_1677] : memref<32x1000000xf32, #tpu.memory_space<hbm>> -> memref<32x128xf32, #tpu.memory_space<hbm>>
      tpu.wait_dma2 semaphore(%arg42 : memref<!tpu.dma_semaphore, #tpu.memory_space<semaphore_mem>>) src(%dma_wait3A_1678 : memref<32x128xf32, #tpu.memory_space<hbm>>) dst(%arg26 : memref<32x128xf32, #tpu.memory_space<vmem>>)
      %broadcast_in_dim3A_1679 = arith.constant 0 : i32
      %broadcast_in_dim3A_1680 = vector.broadcast %broadcast_in_dim3A_1679 : i32 to vector<16xi32>
      %jit3A_1681 = arith.constant 128 : i32
      %eq3A_1682 = arith.constant 0 : i32
      %eq3A_1683 = arith.cmpi eq, %jit3A_1681, %eq3A_1682 : i32
      %jit3A_1684 = arith.constant 1 : i32
      %select_n3A_1685 = arith.select %eq3A_1683, %jit3A_1684, %jit3A_1681 : i32
      %rem3A_1686 = arith.remsi %squeeze3A_1658, %select_n3A_1685 : i32
      %ne3A_1687 = arith.constant 0 : i32
      %ne3A_1688 = arith.cmpi ne, %rem3A_1686, %ne3A_1687 : i32
      %lt3A_1689 = arith.constant 0 : i32
      %lt3A_1690 = arith.cmpi slt, %rem3A_1686, %lt3A_1689 : i32
      %lt3A_1691 = arith.constant 0 : i32
      %lt3A_1692 = arith.cmpi slt, %select_n3A_1685, %lt3A_1691 : i32
      %ne3A_1693 = arith.xori %lt3A_1690, %lt3A_1692 : i1
      %and3A_1694 = arith.andi %ne3A_1693, %ne3A_1688 : i1
      %add3A_1695 = arith.addi %rem3A_1686, %select_n3A_1685 : i32
      %select_n3A_1696 = arith.select %and3A_1694, %add3A_1695, %rem3A_1686 : i32
      %add3A_1697 = vector.broadcast %select_n3A_1696 : i32 to vector<16xi32>
      %add3A_1698 = arith.addi %broadcast_in_dim3A_1680, %add3A_1697 : vector<16xi32>
      %broadcast_in_dim3A_1699 = arith.constant 0 : i32
      %broadcast_in_dim3A_1700 = vector.broadcast %broadcast_in_dim3A_1699 : i32 to vector<16xi32>
      %jit3A_1701 = arith.constant 128 : i32
      %eq3A_1702 = arith.constant 0 : i32
      %eq3A_1703 = arith.cmpi eq, %jit3A_1701, %eq3A_1702 : i32
      %jit3A_1704 = arith.constant 1 : i32
      %select_n3A_1705 = arith.select %eq3A_1703, %jit3A_1704, %jit3A_1701 : i32
      %rem3A_1706 = arith.remsi %squeeze3A_1660, %select_n3A_1705 : i32
      %ne3A_1707 = arith.constant 0 : i32
      %ne3A_1708 = arith.cmpi ne, %rem3A_1706, %ne3A_1707 : i32
      %lt3A_1709 = arith.constant 0 : i32
      %lt3A_1710 = arith.cmpi slt, %rem3A_1706, %lt3A_1709 : i32
      %lt3A_1711 = arith.constant 0 : i32
      %lt3A_1712 = arith.cmpi slt, %select_n3A_1705, %lt3A_1711 : i32
      %ne3A_1713 = arith.xori %lt3A_1710, %lt3A_1712 : i1
      %and3A_1714 = arith.andi %ne3A_1713, %ne3A_1708 : i1
      %add3A_1715 = arith.addi %rem3A_1706, %select_n3A_1705 : i32
      %select_n3A_1716 = arith.select %and3A_1714, %add3A_1715, %rem3A_1706 : i32
      %add3A_1717 = vector.broadcast %select_n3A_1716 : i32 to vector<16xi32>
      %add3A_1718 = arith.addi %broadcast_in_dim3A_1700, %add3A_1717 : vector<16xi32>
      %broadcast_in_dim3A_1719 = arith.constant 0 : i32
      %broadcast_in_dim3A_1720 = vector.broadcast %broadcast_in_dim3A_1719 : i32 to vector<16xi32>
      %add3A_1721 = vector.broadcast %sub3A_1666 : i32 to vector<16xi32>
      %add3A_1722 = arith.addi %broadcast_in_dim3A_1720, %add3A_1721 : vector<16xi32>
      %gather3A_1723 = tpu.vector_load_idx %arg18[%iota3A, %add3A_1698] : memref<32x128xf32, #tpu.memory_space<vmem>>[vector<16xi32>, vector<16xi32>], vector<16xf32>,
      %gather3A_1724 = tpu.vector_load_idx %arg26[%iota3A, %add3A_1718] : memref<32x128xf32, #tpu.memory_space<vmem>>[vector<16xi32>, vector<16xi32>], vector<16xf32>,
      tpu.vector_store_idx %arg10[%iota3A, %add3A_1722], %gather3A_1723 : memref<32x512xf32, #tpu.memory_space<vmem>>[vector<16xi32>, vector<16xi32>], vector<16xf32>,
      tpu.vector_store_idx %arg11[%iota3A, %add3A_1722], %gather3A_1724 : memref<32x512xf32, #tpu.memory_space<vmem>>[vector<16xi32>, vector<16xi32>], vector<16xf32>,
      %gather3A_1725 = tpu.vector_load_idx %arg18[%add3A_5, %add3A_1698] : memref<32x128xf32, #tpu.memory_space<vmem>>[vector<16xi32>, vector<16xi32>], vector<16xf32>,
      %gather3A_1726 = tpu.vector_load_idx %arg26[%add3A_5, %add3A_1718] : memref<32x128xf32, #tpu.memory_space<vmem>>[vector<16xi32>, vector<16xi32>], vector<16xf32>,
      tpu.vector_store_idx %arg10[%add3A_5, %add3A_1722], %gather3A_1725 : memref<32x512xf32, #tpu.memory_space<vmem>>[vector<16xi32>, vector<16xi32>], vector<16xf32>,
      tpu.vector_store_idx %arg11[%add3A_5, %add3A_1722], %gather3A_1726 : memref<32x512xf32, #tpu.memory_space<vmem>>[vector<16xi32>, vector<16xi32>], vector<16xf32>,
      %slice3A_1727 = vector.extract_strided_slice %get3A_526 {offsets = [14], sizes = [1], strides = [1]} : vector<16xi32> to vector<1xi32>
      %squeeze3A_1728 = vector.extract %slice3A_1727[0] : i32 from vector<1xi32>
      %slice3A_1729 = vector.extract_strided_slice %get3A_530 {offsets = [14], sizes = [1], strides = [1]} : vector<16xi32> to vector<1xi32>
      %squeeze3A_1730 = vector.extract %slice3A_1729[0] : i32 from vector<1xi32>
      %jit3A_1731 = arith.constant 128 : i32
      %eq3A_1732 = arith.constant 0 : i32
      %eq3A_1733 = arith.cmpi eq, %jit3A_1731, %eq3A_1732 : i32
      %jit3A_1734 = arith.constant 1 : i32
      %select_n3A_1735 = arith.select %eq3A_1733, %jit3A_1734, %jit3A_1731 : i32
      %rem3A_1736 = arith.remsi %squeeze3A_1728, %select_n3A_1735 : i32
      %ne3A_1737 = arith.constant 0 : i32
      %ne3A_1738 = arith.cmpi ne, %rem3A_1736, %ne3A_1737 : i32
      %lt3A_1739 = arith.constant 0 : i32
      %lt3A_1740 = arith.cmpi slt, %rem3A_1736, %lt3A_1739 : i32
      %lt3A_1741 = arith.constant 0 : i32
      %lt3A_1742 = arith.cmpi slt, %select_n3A_1735, %lt3A_1741 : i32
      %ne3A_1743 = arith.xori %lt3A_1740, %lt3A_1742 : i1
      %and3A_1744 = arith.andi %ne3A_1743, %ne3A_1738 : i1
      %add3A_1745 = arith.addi %rem3A_1736, %select_n3A_1735 : i32
      %select_n3A_1746 = arith.select %and3A_1744, %add3A_1745, %rem3A_1736 : i32
      %sub3A_1747 = arith.subi %squeeze3A_1728, %select_n3A_1746 : i32
      %multiple_of3A_1748 = tpu.assume_multiple %sub3A_1747, 128 : i32
      %jit3A_1749 = arith.constant 128 : i32
      %eq3A_1750 = arith.constant 0 : i32
      %eq3A_1751 = arith.cmpi eq, %jit3A_1749, %eq3A_1750 : i32
      %jit3A_1752 = arith.constant 1 : i32
      %select_n3A_1753 = arith.select %eq3A_1751, %jit3A_1752, %jit3A_1749 : i32
      %rem3A_1754 = arith.remsi %squeeze3A_1730, %select_n3A_1753 : i32
      %ne3A_1755 = arith.constant 0 : i32
      %ne3A_1756 = arith.cmpi ne, %rem3A_1754, %ne3A_1755 : i32
      %lt3A_1757 = arith.constant 0 : i32
      %lt3A_1758 = arith.cmpi slt, %rem3A_1754, %lt3A_1757 : i32
      %lt3A_1759 = arith.constant 0 : i32
      %lt3A_1760 = arith.cmpi slt, %select_n3A_1753, %lt3A_1759 : i32
      %ne3A_1761 = arith.xori %lt3A_1758, %lt3A_1760 : i1
      %and3A_1762 = arith.andi %ne3A_1761, %ne3A_1756 : i1
      %add3A_1763 = arith.addi %rem3A_1754, %select_n3A_1753 : i32
      %select_n3A_1764 = arith.select %and3A_1762, %add3A_1763, %rem3A_1754 : i32
      %sub3A_1765 = arith.subi %squeeze3A_1730, %select_n3A_1764 : i32
      %multiple_of3A_1766 = tpu.assume_multiple %sub3A_1765, 128 : i32
      %dma_start3A_1767 = arith.constant 0 : i32
      %dma_start3A_1768 = tpu.memref_slice %arg2[%dma_start3A_1767, %multiple_of3A_1748] : memref<32x1000000xf32, #tpu.memory_space<hbm>> -> memref<32x128xf32, #tpu.memory_space<hbm>>
      %dma_start3A_1769 = arith.constant 0 : i32
      %dma_start3A_1770 = tpu.memref_slice %arg2[%dma_start3A_1769, %multiple_of3A_1748] : memref<32x1000000xf32, #tpu.memory_space<hbm>> -> memref<32x128xf32, #tpu.memory_space<hbm>>
      tpu.enqueue_dma source(%dma_start3A_1770 : memref<32x128xf32, #tpu.memory_space<hbm>>) target(%arg18 : memref<32x128xf32, #tpu.memory_space<vmem>>) target_semaphore(%arg34 : memref<!tpu.dma_semaphore, #tpu.memory_space<semaphore_mem>>)
      %dma_start3A_1771 = arith.constant 0 : i32
      %dma_start3A_1772 = tpu.memref_slice %arg3[%dma_start3A_1771, %multiple_of3A_1766] : memref<32x1000000xf32, #tpu.memory_space<hbm>> -> memref<32x128xf32, #tpu.memory_space<hbm>>
      %dma_start3A_1773 = arith.constant 0 : i32
      %dma_start3A_1774 = tpu.memref_slice %arg3[%dma_start3A_1773, %multiple_of3A_1766] : memref<32x1000000xf32, #tpu.memory_space<hbm>> -> memref<32x128xf32, #tpu.memory_space<hbm>>
      tpu.enqueue_dma source(%dma_start3A_1774 : memref<32x128xf32, #tpu.memory_space<hbm>>) target(%arg26 : memref<32x128xf32, #tpu.memory_space<vmem>>) target_semaphore(%arg42 : memref<!tpu.dma_semaphore, #tpu.memory_space<semaphore_mem>>)
      %slice3A_1775 = vector.extract_strided_slice %get3A_526 {offsets = [7], sizes = [1], strides = [1]} : vector<16xi32> to vector<1xi32>
      %squeeze3A_1776 = vector.extract %slice3A_1775[0] : i32 from vector<1xi32>
      %slice3A_1777 = vector.extract_strided_slice %get3A_530 {offsets = [7], sizes = [1], strides = [1]} : vector<16xi32> to vector<1xi32>
      %squeeze3A_1778 = vector.extract %slice3A_1777[0] : i32 from vector<1xi32>
      %mul3A_1779 = arith.constant 16 : i32
      %mul3A_1780 = arith.muli %scan3A_521, %mul3A_1779 : i32
      %add3A_1781 = arith.constant 15 : i32
      %add3A_1782 = arith.addi %mul3A_1780, %add3A_1781 : i32
      %sub3A_1783 = arith.constant 8 : i32
      %sub3A_1784 = arith.subi %add3A_1782, %sub3A_1783 : i32
      %dma_wait3A_1785 = arith.constant 0 : i32
      %dma_wait3A_1786 = arith.constant 0 : i32
      %dma_wait3A_1787 = tpu.memref_slice %arg2[%dma_wait3A_1785, %dma_wait3A_1786] : memref<32x1000000xf32, #tpu.memory_space<hbm>> -> memref<32x128xf32, #tpu.memory_space<hbm>>
      %dma_wait3A_1788 = arith.constant 0 : i32
      %dma_wait3A_1789 = arith.constant 0 : i32
      %dma_wait3A_1790 = tpu.memref_slice %arg2[%dma_wait3A_1788, %dma_wait3A_1789] : memref<32x1000000xf32, #tpu.memory_space<hbm>> -> memref<32x128xf32, #tpu.memory_space<hbm>>
      tpu.wait_dma2 semaphore(%arg35 : memref<!tpu.dma_semaphore, #tpu.memory_space<semaphore_mem>>) src(%dma_wait3A_1790 : memref<32x128xf32, #tpu.memory_space<hbm>>) dst(%arg19 : memref<32x128xf32, #tpu.memory_space<vmem>>)
      %dma_wait3A_1791 = arith.constant 0 : i32
      %dma_wait3A_1792 = arith.constant 0 : i32
      %dma_wait3A_1793 = tpu.memref_slice %arg3[%dma_wait3A_1791, %dma_wait3A_1792] : memref<32x1000000xf32, #tpu.memory_space<hbm>> -> memref<32x128xf32, #tpu.memory_space<hbm>>
      %dma_wait3A_1794 = arith.constant 0 : i32
      %dma_wait3A_1795 = arith.constant 0 : i32
      %dma_wait3A_1796 = tpu.memref_slice %arg3[%dma_wait3A_1794, %dma_wait3A_1795] : memref<32x1000000xf32, #tpu.memory_space<hbm>> -> memref<32x128xf32, #tpu.memory_space<hbm>>
      tpu.wait_dma2 semaphore(%arg43 : memref<!tpu.dma_semaphore, #tpu.memory_space<semaphore_mem>>) src(%dma_wait3A_1796 : memref<32x128xf32, #tpu.memory_space<hbm>>) dst(%arg27 : memref<32x128xf32, #tpu.memory_space<vmem>>)
      %broadcast_in_dim3A_1797 = arith.constant 0 : i32
      %broadcast_in_dim3A_1798 = vector.broadcast %broadcast_in_dim3A_1797 : i32 to vector<16xi32>
      %jit3A_1799 = arith.constant 128 : i32
      %eq3A_1800 = arith.constant 0 : i32
      %eq3A_1801 = arith.cmpi eq, %jit3A_1799, %eq3A_1800 : i32
      %jit3A_1802 = arith.constant 1 : i32
      %select_n3A_1803 = arith.select %eq3A_1801, %jit3A_1802, %jit3A_1799 : i32
      %rem3A_1804 = arith.remsi %squeeze3A_1776, %select_n3A_1803 : i32
      %ne3A_1805 = arith.constant 0 : i32
      %ne3A_1806 = arith.cmpi ne, %rem3A_1804, %ne3A_1805 : i32
      %lt3A_1807 = arith.constant 0 : i32
      %lt3A_1808 = arith.cmpi slt, %rem3A_1804, %lt3A_1807 : i32
      %lt3A_1809 = arith.constant 0 : i32
      %lt3A_1810 = arith.cmpi slt, %select_n3A_1803, %lt3A_1809 : i32
      %ne3A_1811 = arith.xori %lt3A_1808, %lt3A_1810 : i1
      %and3A_1812 = arith.andi %ne3A_1811, %ne3A_1806 : i1
      %add3A_1813 = arith.addi %rem3A_1804, %select_n3A_1803 : i32
      %select_n3A_1814 = arith.select %and3A_1812, %add3A_1813, %rem3A_1804 : i32
      %add3A_1815 = vector.broadcast %select_n3A_1814 : i32 to vector<16xi32>
      %add3A_1816 = arith.addi %broadcast_in_dim3A_1798, %add3A_1815 : vector<16xi32>
      %broadcast_in_dim3A_1817 = arith.constant 0 : i32
      %broadcast_in_dim3A_1818 = vector.broadcast %broadcast_in_dim3A_1817 : i32 to vector<16xi32>
      %jit3A_1819 = arith.constant 128 : i32
      %eq3A_1820 = arith.constant 0 : i32
      %eq3A_1821 = arith.cmpi eq, %jit3A_1819, %eq3A_1820 : i32
      %jit3A_1822 = arith.constant 1 : i32
      %select_n3A_1823 = arith.select %eq3A_1821, %jit3A_1822, %jit3A_1819 : i32
      %rem3A_1824 = arith.remsi %squeeze3A_1778, %select_n3A_1823 : i32
      %ne3A_1825 = arith.constant 0 : i32
      %ne3A_1826 = arith.cmpi ne, %rem3A_1824, %ne3A_1825 : i32
      %lt3A_1827 = arith.constant 0 : i32
      %lt3A_1828 = arith.cmpi slt, %rem3A_1824, %lt3A_1827 : i32
      %lt3A_1829 = arith.constant 0 : i32
      %lt3A_1830 = arith.cmpi slt, %select_n3A_1823, %lt3A_1829 : i32
      %ne3A_1831 = arith.xori %lt3A_1828, %lt3A_1830 : i1
      %and3A_1832 = arith.andi %ne3A_1831, %ne3A_1826 : i1
      %add3A_1833 = arith.addi %rem3A_1824, %select_n3A_1823 : i32
      %select_n3A_1834 = arith.select %and3A_1832, %add3A_1833, %rem3A_1824 : i32
      %add3A_1835 = vector.broadcast %select_n3A_1834 : i32 to vector<16xi32>
      %add3A_1836 = arith.addi %broadcast_in_dim3A_1818, %add3A_1835 : vector<16xi32>
      %broadcast_in_dim3A_1837 = arith.constant 0 : i32
      %broadcast_in_dim3A_1838 = vector.broadcast %broadcast_in_dim3A_1837 : i32 to vector<16xi32>
      %add3A_1839 = vector.broadcast %sub3A_1784 : i32 to vector<16xi32>
      %add3A_1840 = arith.addi %broadcast_in_dim3A_1838, %add3A_1839 : vector<16xi32>
      %gather3A_1841 = tpu.vector_load_idx %arg19[%iota3A, %add3A_1816] : memref<32x128xf32, #tpu.memory_space<vmem>>[vector<16xi32>, vector<16xi32>], vector<16xf32>,
      %gather3A_1842 = tpu.vector_load_idx %arg27[%iota3A, %add3A_1836] : memref<32x128xf32, #tpu.memory_space<vmem>>[vector<16xi32>, vector<16xi32>], vector<16xf32>,
      tpu.vector_store_idx %arg10[%iota3A, %add3A_1840], %gather3A_1841 : memref<32x512xf32, #tpu.memory_space<vmem>>[vector<16xi32>, vector<16xi32>], vector<16xf32>,
      tpu.vector_store_idx %arg11[%iota3A, %add3A_1840], %gather3A_1842 : memref<32x512xf32, #tpu.memory_space<vmem>>[vector<16xi32>, vector<16xi32>], vector<16xf32>,
      %gather3A_1843 = tpu.vector_load_idx %arg19[%add3A_5, %add3A_1816] : memref<32x128xf32, #tpu.memory_space<vmem>>[vector<16xi32>, vector<16xi32>], vector<16xf32>,
      %gather3A_1844 = tpu.vector_load_idx %arg27[%add3A_5, %add3A_1836] : memref<32x128xf32, #tpu.memory_space<vmem>>[vector<16xi32>, vector<16xi32>], vector<16xf32>,
      tpu.vector_store_idx %arg10[%add3A_5, %add3A_1840], %gather3A_1843 : memref<32x512xf32, #tpu.memory_space<vmem>>[vector<16xi32>, vector<16xi32>], vector<16xf32>,
      tpu.vector_store_idx %arg11[%add3A_5, %add3A_1840], %gather3A_1844 : memref<32x512xf32, #tpu.memory_space<vmem>>[vector<16xi32>, vector<16xi32>], vector<16xf32>,
      %slice3A_1845 = vector.extract_strided_slice %get3A_526 {offsets = [15], sizes = [1], strides = [1]} : vector<16xi32> to vector<1xi32>
      %squeeze3A_1846 = vector.extract %slice3A_1845[0] : i32 from vector<1xi32>
      %slice3A_1847 = vector.extract_strided_slice %get3A_530 {offsets = [15], sizes = [1], strides = [1]} : vector<16xi32> to vector<1xi32>
      %squeeze3A_1848 = vector.extract %slice3A_1847[0] : i32 from vector<1xi32>
      %jit3A_1849 = arith.constant 128 : i32
      %eq3A_1850 = arith.constant 0 : i32
      %eq3A_1851 = arith.cmpi eq, %jit3A_1849, %eq3A_1850 : i32
      %jit3A_1852 = arith.constant 1 : i32
      %select_n3A_1853 = arith.select %eq3A_1851, %jit3A_1852, %jit3A_1849 : i32
      %rem3A_1854 = arith.remsi %squeeze3A_1846, %select_n3A_1853 : i32
      %ne3A_1855 = arith.constant 0 : i32
      %ne3A_1856 = arith.cmpi ne, %rem3A_1854, %ne3A_1855 : i32
      %lt3A_1857 = arith.constant 0 : i32
      %lt3A_1858 = arith.cmpi slt, %rem3A_1854, %lt3A_1857 : i32
      %lt3A_1859 = arith.constant 0 : i32
      %lt3A_1860 = arith.cmpi slt, %select_n3A_1853, %lt3A_1859 : i32
      %ne3A_1861 = arith.xori %lt3A_1858, %lt3A_1860 : i1
      %and3A_1862 = arith.andi %ne3A_1861, %ne3A_1856 : i1
      %add3A_1863 = arith.addi %rem3A_1854, %select_n3A_1853 : i32
      %select_n3A_1864 = arith.select %and3A_1862, %add3A_1863, %rem3A_1854 : i32
      %sub3A_1865 = arith.subi %squeeze3A_1846, %select_n3A_1864 : i32
      %multiple_of3A_1866 = tpu.assume_multiple %sub3A_1865, 128 : i32
      %jit3A_1867 = arith.constant 128 : i32
      %eq3A_1868 = arith.constant 0 : i32
      %eq3A_1869 = arith.cmpi eq, %jit3A_1867, %eq3A_1868 : i32
      %jit3A_1870 = arith.constant 1 : i32
      %select_n3A_1871 = arith.select %eq3A_1869, %jit3A_1870, %jit3A_1867 : i32
      %rem3A_1872 = arith.remsi %squeeze3A_1848, %select_n3A_1871 : i32
      %ne3A_1873 = arith.constant 0 : i32
      %ne3A_1874 = arith.cmpi ne, %rem3A_1872, %ne3A_1873 : i32
      %lt3A_1875 = arith.constant 0 : i32
      %lt3A_1876 = arith.cmpi slt, %rem3A_1872, %lt3A_1875 : i32
      %lt3A_1877 = arith.constant 0 : i32
      %lt3A_1878 = arith.cmpi slt, %select_n3A_1871, %lt3A_1877 : i32
      %ne3A_1879 = arith.xori %lt3A_1876, %lt3A_1878 : i1
      %and3A_1880 = arith.andi %ne3A_1879, %ne3A_1874 : i1
      %add3A_1881 = arith.addi %rem3A_1872, %select_n3A_1871 : i32
      %select_n3A_1882 = arith.select %and3A_1880, %add3A_1881, %rem3A_1872 : i32
      %sub3A_1883 = arith.subi %squeeze3A_1848, %select_n3A_1882 : i32
      %multiple_of3A_1884 = tpu.assume_multiple %sub3A_1883, 128 : i32
      %dma_start3A_1885 = arith.constant 0 : i32
      %dma_start3A_1886 = tpu.memref_slice %arg2[%dma_start3A_1885, %multiple_of3A_1866] : memref<32x1000000xf32, #tpu.memory_space<hbm>> -> memref<32x128xf32, #tpu.memory_space<hbm>>
      %dma_start3A_1887 = arith.constant 0 : i32
      %dma_start3A_1888 = tpu.memref_slice %arg2[%dma_start3A_1887, %multiple_of3A_1866] : memref<32x1000000xf32, #tpu.memory_space<hbm>> -> memref<32x128xf32, #tpu.memory_space<hbm>>
      tpu.enqueue_dma source(%dma_start3A_1888 : memref<32x128xf32, #tpu.memory_space<hbm>>) target(%arg19 : memref<32x128xf32, #tpu.memory_space<vmem>>) target_semaphore(%arg35 : memref<!tpu.dma_semaphore, #tpu.memory_space<semaphore_mem>>)
      %dma_start3A_1889 = arith.constant 0 : i32
      %dma_start3A_1890 = tpu.memref_slice %arg3[%dma_start3A_1889, %multiple_of3A_1884] : memref<32x1000000xf32, #tpu.memory_space<hbm>> -> memref<32x128xf32, #tpu.memory_space<hbm>>
      %dma_start3A_1891 = arith.constant 0 : i32
      %dma_start3A_1892 = tpu.memref_slice %arg3[%dma_start3A_1891, %multiple_of3A_1884] : memref<32x1000000xf32, #tpu.memory_space<hbm>> -> memref<32x128xf32, #tpu.memory_space<hbm>>
      tpu.enqueue_dma source(%dma_start3A_1892 : memref<32x128xf32, #tpu.memory_space<hbm>>) target(%arg27 : memref<32x128xf32, #tpu.memory_space<vmem>>) target_semaphore(%arg43 : memref<!tpu.dma_semaphore, #tpu.memory_space<semaphore_mem>>)
      scf.yield %get3A_526, %get3A_530 : vector<16xi32>, vector<16xi32>
    }
    %scan3A_11 = arith.constant 32 : i32
    %slice3A = vector.extract_strided_slice %scan3A_10#0 {offsets = [8], sizes = [1], strides = [1]} : vector<16xi32> to vector<1xi32>
    %squeeze3A = vector.extract %slice3A[0] : i32 from vector<1xi32>
    %slice3A_12 = vector.extract_strided_slice %scan3A_10#1 {offsets = [8], sizes = [1], strides = [1]} : vector<16xi32> to vector<1xi32>
    %squeeze3A_13 = vector.extract %slice3A_12[0] : i32 from vector<1xi32>
    %dma_wait3A = arith.constant 0 : i32
    %dma_wait3A_14 = arith.constant 0 : i32
    %dma_wait3A_15 = tpu.memref_slice %arg2[%dma_wait3A, %dma_wait3A_14] : memref<32x1000000xf32, #tpu.memory_space<hbm>> -> memref<32x128xf32, #tpu.memory_space<hbm>>
    %dma_wait3A_16 = arith.constant 0 : i32
    %dma_wait3A_17 = arith.constant 0 : i32
    %dma_wait3A_18 = tpu.memref_slice %arg2[%dma_wait3A_16, %dma_wait3A_17] : memref<32x1000000xf32, #tpu.memory_space<hbm>> -> memref<32x128xf32, #tpu.memory_space<hbm>>
    tpu.wait_dma2 semaphore(%arg28 : memref<!tpu.dma_semaphore, #tpu.memory_space<semaphore_mem>>) src(%dma_wait3A_18 : memref<32x128xf32, #tpu.memory_space<hbm>>) dst(%arg12 : memref<32x128xf32, #tpu.memory_space<vmem>>)
    %dma_wait3A_19 = arith.constant 0 : i32
    %dma_wait3A_20 = arith.constant 0 : i32
    %dma_wait3A_21 = tpu.memref_slice %arg3[%dma_wait3A_19, %dma_wait3A_20] : memref<32x1000000xf32, #tpu.memory_space<hbm>> -> memref<32x128xf32, #tpu.memory_space<hbm>>
    %dma_wait3A_22 = arith.constant 0 : i32
    %dma_wait3A_23 = arith.constant 0 : i32
    %dma_wait3A_24 = tpu.memref_slice %arg3[%dma_wait3A_22, %dma_wait3A_23] : memref<32x1000000xf32, #tpu.memory_space<hbm>> -> memref<32x128xf32, #tpu.memory_space<hbm>>
    tpu.wait_dma2 semaphore(%arg36 : memref<!tpu.dma_semaphore, #tpu.memory_space<semaphore_mem>>) src(%dma_wait3A_24 : memref<32x128xf32, #tpu.memory_space<hbm>>) dst(%arg20 : memref<32x128xf32, #tpu.memory_space<vmem>>)
    %broadcast_in_dim3A_25 = arith.constant 0 : i32
    %broadcast_in_dim3A_26 = vector.broadcast %broadcast_in_dim3A_25 : i32 to vector<16xi32>
    %jit3A = arith.constant 128 : i32
    %eq3A = arith.constant 0 : i32
    %eq3A_27 = arith.cmpi eq, %jit3A, %eq3A : i32
    %jit3A_28 = arith.constant 1 : i32
    %select_n3A = arith.select %eq3A_27, %jit3A_28, %jit3A : i32
    %rem3A = arith.remsi %squeeze3A, %select_n3A : i32
    %ne3A = arith.constant 0 : i32
    %ne3A_29 = arith.cmpi ne, %rem3A, %ne3A : i32
    %lt3A = arith.constant 0 : i32
    %lt3A_30 = arith.cmpi slt, %rem3A, %lt3A : i32
    %lt3A_31 = arith.constant 0 : i32
    %lt3A_32 = arith.cmpi slt, %select_n3A, %lt3A_31 : i32
    %ne3A_33 = arith.xori %lt3A_30, %lt3A_32 : i1
    %and3A = arith.andi %ne3A_33, %ne3A_29 : i1
    %add3A_34 = arith.addi %rem3A, %select_n3A : i32
    %select_n3A_35 = arith.select %and3A, %add3A_34, %rem3A : i32
    %add3A_36 = vector.broadcast %select_n3A_35 : i32 to vector<16xi32>
    %add3A_37 = arith.addi %broadcast_in_dim3A_26, %add3A_36 : vector<16xi32>
    %broadcast_in_dim3A_38 = arith.constant 0 : i32
    %broadcast_in_dim3A_39 = vector.broadcast %broadcast_in_dim3A_38 : i32 to vector<16xi32>
    %jit3A_40 = arith.constant 128 : i32
    %eq3A_41 = arith.constant 0 : i32
    %eq3A_42 = arith.cmpi eq, %jit3A_40, %eq3A_41 : i32
    %jit3A_43 = arith.constant 1 : i32
    %select_n3A_44 = arith.select %eq3A_42, %jit3A_43, %jit3A_40 : i32
    %rem3A_45 = arith.remsi %squeeze3A_13, %select_n3A_44 : i32
    %ne3A_46 = arith.constant 0 : i32
    %ne3A_47 = arith.cmpi ne, %rem3A_45, %ne3A_46 : i32
    %lt3A_48 = arith.constant 0 : i32
    %lt3A_49 = arith.cmpi slt, %rem3A_45, %lt3A_48 : i32
    %lt3A_50 = arith.constant 0 : i32
    %lt3A_51 = arith.cmpi slt, %select_n3A_44, %lt3A_50 : i32
    %ne3A_52 = arith.xori %lt3A_49, %lt3A_51 : i1
    %and3A_53 = arith.andi %ne3A_52, %ne3A_47 : i1
    %add3A_54 = arith.addi %rem3A_45, %select_n3A_44 : i32
    %select_n3A_55 = arith.select %and3A_53, %add3A_54, %rem3A_45 : i32
    %add3A_56 = vector.broadcast %select_n3A_55 : i32 to vector<16xi32>
    %add3A_57 = arith.addi %broadcast_in_dim3A_39, %add3A_56 : vector<16xi32>
    %broadcast_in_dim3A_58 = arith.constant 0 : i32
    %broadcast_in_dim3A_59 = vector.broadcast %broadcast_in_dim3A_58 : i32 to vector<16xi32>
    %add3A_60 = arith.constant 504 : i32
    %add3A_61 = vector.broadcast %add3A_60 : i32 to vector<16xi32>
    %add3A_62 = arith.addi %broadcast_in_dim3A_59, %add3A_61 : vector<16xi32>
    %gather3A = tpu.vector_load_idx %arg12[%iota3A, %add3A_37] : memref<32x128xf32, #tpu.memory_space<vmem>>[vector<16xi32>, vector<16xi32>], vector<16xf32>,
    %gather3A_63 = tpu.vector_load_idx %arg20[%iota3A, %add3A_57] : memref<32x128xf32, #tpu.memory_space<vmem>>[vector<16xi32>, vector<16xi32>], vector<16xf32>,
    tpu.vector_store_idx %arg10[%iota3A, %add3A_62], %gather3A : memref<32x512xf32, #tpu.memory_space<vmem>>[vector<16xi32>, vector<16xi32>], vector<16xf32>,
    tpu.vector_store_idx %arg11[%iota3A, %add3A_62], %gather3A_63 : memref<32x512xf32, #tpu.memory_space<vmem>>[vector<16xi32>, vector<16xi32>], vector<16xf32>,
    %gather3A_64 = tpu.vector_load_idx %arg12[%add3A_5, %add3A_37] : memref<32x128xf32, #tpu.memory_space<vmem>>[vector<16xi32>, vector<16xi32>], vector<16xf32>,
    %gather3A_65 = tpu.vector_load_idx %arg20[%add3A_5, %add3A_57] : memref<32x128xf32, #tpu.memory_space<vmem>>[vector<16xi32>, vector<16xi32>], vector<16xf32>,
    tpu.vector_store_idx %arg10[%add3A_5, %add3A_62], %gather3A_64 : memref<32x512xf32, #tpu.memory_space<vmem>>[vector<16xi32>, vector<16xi32>], vector<16xf32>,
    tpu.vector_store_idx %arg11[%add3A_5, %add3A_62], %gather3A_65 : memref<32x512xf32, #tpu.memory_space<vmem>>[vector<16xi32>, vector<16xi32>], vector<16xf32>,
    %slice3A_66 = vector.extract_strided_slice %scan3A_10#0 {offsets = [9], sizes = [1], strides = [1]} : vector<16xi32> to vector<1xi32>
    %squeeze3A_67 = vector.extract %slice3A_66[0] : i32 from vector<1xi32>
    %slice3A_68 = vector.extract_strided_slice %scan3A_10#1 {offsets = [9], sizes = [1], strides = [1]} : vector<16xi32> to vector<1xi32>
    %squeeze3A_69 = vector.extract %slice3A_68[0] : i32 from vector<1xi32>
    %dma_wait3A_70 = arith.constant 0 : i32
    %dma_wait3A_71 = arith.constant 0 : i32
    %dma_wait3A_72 = tpu.memref_slice %arg2[%dma_wait3A_70, %dma_wait3A_71] : memref<32x1000000xf32, #tpu.memory_space<hbm>> -> memref<32x128xf32, #tpu.memory_space<hbm>>
    %dma_wait3A_73 = arith.constant 0 : i32
    %dma_wait3A_74 = arith.constant 0 : i32
    %dma_wait3A_75 = tpu.memref_slice %arg2[%dma_wait3A_73, %dma_wait3A_74] : memref<32x1000000xf32, #tpu.memory_space<hbm>> -> memref<32x128xf32, #tpu.memory_space<hbm>>
    tpu.wait_dma2 semaphore(%arg29 : memref<!tpu.dma_semaphore, #tpu.memory_space<semaphore_mem>>) src(%dma_wait3A_75 : memref<32x128xf32, #tpu.memory_space<hbm>>) dst(%arg13 : memref<32x128xf32, #tpu.memory_space<vmem>>)
    %dma_wait3A_76 = arith.constant 0 : i32
    %dma_wait3A_77 = arith.constant 0 : i32
    %dma_wait3A_78 = tpu.memref_slice %arg3[%dma_wait3A_76, %dma_wait3A_77] : memref<32x1000000xf32, #tpu.memory_space<hbm>> -> memref<32x128xf32, #tpu.memory_space<hbm>>
    %dma_wait3A_79 = arith.constant 0 : i32
    %dma_wait3A_80 = arith.constant 0 : i32
    %dma_wait3A_81 = tpu.memref_slice %arg3[%dma_wait3A_79, %dma_wait3A_80] : memref<32x1000000xf32, #tpu.memory_space<hbm>> -> memref<32x128xf32, #tpu.memory_space<hbm>>
    tpu.wait_dma2 semaphore(%arg37 : memref<!tpu.dma_semaphore, #tpu.memory_space<semaphore_mem>>) src(%dma_wait3A_81 : memref<32x128xf32, #tpu.memory_space<hbm>>) dst(%arg21 : memref<32x128xf32, #tpu.memory_space<vmem>>)
    %broadcast_in_dim3A_82 = arith.constant 0 : i32
    %broadcast_in_dim3A_83 = vector.broadcast %broadcast_in_dim3A_82 : i32 to vector<16xi32>
    %jit3A_84 = arith.constant 128 : i32
    %eq3A_85 = arith.constant 0 : i32
    %eq3A_86 = arith.cmpi eq, %jit3A_84, %eq3A_85 : i32
    %jit3A_87 = arith.constant 1 : i32
    %select_n3A_88 = arith.select %eq3A_86, %jit3A_87, %jit3A_84 : i32
    %rem3A_89 = arith.remsi %squeeze3A_67, %select_n3A_88 : i32
    %ne3A_90 = arith.constant 0 : i32
    %ne3A_91 = arith.cmpi ne, %rem3A_89, %ne3A_90 : i32
    %lt3A_92 = arith.constant 0 : i32
    %lt3A_93 = arith.cmpi slt, %rem3A_89, %lt3A_92 : i32
    %lt3A_94 = arith.constant 0 : i32
    %lt3A_95 = arith.cmpi slt, %select_n3A_88, %lt3A_94 : i32
    %ne3A_96 = arith.xori %lt3A_93, %lt3A_95 : i1
    %and3A_97 = arith.andi %ne3A_96, %ne3A_91 : i1
    %add3A_98 = arith.addi %rem3A_89, %select_n3A_88 : i32
    %select_n3A_99 = arith.select %and3A_97, %add3A_98, %rem3A_89 : i32
    %add3A_100 = vector.broadcast %select_n3A_99 : i32 to vector<16xi32>
    %add3A_101 = arith.addi %broadcast_in_dim3A_83, %add3A_100 : vector<16xi32>
    %broadcast_in_dim3A_102 = arith.constant 0 : i32
    %broadcast_in_dim3A_103 = vector.broadcast %broadcast_in_dim3A_102 : i32 to vector<16xi32>
    %jit3A_104 = arith.constant 128 : i32
    %eq3A_105 = arith.constant 0 : i32
    %eq3A_106 = arith.cmpi eq, %jit3A_104, %eq3A_105 : i32
    %jit3A_107 = arith.constant 1 : i32
    %select_n3A_108 = arith.select %eq3A_106, %jit3A_107, %jit3A_104 : i32
    %rem3A_109 = arith.remsi %squeeze3A_69, %select_n3A_108 : i32
    %ne3A_110 = arith.constant 0 : i32
    %ne3A_111 = arith.cmpi ne, %rem3A_109, %ne3A_110 : i32
    %lt3A_112 = arith.constant 0 : i32
    %lt3A_113 = arith.cmpi slt, %rem3A_109, %lt3A_112 : i32
    %lt3A_114 = arith.constant 0 : i32
    %lt3A_115 = arith.cmpi slt, %select_n3A_108, %lt3A_114 : i32
    %ne3A_116 = arith.xori %lt3A_113, %lt3A_115 : i1
    %and3A_117 = arith.andi %ne3A_116, %ne3A_111 : i1
    %add3A_118 = arith.addi %rem3A_109, %select_n3A_108 : i32
    %select_n3A_119 = arith.select %and3A_117, %add3A_118, %rem3A_109 : i32
    %add3A_120 = vector.broadcast %select_n3A_119 : i32 to vector<16xi32>
    %add3A_121 = arith.addi %broadcast_in_dim3A_103, %add3A_120 : vector<16xi32>
    %broadcast_in_dim3A_122 = arith.constant 0 : i32
    %broadcast_in_dim3A_123 = vector.broadcast %broadcast_in_dim3A_122 : i32 to vector<16xi32>
    %add3A_124 = arith.constant 505 : i32
    %add3A_125 = vector.broadcast %add3A_124 : i32 to vector<16xi32>
    %add3A_126 = arith.addi %broadcast_in_dim3A_123, %add3A_125 : vector<16xi32>
    %gather3A_127 = tpu.vector_load_idx %arg13[%iota3A, %add3A_101] : memref<32x128xf32, #tpu.memory_space<vmem>>[vector<16xi32>, vector<16xi32>], vector<16xf32>,
    %gather3A_128 = tpu.vector_load_idx %arg21[%iota3A, %add3A_121] : memref<32x128xf32, #tpu.memory_space<vmem>>[vector<16xi32>, vector<16xi32>], vector<16xf32>,
    tpu.vector_store_idx %arg10[%iota3A, %add3A_126], %gather3A_127 : memref<32x512xf32, #tpu.memory_space<vmem>>[vector<16xi32>, vector<16xi32>], vector<16xf32>,
    tpu.vector_store_idx %arg11[%iota3A, %add3A_126], %gather3A_128 : memref<32x512xf32, #tpu.memory_space<vmem>>[vector<16xi32>, vector<16xi32>], vector<16xf32>,
    %gather3A_129 = tpu.vector_load_idx %arg13[%add3A_5, %add3A_101] : memref<32x128xf32, #tpu.memory_space<vmem>>[vector<16xi32>, vector<16xi32>], vector<16xf32>,
    %gather3A_130 = tpu.vector_load_idx %arg21[%add3A_5, %add3A_121] : memref<32x128xf32, #tpu.memory_space<vmem>>[vector<16xi32>, vector<16xi32>], vector<16xf32>,
    tpu.vector_store_idx %arg10[%add3A_5, %add3A_126], %gather3A_129 : memref<32x512xf32, #tpu.memory_space<vmem>>[vector<16xi32>, vector<16xi32>], vector<16xf32>,
    tpu.vector_store_idx %arg11[%add3A_5, %add3A_126], %gather3A_130 : memref<32x512xf32, #tpu.memory_space<vmem>>[vector<16xi32>, vector<16xi32>], vector<16xf32>,
    %slice3A_131 = vector.extract_strided_slice %scan3A_10#0 {offsets = [10], sizes = [1], strides = [1]} : vector<16xi32> to vector<1xi32>
    %squeeze3A_132 = vector.extract %slice3A_131[0] : i32 from vector<1xi32>
    %slice3A_133 = vector.extract_strided_slice %scan3A_10#1 {offsets = [10], sizes = [1], strides = [1]} : vector<16xi32> to vector<1xi32>
    %squeeze3A_134 = vector.extract %slice3A_133[0] : i32 from vector<1xi32>
    %dma_wait3A_135 = arith.constant 0 : i32
    %dma_wait3A_136 = arith.constant 0 : i32
    %dma_wait3A_137 = tpu.memref_slice %arg2[%dma_wait3A_135, %dma_wait3A_136] : memref<32x1000000xf32, #tpu.memory_space<hbm>> -> memref<32x128xf32, #tpu.memory_space<hbm>>
    %dma_wait3A_138 = arith.constant 0 : i32
    %dma_wait3A_139 = arith.constant 0 : i32
    %dma_wait3A_140 = tpu.memref_slice %arg2[%dma_wait3A_138, %dma_wait3A_139] : memref<32x1000000xf32, #tpu.memory_space<hbm>> -> memref<32x128xf32, #tpu.memory_space<hbm>>
    tpu.wait_dma2 semaphore(%arg30 : memref<!tpu.dma_semaphore, #tpu.memory_space<semaphore_mem>>) src(%dma_wait3A_140 : memref<32x128xf32, #tpu.memory_space<hbm>>) dst(%arg14 : memref<32x128xf32, #tpu.memory_space<vmem>>)
    %dma_wait3A_141 = arith.constant 0 : i32
    %dma_wait3A_142 = arith.constant 0 : i32
    %dma_wait3A_143 = tpu.memref_slice %arg3[%dma_wait3A_141, %dma_wait3A_142] : memref<32x1000000xf32, #tpu.memory_space<hbm>> -> memref<32x128xf32, #tpu.memory_space<hbm>>
    %dma_wait3A_144 = arith.constant 0 : i32
    %dma_wait3A_145 = arith.constant 0 : i32
    %dma_wait3A_146 = tpu.memref_slice %arg3[%dma_wait3A_144, %dma_wait3A_145] : memref<32x1000000xf32, #tpu.memory_space<hbm>> -> memref<32x128xf32, #tpu.memory_space<hbm>>
    tpu.wait_dma2 semaphore(%arg38 : memref<!tpu.dma_semaphore, #tpu.memory_space<semaphore_mem>>) src(%dma_wait3A_146 : memref<32x128xf32, #tpu.memory_space<hbm>>) dst(%arg22 : memref<32x128xf32, #tpu.memory_space<vmem>>)
    %broadcast_in_dim3A_147 = arith.constant 0 : i32
    %broadcast_in_dim3A_148 = vector.broadcast %broadcast_in_dim3A_147 : i32 to vector<16xi32>
    %jit3A_149 = arith.constant 128 : i32
    %eq3A_150 = arith.constant 0 : i32
    %eq3A_151 = arith.cmpi eq, %jit3A_149, %eq3A_150 : i32
    %jit3A_152 = arith.constant 1 : i32
    %select_n3A_153 = arith.select %eq3A_151, %jit3A_152, %jit3A_149 : i32
    %rem3A_154 = arith.remsi %squeeze3A_132, %select_n3A_153 : i32
    %ne3A_155 = arith.constant 0 : i32
    %ne3A_156 = arith.cmpi ne, %rem3A_154, %ne3A_155 : i32
    %lt3A_157 = arith.constant 0 : i32
    %lt3A_158 = arith.cmpi slt, %rem3A_154, %lt3A_157 : i32
    %lt3A_159 = arith.constant 0 : i32
    %lt3A_160 = arith.cmpi slt, %select_n3A_153, %lt3A_159 : i32
    %ne3A_161 = arith.xori %lt3A_158, %lt3A_160 : i1
    %and3A_162 = arith.andi %ne3A_161, %ne3A_156 : i1
    %add3A_163 = arith.addi %rem3A_154, %select_n3A_153 : i32
    %select_n3A_164 = arith.select %and3A_162, %add3A_163, %rem3A_154 : i32
    %add3A_165 = vector.broadcast %select_n3A_164 : i32 to vector<16xi32>
    %add3A_166 = arith.addi %broadcast_in_dim3A_148, %add3A_165 : vector<16xi32>
    %broadcast_in_dim3A_167 = arith.constant 0 : i32
    %broadcast_in_dim3A_168 = vector.broadcast %broadcast_in_dim3A_167 : i32 to vector<16xi32>
    %jit3A_169 = arith.constant 128 : i32
    %eq3A_170 = arith.constant 0 : i32
    %eq3A_171 = arith.cmpi eq, %jit3A_169, %eq3A_170 : i32
    %jit3A_172 = arith.constant 1 : i32
    %select_n3A_173 = arith.select %eq3A_171, %jit3A_172, %jit3A_169 : i32
    %rem3A_174 = arith.remsi %squeeze3A_134, %select_n3A_173 : i32
    %ne3A_175 = arith.constant 0 : i32
    %ne3A_176 = arith.cmpi ne, %rem3A_174, %ne3A_175 : i32
    %lt3A_177 = arith.constant 0 : i32
    %lt3A_178 = arith.cmpi slt, %rem3A_174, %lt3A_177 : i32
    %lt3A_179 = arith.constant 0 : i32
    %lt3A_180 = arith.cmpi slt, %select_n3A_173, %lt3A_179 : i32
    %ne3A_181 = arith.xori %lt3A_178, %lt3A_180 : i1
    %and3A_182 = arith.andi %ne3A_181, %ne3A_176 : i1
    %add3A_183 = arith.addi %rem3A_174, %select_n3A_173 : i32
    %select_n3A_184 = arith.select %and3A_182, %add3A_183, %rem3A_174 : i32
    %add3A_185 = vector.broadcast %select_n3A_184 : i32 to vector<16xi32>
    %add3A_186 = arith.addi %broadcast_in_dim3A_168, %add3A_185 : vector<16xi32>
    %broadcast_in_dim3A_187 = arith.constant 0 : i32
    %broadcast_in_dim3A_188 = vector.broadcast %broadcast_in_dim3A_187 : i32 to vector<16xi32>
    %add3A_189 = arith.constant 506 : i32
    %add3A_190 = vector.broadcast %add3A_189 : i32 to vector<16xi32>
    %add3A_191 = arith.addi %broadcast_in_dim3A_188, %add3A_190 : vector<16xi32>
    %gather3A_192 = tpu.vector_load_idx %arg14[%iota3A, %add3A_166] : memref<32x128xf32, #tpu.memory_space<vmem>>[vector<16xi32>, vector<16xi32>], vector<16xf32>,
    %gather3A_193 = tpu.vector_load_idx %arg22[%iota3A, %add3A_186] : memref<32x128xf32, #tpu.memory_space<vmem>>[vector<16xi32>, vector<16xi32>], vector<16xf32>,
    tpu.vector_store_idx %arg10[%iota3A, %add3A_191], %gather3A_192 : memref<32x512xf32, #tpu.memory_space<vmem>>[vector<16xi32>, vector<16xi32>], vector<16xf32>,
    tpu.vector_store_idx %arg11[%iota3A, %add3A_191], %gather3A_193 : memref<32x512xf32, #tpu.memory_space<vmem>>[vector<16xi32>, vector<16xi32>], vector<16xf32>,
    %gather3A_194 = tpu.vector_load_idx %arg14[%add3A_5, %add3A_166] : memref<32x128xf32, #tpu.memory_space<vmem>>[vector<16xi32>, vector<16xi32>], vector<16xf32>,
    %gather3A_195 = tpu.vector_load_idx %arg22[%add3A_5, %add3A_186] : memref<32x128xf32, #tpu.memory_space<vmem>>[vector<16xi32>, vector<16xi32>], vector<16xf32>,
    tpu.vector_store_idx %arg10[%add3A_5, %add3A_191], %gather3A_194 : memref<32x512xf32, #tpu.memory_space<vmem>>[vector<16xi32>, vector<16xi32>], vector<16xf32>,
    tpu.vector_store_idx %arg11[%add3A_5, %add3A_191], %gather3A_195 : memref<32x512xf32, #tpu.memory_space<vmem>>[vector<16xi32>, vector<16xi32>], vector<16xf32>,
    %slice3A_196 = vector.extract_strided_slice %scan3A_10#0 {offsets = [11], sizes = [1], strides = [1]} : vector<16xi32> to vector<1xi32>
    %squeeze3A_197 = vector.extract %slice3A_196[0] : i32 from vector<1xi32>
    %slice3A_198 = vector.extract_strided_slice %scan3A_10#1 {offsets = [11], sizes = [1], strides = [1]} : vector<16xi32> to vector<1xi32>
    %squeeze3A_199 = vector.extract %slice3A_198[0] : i32 from vector<1xi32>
    %dma_wait3A_200 = arith.constant 0 : i32
    %dma_wait3A_201 = arith.constant 0 : i32
    %dma_wait3A_202 = tpu.memref_slice %arg2[%dma_wait3A_200, %dma_wait3A_201] : memref<32x1000000xf32, #tpu.memory_space<hbm>> -> memref<32x128xf32, #tpu.memory_space<hbm>>
    %dma_wait3A_203 = arith.constant 0 : i32
    %dma_wait3A_204 = arith.constant 0 : i32
    %dma_wait3A_205 = tpu.memref_slice %arg2[%dma_wait3A_203, %dma_wait3A_204] : memref<32x1000000xf32, #tpu.memory_space<hbm>> -> memref<32x128xf32, #tpu.memory_space<hbm>>
    tpu.wait_dma2 semaphore(%arg31 : memref<!tpu.dma_semaphore, #tpu.memory_space<semaphore_mem>>) src(%dma_wait3A_205 : memref<32x128xf32, #tpu.memory_space<hbm>>) dst(%arg15 : memref<32x128xf32, #tpu.memory_space<vmem>>)
    %dma_wait3A_206 = arith.constant 0 : i32
    %dma_wait3A_207 = arith.constant 0 : i32
    %dma_wait3A_208 = tpu.memref_slice %arg3[%dma_wait3A_206, %dma_wait3A_207] : memref<32x1000000xf32, #tpu.memory_space<hbm>> -> memref<32x128xf32, #tpu.memory_space<hbm>>
    %dma_wait3A_209 = arith.constant 0 : i32
    %dma_wait3A_210 = arith.constant 0 : i32
    %dma_wait3A_211 = tpu.memref_slice %arg3[%dma_wait3A_209, %dma_wait3A_210] : memref<32x1000000xf32, #tpu.memory_space<hbm>> -> memref<32x128xf32, #tpu.memory_space<hbm>>
    tpu.wait_dma2 semaphore(%arg39 : memref<!tpu.dma_semaphore, #tpu.memory_space<semaphore_mem>>) src(%dma_wait3A_211 : memref<32x128xf32, #tpu.memory_space<hbm>>) dst(%arg23 : memref<32x128xf32, #tpu.memory_space<vmem>>)
    %broadcast_in_dim3A_212 = arith.constant 0 : i32
    %broadcast_in_dim3A_213 = vector.broadcast %broadcast_in_dim3A_212 : i32 to vector<16xi32>
    %jit3A_214 = arith.constant 128 : i32
    %eq3A_215 = arith.constant 0 : i32
    %eq3A_216 = arith.cmpi eq, %jit3A_214, %eq3A_215 : i32
    %jit3A_217 = arith.constant 1 : i32
    %select_n3A_218 = arith.select %eq3A_216, %jit3A_217, %jit3A_214 : i32
    %rem3A_219 = arith.remsi %squeeze3A_197, %select_n3A_218 : i32
    %ne3A_220 = arith.constant 0 : i32
    %ne3A_221 = arith.cmpi ne, %rem3A_219, %ne3A_220 : i32
    %lt3A_222 = arith.constant 0 : i32
    %lt3A_223 = arith.cmpi slt, %rem3A_219, %lt3A_222 : i32
    %lt3A_224 = arith.constant 0 : i32
    %lt3A_225 = arith.cmpi slt, %select_n3A_218, %lt3A_224 : i32
    %ne3A_226 = arith.xori %lt3A_223, %lt3A_225 : i1
    %and3A_227 = arith.andi %ne3A_226, %ne3A_221 : i1
    %add3A_228 = arith.addi %rem3A_219, %select_n3A_218 : i32
    %select_n3A_229 = arith.select %and3A_227, %add3A_228, %rem3A_219 : i32
    %add3A_230 = vector.broadcast %select_n3A_229 : i32 to vector<16xi32>
    %add3A_231 = arith.addi %broadcast_in_dim3A_213, %add3A_230 : vector<16xi32>
    %broadcast_in_dim3A_232 = arith.constant 0 : i32
    %broadcast_in_dim3A_233 = vector.broadcast %broadcast_in_dim3A_232 : i32 to vector<16xi32>
    %jit3A_234 = arith.constant 128 : i32
    %eq3A_235 = arith.constant 0 : i32
    %eq3A_236 = arith.cmpi eq, %jit3A_234, %eq3A_235 : i32
    %jit3A_237 = arith.constant 1 : i32
    %select_n3A_238 = arith.select %eq3A_236, %jit3A_237, %jit3A_234 : i32
    %rem3A_239 = arith.remsi %squeeze3A_199, %select_n3A_238 : i32
    %ne3A_240 = arith.constant 0 : i32
    %ne3A_241 = arith.cmpi ne, %rem3A_239, %ne3A_240 : i32
    %lt3A_242 = arith.constant 0 : i32
    %lt3A_243 = arith.cmpi slt, %rem3A_239, %lt3A_242 : i32
    %lt3A_244 = arith.constant 0 : i32
    %lt3A_245 = arith.cmpi slt, %select_n3A_238, %lt3A_244 : i32
    %ne3A_246 = arith.xori %lt3A_243, %lt3A_245 : i1
    %and3A_247 = arith.andi %ne3A_246, %ne3A_241 : i1
    %add3A_248 = arith.addi %rem3A_239, %select_n3A_238 : i32
    %select_n3A_249 = arith.select %and3A_247, %add3A_248, %rem3A_239 : i32
    %add3A_250 = vector.broadcast %select_n3A_249 : i32 to vector<16xi32>
    %add3A_251 = arith.addi %broadcast_in_dim3A_233, %add3A_250 : vector<16xi32>
    %broadcast_in_dim3A_252 = arith.constant 0 : i32
    %broadcast_in_dim3A_253 = vector.broadcast %broadcast_in_dim3A_252 : i32 to vector<16xi32>
    %add3A_254 = arith.constant 507 : i32
    %add3A_255 = vector.broadcast %add3A_254 : i32 to vector<16xi32>
    %add3A_256 = arith.addi %broadcast_in_dim3A_253, %add3A_255 : vector<16xi32>
    %gather3A_257 = tpu.vector_load_idx %arg15[%iota3A, %add3A_231] : memref<32x128xf32, #tpu.memory_space<vmem>>[vector<16xi32>, vector<16xi32>], vector<16xf32>,
    %gather3A_258 = tpu.vector_load_idx %arg23[%iota3A, %add3A_251] : memref<32x128xf32, #tpu.memory_space<vmem>>[vector<16xi32>, vector<16xi32>], vector<16xf32>,
    tpu.vector_store_idx %arg10[%iota3A, %add3A_256], %gather3A_257 : memref<32x512xf32, #tpu.memory_space<vmem>>[vector<16xi32>, vector<16xi32>], vector<16xf32>,
    tpu.vector_store_idx %arg11[%iota3A, %add3A_256], %gather3A_258 : memref<32x512xf32, #tpu.memory_space<vmem>>[vector<16xi32>, vector<16xi32>], vector<16xf32>,
    %gather3A_259 = tpu.vector_load_idx %arg15[%add3A_5, %add3A_231] : memref<32x128xf32, #tpu.memory_space<vmem>>[vector<16xi32>, vector<16xi32>], vector<16xf32>,
    %gather3A_260 = tpu.vector_load_idx %arg23[%add3A_5, %add3A_251] : memref<32x128xf32, #tpu.memory_space<vmem>>[vector<16xi32>, vector<16xi32>], vector<16xf32>,
    tpu.vector_store_idx %arg10[%add3A_5, %add3A_256], %gather3A_259 : memref<32x512xf32, #tpu.memory_space<vmem>>[vector<16xi32>, vector<16xi32>], vector<16xf32>,
    tpu.vector_store_idx %arg11[%add3A_5, %add3A_256], %gather3A_260 : memref<32x512xf32, #tpu.memory_space<vmem>>[vector<16xi32>, vector<16xi32>], vector<16xf32>,
    %slice3A_261 = vector.extract_strided_slice %scan3A_10#0 {offsets = [12], sizes = [1], strides = [1]} : vector<16xi32> to vector<1xi32>
    %squeeze3A_262 = vector.extract %slice3A_261[0] : i32 from vector<1xi32>
    %slice3A_263 = vector.extract_strided_slice %scan3A_10#1 {offsets = [12], sizes = [1], strides = [1]} : vector<16xi32> to vector<1xi32>
    %squeeze3A_264 = vector.extract %slice3A_263[0] : i32 from vector<1xi32>
    %dma_wait3A_265 = arith.constant 0 : i32
    %dma_wait3A_266 = arith.constant 0 : i32
    %dma_wait3A_267 = tpu.memref_slice %arg2[%dma_wait3A_265, %dma_wait3A_266] : memref<32x1000000xf32, #tpu.memory_space<hbm>> -> memref<32x128xf32, #tpu.memory_space<hbm>>
    %dma_wait3A_268 = arith.constant 0 : i32
    %dma_wait3A_269 = arith.constant 0 : i32
    %dma_wait3A_270 = tpu.memref_slice %arg2[%dma_wait3A_268, %dma_wait3A_269] : memref<32x1000000xf32, #tpu.memory_space<hbm>> -> memref<32x128xf32, #tpu.memory_space<hbm>>
    tpu.wait_dma2 semaphore(%arg32 : memref<!tpu.dma_semaphore, #tpu.memory_space<semaphore_mem>>) src(%dma_wait3A_270 : memref<32x128xf32, #tpu.memory_space<hbm>>) dst(%arg16 : memref<32x128xf32, #tpu.memory_space<vmem>>)
    %dma_wait3A_271 = arith.constant 0 : i32
    %dma_wait3A_272 = arith.constant 0 : i32
    %dma_wait3A_273 = tpu.memref_slice %arg3[%dma_wait3A_271, %dma_wait3A_272] : memref<32x1000000xf32, #tpu.memory_space<hbm>> -> memref<32x128xf32, #tpu.memory_space<hbm>>
    %dma_wait3A_274 = arith.constant 0 : i32
    %dma_wait3A_275 = arith.constant 0 : i32
    %dma_wait3A_276 = tpu.memref_slice %arg3[%dma_wait3A_274, %dma_wait3A_275] : memref<32x1000000xf32, #tpu.memory_space<hbm>> -> memref<32x128xf32, #tpu.memory_space<hbm>>
    tpu.wait_dma2 semaphore(%arg40 : memref<!tpu.dma_semaphore, #tpu.memory_space<semaphore_mem>>) src(%dma_wait3A_276 : memref<32x128xf32, #tpu.memory_space<hbm>>) dst(%arg24 : memref<32x128xf32, #tpu.memory_space<vmem>>)
    %broadcast_in_dim3A_277 = arith.constant 0 : i32
    %broadcast_in_dim3A_278 = vector.broadcast %broadcast_in_dim3A_277 : i32 to vector<16xi32>
    %jit3A_279 = arith.constant 128 : i32
    %eq3A_280 = arith.constant 0 : i32
    %eq3A_281 = arith.cmpi eq, %jit3A_279, %eq3A_280 : i32
    %jit3A_282 = arith.constant 1 : i32
    %select_n3A_283 = arith.select %eq3A_281, %jit3A_282, %jit3A_279 : i32
    %rem3A_284 = arith.remsi %squeeze3A_262, %select_n3A_283 : i32
    %ne3A_285 = arith.constant 0 : i32
    %ne3A_286 = arith.cmpi ne, %rem3A_284, %ne3A_285 : i32
    %lt3A_287 = arith.constant 0 : i32
    %lt3A_288 = arith.cmpi slt, %rem3A_284, %lt3A_287 : i32
    %lt3A_289 = arith.constant 0 : i32
    %lt3A_290 = arith.cmpi slt, %select_n3A_283, %lt3A_289 : i32
    %ne3A_291 = arith.xori %lt3A_288, %lt3A_290 : i1
    %and3A_292 = arith.andi %ne3A_291, %ne3A_286 : i1
    %add3A_293 = arith.addi %rem3A_284, %select_n3A_283 : i32
    %select_n3A_294 = arith.select %and3A_292, %add3A_293, %rem3A_284 : i32
    %add3A_295 = vector.broadcast %select_n3A_294 : i32 to vector<16xi32>
    %add3A_296 = arith.addi %broadcast_in_dim3A_278, %add3A_295 : vector<16xi32>
    %broadcast_in_dim3A_297 = arith.constant 0 : i32
    %broadcast_in_dim3A_298 = vector.broadcast %broadcast_in_dim3A_297 : i32 to vector<16xi32>
    %jit3A_299 = arith.constant 128 : i32
    %eq3A_300 = arith.constant 0 : i32
    %eq3A_301 = arith.cmpi eq, %jit3A_299, %eq3A_300 : i32
    %jit3A_302 = arith.constant 1 : i32
    %select_n3A_303 = arith.select %eq3A_301, %jit3A_302, %jit3A_299 : i32
    %rem3A_304 = arith.remsi %squeeze3A_264, %select_n3A_303 : i32
    %ne3A_305 = arith.constant 0 : i32
    %ne3A_306 = arith.cmpi ne, %rem3A_304, %ne3A_305 : i32
    %lt3A_307 = arith.constant 0 : i32
    %lt3A_308 = arith.cmpi slt, %rem3A_304, %lt3A_307 : i32
    %lt3A_309 = arith.constant 0 : i32
    %lt3A_310 = arith.cmpi slt, %select_n3A_303, %lt3A_309 : i32
    %ne3A_311 = arith.xori %lt3A_308, %lt3A_310 : i1
    %and3A_312 = arith.andi %ne3A_311, %ne3A_306 : i1
    %add3A_313 = arith.addi %rem3A_304, %select_n3A_303 : i32
    %select_n3A_314 = arith.select %and3A_312, %add3A_313, %rem3A_304 : i32
    %add3A_315 = vector.broadcast %select_n3A_314 : i32 to vector<16xi32>
    %add3A_316 = arith.addi %broadcast_in_dim3A_298, %add3A_315 : vector<16xi32>
    %broadcast_in_dim3A_317 = arith.constant 0 : i32
    %broadcast_in_dim3A_318 = vector.broadcast %broadcast_in_dim3A_317 : i32 to vector<16xi32>
    %add3A_319 = arith.constant 508 : i32
    %add3A_320 = vector.broadcast %add3A_319 : i32 to vector<16xi32>
    %add3A_321 = arith.addi %broadcast_in_dim3A_318, %add3A_320 : vector<16xi32>
    %gather3A_322 = tpu.vector_load_idx %arg16[%iota3A, %add3A_296] : memref<32x128xf32, #tpu.memory_space<vmem>>[vector<16xi32>, vector<16xi32>], vector<16xf32>,
    %gather3A_323 = tpu.vector_load_idx %arg24[%iota3A, %add3A_316] : memref<32x128xf32, #tpu.memory_space<vmem>>[vector<16xi32>, vector<16xi32>], vector<16xf32>,
    tpu.vector_store_idx %arg10[%iota3A, %add3A_321], %gather3A_322 : memref<32x512xf32, #tpu.memory_space<vmem>>[vector<16xi32>, vector<16xi32>], vector<16xf32>,
    tpu.vector_store_idx %arg11[%iota3A, %add3A_321], %gather3A_323 : memref<32x512xf32, #tpu.memory_space<vmem>>[vector<16xi32>, vector<16xi32>], vector<16xf32>,
    %gather3A_324 = tpu.vector_load_idx %arg16[%add3A_5, %add3A_296] : memref<32x128xf32, #tpu.memory_space<vmem>>[vector<16xi32>, vector<16xi32>], vector<16xf32>,
    %gather3A_325 = tpu.vector_load_idx %arg24[%add3A_5, %add3A_316] : memref<32x128xf32, #tpu.memory_space<vmem>>[vector<16xi32>, vector<16xi32>], vector<16xf32>,
    tpu.vector_store_idx %arg10[%add3A_5, %add3A_321], %gather3A_324 : memref<32x512xf32, #tpu.memory_space<vmem>>[vector<16xi32>, vector<16xi32>], vector<16xf32>,
    tpu.vector_store_idx %arg11[%add3A_5, %add3A_321], %gather3A_325 : memref<32x512xf32, #tpu.memory_space<vmem>>[vector<16xi32>, vector<16xi32>], vector<16xf32>,
    %slice3A_326 = vector.extract_strided_slice %scan3A_10#0 {offsets = [13], sizes = [1], strides = [1]} : vector<16xi32> to vector<1xi32>
    %squeeze3A_327 = vector.extract %slice3A_326[0] : i32 from vector<1xi32>
    %slice3A_328 = vector.extract_strided_slice %scan3A_10#1 {offsets = [13], sizes = [1], strides = [1]} : vector<16xi32> to vector<1xi32>
    %squeeze3A_329 = vector.extract %slice3A_328[0] : i32 from vector<1xi32>
    %dma_wait3A_330 = arith.constant 0 : i32
    %dma_wait3A_331 = arith.constant 0 : i32
    %dma_wait3A_332 = tpu.memref_slice %arg2[%dma_wait3A_330, %dma_wait3A_331] : memref<32x1000000xf32, #tpu.memory_space<hbm>> -> memref<32x128xf32, #tpu.memory_space<hbm>>
    %dma_wait3A_333 = arith.constant 0 : i32
    %dma_wait3A_334 = arith.constant 0 : i32
    %dma_wait3A_335 = tpu.memref_slice %arg2[%dma_wait3A_333, %dma_wait3A_334] : memref<32x1000000xf32, #tpu.memory_space<hbm>> -> memref<32x128xf32, #tpu.memory_space<hbm>>
    tpu.wait_dma2 semaphore(%arg33 : memref<!tpu.dma_semaphore, #tpu.memory_space<semaphore_mem>>) src(%dma_wait3A_335 : memref<32x128xf32, #tpu.memory_space<hbm>>) dst(%arg17 : memref<32x128xf32, #tpu.memory_space<vmem>>)
    %dma_wait3A_336 = arith.constant 0 : i32
    %dma_wait3A_337 = arith.constant 0 : i32
    %dma_wait3A_338 = tpu.memref_slice %arg3[%dma_wait3A_336, %dma_wait3A_337] : memref<32x1000000xf32, #tpu.memory_space<hbm>> -> memref<32x128xf32, #tpu.memory_space<hbm>>
    %dma_wait3A_339 = arith.constant 0 : i32
    %dma_wait3A_340 = arith.constant 0 : i32
    %dma_wait3A_341 = tpu.memref_slice %arg3[%dma_wait3A_339, %dma_wait3A_340] : memref<32x1000000xf32, #tpu.memory_space<hbm>> -> memref<32x128xf32, #tpu.memory_space<hbm>>
    tpu.wait_dma2 semaphore(%arg41 : memref<!tpu.dma_semaphore, #tpu.memory_space<semaphore_mem>>) src(%dma_wait3A_341 : memref<32x128xf32, #tpu.memory_space<hbm>>) dst(%arg25 : memref<32x128xf32, #tpu.memory_space<vmem>>)
    %broadcast_in_dim3A_342 = arith.constant 0 : i32
    %broadcast_in_dim3A_343 = vector.broadcast %broadcast_in_dim3A_342 : i32 to vector<16xi32>
    %jit3A_344 = arith.constant 128 : i32
    %eq3A_345 = arith.constant 0 : i32
    %eq3A_346 = arith.cmpi eq, %jit3A_344, %eq3A_345 : i32
    %jit3A_347 = arith.constant 1 : i32
    %select_n3A_348 = arith.select %eq3A_346, %jit3A_347, %jit3A_344 : i32
    %rem3A_349 = arith.remsi %squeeze3A_327, %select_n3A_348 : i32
    %ne3A_350 = arith.constant 0 : i32
    %ne3A_351 = arith.cmpi ne, %rem3A_349, %ne3A_350 : i32
    %lt3A_352 = arith.constant 0 : i32
    %lt3A_353 = arith.cmpi slt, %rem3A_349, %lt3A_352 : i32
    %lt3A_354 = arith.constant 0 : i32
    %lt3A_355 = arith.cmpi slt, %select_n3A_348, %lt3A_354 : i32
    %ne3A_356 = arith.xori %lt3A_353, %lt3A_355 : i1
    %and3A_357 = arith.andi %ne3A_356, %ne3A_351 : i1
    %add3A_358 = arith.addi %rem3A_349, %select_n3A_348 : i32
    %select_n3A_359 = arith.select %and3A_357, %add3A_358, %rem3A_349 : i32
    %add3A_360 = vector.broadcast %select_n3A_359 : i32 to vector<16xi32>
    %add3A_361 = arith.addi %broadcast_in_dim3A_343, %add3A_360 : vector<16xi32>
    %broadcast_in_dim3A_362 = arith.constant 0 : i32
    %broadcast_in_dim3A_363 = vector.broadcast %broadcast_in_dim3A_362 : i32 to vector<16xi32>
    %jit3A_364 = arith.constant 128 : i32
    %eq3A_365 = arith.constant 0 : i32
    %eq3A_366 = arith.cmpi eq, %jit3A_364, %eq3A_365 : i32
    %jit3A_367 = arith.constant 1 : i32
    %select_n3A_368 = arith.select %eq3A_366, %jit3A_367, %jit3A_364 : i32
    %rem3A_369 = arith.remsi %squeeze3A_329, %select_n3A_368 : i32
    %ne3A_370 = arith.constant 0 : i32
    %ne3A_371 = arith.cmpi ne, %rem3A_369, %ne3A_370 : i32
    %lt3A_372 = arith.constant 0 : i32
    %lt3A_373 = arith.cmpi slt, %rem3A_369, %lt3A_372 : i32
    %lt3A_374 = arith.constant 0 : i32
    %lt3A_375 = arith.cmpi slt, %select_n3A_368, %lt3A_374 : i32
    %ne3A_376 = arith.xori %lt3A_373, %lt3A_375 : i1
    %and3A_377 = arith.andi %ne3A_376, %ne3A_371 : i1
    %add3A_378 = arith.addi %rem3A_369, %select_n3A_368 : i32
    %select_n3A_379 = arith.select %and3A_377, %add3A_378, %rem3A_369 : i32
    %add3A_380 = vector.broadcast %select_n3A_379 : i32 to vector<16xi32>
    %add3A_381 = arith.addi %broadcast_in_dim3A_363, %add3A_380 : vector<16xi32>
    %broadcast_in_dim3A_382 = arith.constant 0 : i32
    %broadcast_in_dim3A_383 = vector.broadcast %broadcast_in_dim3A_382 : i32 to vector<16xi32>
    %add3A_384 = arith.constant 509 : i32
    %add3A_385 = vector.broadcast %add3A_384 : i32 to vector<16xi32>
    %add3A_386 = arith.addi %broadcast_in_dim3A_383, %add3A_385 : vector<16xi32>
    %gather3A_387 = tpu.vector_load_idx %arg17[%iota3A, %add3A_361] : memref<32x128xf32, #tpu.memory_space<vmem>>[vector<16xi32>, vector<16xi32>], vector<16xf32>,
    %gather3A_388 = tpu.vector_load_idx %arg25[%iota3A, %add3A_381] : memref<32x128xf32, #tpu.memory_space<vmem>>[vector<16xi32>, vector<16xi32>], vector<16xf32>,
    tpu.vector_store_idx %arg10[%iota3A, %add3A_386], %gather3A_387 : memref<32x512xf32, #tpu.memory_space<vmem>>[vector<16xi32>, vector<16xi32>], vector<16xf32>,
    tpu.vector_store_idx %arg11[%iota3A, %add3A_386], %gather3A_388 : memref<32x512xf32, #tpu.memory_space<vmem>>[vector<16xi32>, vector<16xi32>], vector<16xf32>,
    %gather3A_389 = tpu.vector_load_idx %arg17[%add3A_5, %add3A_361] : memref<32x128xf32, #tpu.memory_space<vmem>>[vector<16xi32>, vector<16xi32>], vector<16xf32>,
    %gather3A_390 = tpu.vector_load_idx %arg25[%add3A_5, %add3A_381] : memref<32x128xf32, #tpu.memory_space<vmem>>[vector<16xi32>, vector<16xi32>], vector<16xf32>,
    tpu.vector_store_idx %arg10[%add3A_5, %add3A_386], %gather3A_389 : memref<32x512xf32, #tpu.memory_space<vmem>>[vector<16xi32>, vector<16xi32>], vector<16xf32>,
    tpu.vector_store_idx %arg11[%add3A_5, %add3A_386], %gather3A_390 : memref<32x512xf32, #tpu.memory_space<vmem>>[vector<16xi32>, vector<16xi32>], vector<16xf32>,
    %slice3A_391 = vector.extract_strided_slice %scan3A_10#0 {offsets = [14], sizes = [1], strides = [1]} : vector<16xi32> to vector<1xi32>
    %squeeze3A_392 = vector.extract %slice3A_391[0] : i32 from vector<1xi32>
    %slice3A_393 = vector.extract_strided_slice %scan3A_10#1 {offsets = [14], sizes = [1], strides = [1]} : vector<16xi32> to vector<1xi32>
    %squeeze3A_394 = vector.extract %slice3A_393[0] : i32 from vector<1xi32>
    %dma_wait3A_395 = arith.constant 0 : i32
    %dma_wait3A_396 = arith.constant 0 : i32
    %dma_wait3A_397 = tpu.memref_slice %arg2[%dma_wait3A_395, %dma_wait3A_396] : memref<32x1000000xf32, #tpu.memory_space<hbm>> -> memref<32x128xf32, #tpu.memory_space<hbm>>
    %dma_wait3A_398 = arith.constant 0 : i32
    %dma_wait3A_399 = arith.constant 0 : i32
    %dma_wait3A_400 = tpu.memref_slice %arg2[%dma_wait3A_398, %dma_wait3A_399] : memref<32x1000000xf32, #tpu.memory_space<hbm>> -> memref<32x128xf32, #tpu.memory_space<hbm>>
    tpu.wait_dma2 semaphore(%arg34 : memref<!tpu.dma_semaphore, #tpu.memory_space<semaphore_mem>>) src(%dma_wait3A_400 : memref<32x128xf32, #tpu.memory_space<hbm>>) dst(%arg18 : memref<32x128xf32, #tpu.memory_space<vmem>>)
    %dma_wait3A_401 = arith.constant 0 : i32
    %dma_wait3A_402 = arith.constant 0 : i32
    %dma_wait3A_403 = tpu.memref_slice %arg3[%dma_wait3A_401, %dma_wait3A_402] : memref<32x1000000xf32, #tpu.memory_space<hbm>> -> memref<32x128xf32, #tpu.memory_space<hbm>>
    %dma_wait3A_404 = arith.constant 0 : i32
    %dma_wait3A_405 = arith.constant 0 : i32
    %dma_wait3A_406 = tpu.memref_slice %arg3[%dma_wait3A_404, %dma_wait3A_405] : memref<32x1000000xf32, #tpu.memory_space<hbm>> -> memref<32x128xf32, #tpu.memory_space<hbm>>
    tpu.wait_dma2 semaphore(%arg42 : memref<!tpu.dma_semaphore, #tpu.memory_space<semaphore_mem>>) src(%dma_wait3A_406 : memref<32x128xf32, #tpu.memory_space<hbm>>) dst(%arg26 : memref<32x128xf32, #tpu.memory_space<vmem>>)
    %broadcast_in_dim3A_407 = arith.constant 0 : i32
    %broadcast_in_dim3A_408 = vector.broadcast %broadcast_in_dim3A_407 : i32 to vector<16xi32>
    %jit3A_409 = arith.constant 128 : i32
    %eq3A_410 = arith.constant 0 : i32
    %eq3A_411 = arith.cmpi eq, %jit3A_409, %eq3A_410 : i32
    %jit3A_412 = arith.constant 1 : i32
    %select_n3A_413 = arith.select %eq3A_411, %jit3A_412, %jit3A_409 : i32
    %rem3A_414 = arith.remsi %squeeze3A_392, %select_n3A_413 : i32
    %ne3A_415 = arith.constant 0 : i32
    %ne3A_416 = arith.cmpi ne, %rem3A_414, %ne3A_415 : i32
    %lt3A_417 = arith.constant 0 : i32
    %lt3A_418 = arith.cmpi slt, %rem3A_414, %lt3A_417 : i32
    %lt3A_419 = arith.constant 0 : i32
    %lt3A_420 = arith.cmpi slt, %select_n3A_413, %lt3A_419 : i32
    %ne3A_421 = arith.xori %lt3A_418, %lt3A_420 : i1
    %and3A_422 = arith.andi %ne3A_421, %ne3A_416 : i1
    %add3A_423 = arith.addi %rem3A_414, %select_n3A_413 : i32
    %select_n3A_424 = arith.select %and3A_422, %add3A_423, %rem3A_414 : i32
    %add3A_425 = vector.broadcast %select_n3A_424 : i32 to vector<16xi32>
    %add3A_426 = arith.addi %broadcast_in_dim3A_408, %add3A_425 : vector<16xi32>
    %broadcast_in_dim3A_427 = arith.constant 0 : i32
    %broadcast_in_dim3A_428 = vector.broadcast %broadcast_in_dim3A_427 : i32 to vector<16xi32>
    %jit3A_429 = arith.constant 128 : i32
    %eq3A_430 = arith.constant 0 : i32
    %eq3A_431 = arith.cmpi eq, %jit3A_429, %eq3A_430 : i32
    %jit3A_432 = arith.constant 1 : i32
    %select_n3A_433 = arith.select %eq3A_431, %jit3A_432, %jit3A_429 : i32
    %rem3A_434 = arith.remsi %squeeze3A_394, %select_n3A_433 : i32
    %ne3A_435 = arith.constant 0 : i32
    %ne3A_436 = arith.cmpi ne, %rem3A_434, %ne3A_435 : i32
    %lt3A_437 = arith.constant 0 : i32
    %lt3A_438 = arith.cmpi slt, %rem3A_434, %lt3A_437 : i32
    %lt3A_439 = arith.constant 0 : i32
    %lt3A_440 = arith.cmpi slt, %select_n3A_433, %lt3A_439 : i32
    %ne3A_441 = arith.xori %lt3A_438, %lt3A_440 : i1
    %and3A_442 = arith.andi %ne3A_441, %ne3A_436 : i1
    %add3A_443 = arith.addi %rem3A_434, %select_n3A_433 : i32
    %select_n3A_444 = arith.select %and3A_442, %add3A_443, %rem3A_434 : i32
    %add3A_445 = vector.broadcast %select_n3A_444 : i32 to vector<16xi32>
    %add3A_446 = arith.addi %broadcast_in_dim3A_428, %add3A_445 : vector<16xi32>
    %broadcast_in_dim3A_447 = arith.constant 0 : i32
    %broadcast_in_dim3A_448 = vector.broadcast %broadcast_in_dim3A_447 : i32 to vector<16xi32>
    %add3A_449 = arith.constant 510 : i32
    %add3A_450 = vector.broadcast %add3A_449 : i32 to vector<16xi32>
    %add3A_451 = arith.addi %broadcast_in_dim3A_448, %add3A_450 : vector<16xi32>
    %gather3A_452 = tpu.vector_load_idx %arg18[%iota3A, %add3A_426] : memref<32x128xf32, #tpu.memory_space<vmem>>[vector<16xi32>, vector<16xi32>], vector<16xf32>,
    %gather3A_453 = tpu.vector_load_idx %arg26[%iota3A, %add3A_446] : memref<32x128xf32, #tpu.memory_space<vmem>>[vector<16xi32>, vector<16xi32>], vector<16xf32>,
    tpu.vector_store_idx %arg10[%iota3A, %add3A_451], %gather3A_452 : memref<32x512xf32, #tpu.memory_space<vmem>>[vector<16xi32>, vector<16xi32>], vector<16xf32>,
    tpu.vector_store_idx %arg11[%iota3A, %add3A_451], %gather3A_453 : memref<32x512xf32, #tpu.memory_space<vmem>>[vector<16xi32>, vector<16xi32>], vector<16xf32>,
    %gather3A_454 = tpu.vector_load_idx %arg18[%add3A_5, %add3A_426] : memref<32x128xf32, #tpu.memory_space<vmem>>[vector<16xi32>, vector<16xi32>], vector<16xf32>,
    %gather3A_455 = tpu.vector_load_idx %arg26[%add3A_5, %add3A_446] : memref<32x128xf32, #tpu.memory_space<vmem>>[vector<16xi32>, vector<16xi32>], vector<16xf32>,
    tpu.vector_store_idx %arg10[%add3A_5, %add3A_451], %gather3A_454 : memref<32x512xf32, #tpu.memory_space<vmem>>[vector<16xi32>, vector<16xi32>], vector<16xf32>,
    tpu.vector_store_idx %arg11[%add3A_5, %add3A_451], %gather3A_455 : memref<32x512xf32, #tpu.memory_space<vmem>>[vector<16xi32>, vector<16xi32>], vector<16xf32>,
    %slice3A_456 = vector.extract_strided_slice %scan3A_10#0 {offsets = [15], sizes = [1], strides = [1]} : vector<16xi32> to vector<1xi32>
    %squeeze3A_457 = vector.extract %slice3A_456[0] : i32 from vector<1xi32>
    %slice3A_458 = vector.extract_strided_slice %scan3A_10#1 {offsets = [15], sizes = [1], strides = [1]} : vector<16xi32> to vector<1xi32>
    %squeeze3A_459 = vector.extract %slice3A_458[0] : i32 from vector<1xi32>
    %dma_wait3A_460 = arith.constant 0 : i32
    %dma_wait3A_461 = arith.constant 0 : i32
    %dma_wait3A_462 = tpu.memref_slice %arg2[%dma_wait3A_460, %dma_wait3A_461] : memref<32x1000000xf32, #tpu.memory_space<hbm>> -> memref<32x128xf32, #tpu.memory_space<hbm>>
    %dma_wait3A_463 = arith.constant 0 : i32
    %dma_wait3A_464 = arith.constant 0 : i32
    %dma_wait3A_465 = tpu.memref_slice %arg2[%dma_wait3A_463, %dma_wait3A_464] : memref<32x1000000xf32, #tpu.memory_space<hbm>> -> memref<32x128xf32, #tpu.memory_space<hbm>>
    tpu.wait_dma2 semaphore(%arg35 : memref<!tpu.dma_semaphore, #tpu.memory_space<semaphore_mem>>) src(%dma_wait3A_465 : memref<32x128xf32, #tpu.memory_space<hbm>>) dst(%arg19 : memref<32x128xf32, #tpu.memory_space<vmem>>)
    %dma_wait3A_466 = arith.constant 0 : i32
    %dma_wait3A_467 = arith.constant 0 : i32
    %dma_wait3A_468 = tpu.memref_slice %arg3[%dma_wait3A_466, %dma_wait3A_467] : memref<32x1000000xf32, #tpu.memory_space<hbm>> -> memref<32x128xf32, #tpu.memory_space<hbm>>
    %dma_wait3A_469 = arith.constant 0 : i32
    %dma_wait3A_470 = arith.constant 0 : i32
    %dma_wait3A_471 = tpu.memref_slice %arg3[%dma_wait3A_469, %dma_wait3A_470] : memref<32x1000000xf32, #tpu.memory_space<hbm>> -> memref<32x128xf32, #tpu.memory_space<hbm>>
    tpu.wait_dma2 semaphore(%arg43 : memref<!tpu.dma_semaphore, #tpu.memory_space<semaphore_mem>>) src(%dma_wait3A_471 : memref<32x128xf32, #tpu.memory_space<hbm>>) dst(%arg27 : memref<32x128xf32, #tpu.memory_space<vmem>>)
    %broadcast_in_dim3A_472 = arith.constant 0 : i32
    %broadcast_in_dim3A_473 = vector.broadcast %broadcast_in_dim3A_472 : i32 to vector<16xi32>
    %jit3A_474 = arith.constant 128 : i32
    %eq3A_475 = arith.constant 0 : i32
    %eq3A_476 = arith.cmpi eq, %jit3A_474, %eq3A_475 : i32
    %jit3A_477 = arith.constant 1 : i32
    %select_n3A_478 = arith.select %eq3A_476, %jit3A_477, %jit3A_474 : i32
    %rem3A_479 = arith.remsi %squeeze3A_457, %select_n3A_478 : i32
    %ne3A_480 = arith.constant 0 : i32
    %ne3A_481 = arith.cmpi ne, %rem3A_479, %ne3A_480 : i32
    %lt3A_482 = arith.constant 0 : i32
    %lt3A_483 = arith.cmpi slt, %rem3A_479, %lt3A_482 : i32
    %lt3A_484 = arith.constant 0 : i32
    %lt3A_485 = arith.cmpi slt, %select_n3A_478, %lt3A_484 : i32
    %ne3A_486 = arith.xori %lt3A_483, %lt3A_485 : i1
    %and3A_487 = arith.andi %ne3A_486, %ne3A_481 : i1
    %add3A_488 = arith.addi %rem3A_479, %select_n3A_478 : i32
    %select_n3A_489 = arith.select %and3A_487, %add3A_488, %rem3A_479 : i32
    %add3A_490 = vector.broadcast %select_n3A_489 : i32 to vector<16xi32>
    %add3A_491 = arith.addi %broadcast_in_dim3A_473, %add3A_490 : vector<16xi32>
    %broadcast_in_dim3A_492 = arith.constant 0 : i32
    %broadcast_in_dim3A_493 = vector.broadcast %broadcast_in_dim3A_492 : i32 to vector<16xi32>
    %jit3A_494 = arith.constant 128 : i32
    %eq3A_495 = arith.constant 0 : i32
    %eq3A_496 = arith.cmpi eq, %jit3A_494, %eq3A_495 : i32
    %jit3A_497 = arith.constant 1 : i32
    %select_n3A_498 = arith.select %eq3A_496, %jit3A_497, %jit3A_494 : i32
    %rem3A_499 = arith.remsi %squeeze3A_459, %select_n3A_498 : i32
    %ne3A_500 = arith.constant 0 : i32
    %ne3A_501 = arith.cmpi ne, %rem3A_499, %ne3A_500 : i32
    %lt3A_502 = arith.constant 0 : i32
    %lt3A_503 = arith.cmpi slt, %rem3A_499, %lt3A_502 : i32
    %lt3A_504 = arith.constant 0 : i32
    %lt3A_505 = arith.cmpi slt, %select_n3A_498, %lt3A_504 : i32
    %ne3A_506 = arith.xori %lt3A_503, %lt3A_505 : i1
    %and3A_507 = arith.andi %ne3A_506, %ne3A_501 : i1
    %add3A_508 = arith.addi %rem3A_499, %select_n3A_498 : i32
    %select_n3A_509 = arith.select %and3A_507, %add3A_508, %rem3A_499 : i32
    %add3A_510 = vector.broadcast %select_n3A_509 : i32 to vector<16xi32>
    %add3A_511 = arith.addi %broadcast_in_dim3A_493, %add3A_510 : vector<16xi32>
    %broadcast_in_dim3A_512 = arith.constant 0 : i32
    %broadcast_in_dim3A_513 = vector.broadcast %broadcast_in_dim3A_512 : i32 to vector<16xi32>
    %add3A_514 = arith.constant 511 : i32
    %add3A_515 = vector.broadcast %add3A_514 : i32 to vector<16xi32>
    %add3A_516 = arith.addi %broadcast_in_dim3A_513, %add3A_515 : vector<16xi32>
    %gather3A_517 = tpu.vector_load_idx %arg19[%iota3A, %add3A_491] : memref<32x128xf32, #tpu.memory_space<vmem>>[vector<16xi32>, vector<16xi32>], vector<16xf32>,
    %gather3A_518 = tpu.vector_load_idx %arg27[%iota3A, %add3A_511] : memref<32x128xf32, #tpu.memory_space<vmem>>[vector<16xi32>, vector<16xi32>], vector<16xf32>,
    tpu.vector_store_idx %arg10[%iota3A, %add3A_516], %gather3A_517 : memref<32x512xf32, #tpu.memory_space<vmem>>[vector<16xi32>, vector<16xi32>], vector<16xf32>,
    tpu.vector_store_idx %arg11[%iota3A, %add3A_516], %gather3A_518 : memref<32x512xf32, #tpu.memory_space<vmem>>[vector<16xi32>, vector<16xi32>], vector<16xf32>,
    %gather3A_519 = tpu.vector_load_idx %arg19[%add3A_5, %add3A_491] : memref<32x128xf32, #tpu.memory_space<vmem>>[vector<16xi32>, vector<16xi32>], vector<16xf32>,
    %gather3A_520 = tpu.vector_load_idx %arg27[%add3A_5, %add3A_511] : memref<32x128xf32, #tpu.memory_space<vmem>>[vector<16xi32>, vector<16xi32>], vector<16xf32>,
    tpu.vector_store_idx %arg10[%add3A_5, %add3A_516], %gather3A_519 : memref<32x512xf32, #tpu.memory_space<vmem>>[vector<16xi32>, vector<16xi32>], vector<16xf32>,
    tpu.vector_store_idx %arg11[%add3A_5, %add3A_516], %gather3A_520 : memref<32x512xf32, #tpu.memory_space<vmem>>[vector<16xi32>, vector<16xi32>], vector<16xf32>,
    "tpu.region"() ({
      %run_scoped3A = tpu.sem_alloc : memref<!tpu.dma_semaphore, #tpu.memory_space<semaphore_mem>>
      %dma_start3A = arith.constant 0 : i32
      %dma_start3A_521 = tpu.memref_slice %arg6[%dma_start3A, %mul3A_2] : memref<32x16384xf32, #tpu.memory_space<hbm>> -> memref<32x512xf32, #tpu.memory_space<hbm>>
      %dma_start3A_522 = arith.constant 0 : i32
      %dma_start3A_523 = tpu.memref_slice %arg6[%dma_start3A_522, %mul3A_2] : memref<32x16384xf32, #tpu.memory_space<hbm>> -> memref<32x512xf32, #tpu.memory_space<hbm>>
      tpu.enqueue_dma source(%arg10 : memref<32x512xf32, #tpu.memory_space<vmem>>) target(%dma_start3A_523 : memref<32x512xf32, #tpu.memory_space<hbm>>) target_semaphore(%run_scoped3A : memref<!tpu.dma_semaphore, #tpu.memory_space<semaphore_mem>>)
      %dma_wait3A_524 = arith.constant 0 : i32
      %dma_wait3A_525 = tpu.memref_slice %arg6[%dma_wait3A_524, %mul3A_2] : memref<32x16384xf32, #tpu.memory_space<hbm>> -> memref<32x512xf32, #tpu.memory_space<hbm>>
      %dma_wait3A_526 = arith.constant 0 : i32
      %dma_wait3A_527 = tpu.memref_slice %arg6[%dma_wait3A_526, %mul3A_2] : memref<32x16384xf32, #tpu.memory_space<hbm>> -> memref<32x512xf32, #tpu.memory_space<hbm>>
      tpu.wait_dma2 semaphore(%run_scoped3A : memref<!tpu.dma_semaphore, #tpu.memory_space<semaphore_mem>>) src(%arg10 : memref<32x512xf32, #tpu.memory_space<vmem>>) dst(%dma_wait3A_527 : memref<32x512xf32, #tpu.memory_space<hbm>>)
      tpu.yield
    }) : () -> ()
    "tpu.region"() ({
      %run_scoped3A = tpu.sem_alloc : memref<!tpu.dma_semaphore, #tpu.memory_space<semaphore_mem>>
      %dma_start3A = arith.constant 0 : i32
      %dma_start3A_521 = tpu.memref_slice %arg7[%dma_start3A, %mul3A_2] : memref<32x16384xf32, #tpu.memory_space<hbm>> -> memref<32x512xf32, #tpu.memory_space<hbm>>
      %dma_start3A_522 = arith.constant 0 : i32
      %dma_start3A_523 = tpu.memref_slice %arg7[%dma_start3A_522, %mul3A_2] : memref<32x16384xf32, #tpu.memory_space<hbm>> -> memref<32x512xf32, #tpu.memory_space<hbm>>
      tpu.enqueue_dma source(%arg11 : memref<32x512xf32, #tpu.memory_space<vmem>>) target(%dma_start3A_523 : memref<32x512xf32, #tpu.memory_space<hbm>>) target_semaphore(%run_scoped3A : memref<!tpu.dma_semaphore, #tpu.memory_space<semaphore_mem>>)
      %dma_wait3A_524 = arith.constant 0 : i32
      %dma_wait3A_525 = tpu.memref_slice %arg7[%dma_wait3A_524, %mul3A_2] : memref<32x16384xf32, #tpu.memory_space<hbm>> -> memref<32x512xf32, #tpu.memory_space<hbm>>
      %dma_wait3A_526 = arith.constant 0 : i32
      %dma_wait3A_527 = tpu.memref_slice %arg7[%dma_wait3A_526, %mul3A_2] : memref<32x16384xf32, #tpu.memory_space<hbm>> -> memref<32x512xf32, #tpu.memory_space<hbm>>
      tpu.wait_dma2 semaphore(%run_scoped3A : memref<!tpu.dma_semaphore, #tpu.memory_space<semaphore_mem>>) src(%arg11 : memref<32x512xf32, #tpu.memory_space<vmem>>) dst(%dma_wait3A_527 : memref<32x512xf32, #tpu.memory_space<hbm>>)
      tpu.yield
    }) : () -> ()
    return
  }
}

module attributes {stable_mosaic.version = 14 : i64} {
  func.func @_mlp_body(%arg0: memref<32x16384xf32, #tpu.memory_space<vmem>>, %arg1: memref<32x16384xf32, #tpu.memory_space<vmem>>, %arg2: memref<32x32xf32, #tpu.memory_space<vmem>>, %arg3: memref<32x32xf32, #tpu.memory_space<vmem>>, %arg4: memref<1x32xf32, #tpu.memory_space<vmem>>, %arg5: memref<1x1xf32, #tpu.memory_space<vmem>>, %arg6: memref<1x16384xf32, #tpu.memory_space<vmem>>) attributes {dimension_semantics = [], scalar_prefetch = 0 : i64, scratch_operands = 0 : i64, tpu.core_type = #tpu.core_type<tc>} {
    %get3A = arith.constant 0 : index
    %get3A_0 = arith.constant 0 : index
    %get3A_1 = vector.load %arg2[%get3A, %get3A_0] : memref<32x32xf32, #tpu.memory_space<vmem>>, vector<32x32xf32>
    %get3A_2 = arith.constant 0 : index
    %get3A_3 = arith.constant 0 : index
    %get3A_4 = vector.load %arg0[%get3A_2, %get3A_3] : memref<32x16384xf32, #tpu.memory_space<vmem>>, vector<32x16384xf32>
    %dot_general3A = arith.constant dense<0.000000e+00> : vector<32x16384xf32>
    %dot_general3A_5 = tpu.matmul %get3A_1, %get3A_4, %dot_general3A {dimension_numbers = #tpu.dot_dimension_numbers<[1], [0], [0], [1], [0, 0, 1, 1], [], []>, transpose_lhs_hint = false} : vector<32x32xf32>, vector<32x16384xf32>, vector<32x16384xf32> -> vector<32x16384xf32>
    %get3A_6 = arith.constant 0 : index
    %get3A_7 = arith.constant 0 : index
    %get3A_8 = vector.load %arg3[%get3A_6, %get3A_7] : memref<32x32xf32, #tpu.memory_space<vmem>>, vector<32x32xf32>
    %get3A_9 = arith.constant 0 : index
    %get3A_10 = arith.constant 0 : index
    %get3A_11 = vector.load %arg1[%get3A_9, %get3A_10] : memref<32x16384xf32, #tpu.memory_space<vmem>>, vector<32x16384xf32>
    %dot_general3A_12 = arith.constant dense<0.000000e+00> : vector<32x16384xf32>
    %dot_general3A_13 = tpu.matmul %get3A_8, %get3A_11, %dot_general3A_12 {dimension_numbers = #tpu.dot_dimension_numbers<[1], [0], [0], [1], [0, 0, 1, 1], [], []>, transpose_lhs_hint = false} : vector<32x32xf32>, vector<32x16384xf32>, vector<32x16384xf32> -> vector<32x16384xf32>
    %add3A = arith.addf %dot_general3A_5, %dot_general3A_13 : vector<32x16384xf32>
    %max3A = arith.constant 0.000000e+00 : f32
    %max3A_14 = vector.broadcast %max3A : f32 to vector<32x16384xf32>
    %max3A_15 = arith.maximumf %add3A, %max3A_14 : vector<32x16384xf32>
    %get3A_16 = arith.constant 0 : index
    %get3A_17 = arith.constant 0 : index
    %get3A_18 = vector.load %arg4[%get3A_16, %get3A_17] : memref<1x32xf32, #tpu.memory_space<vmem>>, vector<1x32xf32>
    %dot_general3A_19 = arith.constant dense<0.000000e+00> : vector<1x16384xf32>
    %dot_general3A_20 = tpu.matmul %get3A_18, %max3A_15, %dot_general3A_19 {dimension_numbers = #tpu.dot_dimension_numbers<[1], [0], [0], [1], [0, 0, 1, 1], [], []>, transpose_lhs_hint = false} : vector<1x32xf32>, vector<32x16384xf32>, vector<1x16384xf32> -> vector<1x16384xf32>
    %get3A_21 = arith.constant 0 : index
    %get3A_22 = arith.constant 0 : index
    %get3A_23 = vector.load %arg5[%get3A_21, %get3A_22] : memref<1x1xf32, #tpu.memory_space<vmem>>, vector<1x1xf32>
    %add3A_24 = vector.broadcast %get3A_23 : vector<1x1xf32> to vector<1x16384xf32>
    %add3A_25 = arith.addf %dot_general3A_20, %add3A_24 : vector<1x16384xf32>
    %logistic3A = arith.negf %add3A_25 : vector<1x16384xf32>
    %logistic3A_26 = math.exp %logistic3A : vector<1x16384xf32>
    %logistic3A_27 = arith.constant 1.000000e+00 : f32
    %logistic3A_28 = vector.broadcast %logistic3A_27 : f32 to vector<1x16384xf32>
    %logistic3A_29 = arith.addf %logistic3A_28, %logistic3A_26 : vector<1x16384xf32>
    %logistic3A_30 = arith.divf %logistic3A_28, %logistic3A_29 : vector<1x16384xf32>
    %swap3A = arith.constant 0 : index
    %swap3A_31 = arith.constant 0 : index
    %swap3A_32 = vector.load %arg6[%swap3A, %swap3A_31] : memref<1x16384xf32, #tpu.memory_space<vmem>>, vector<1x16384xf32>
    tpu.vector_store %arg6[%swap3A, %swap3A_31], %logistic3A_30 {strides = array<i32>} : memref<1x16384xf32, #tpu.memory_space<vmem>>, vector<1x16384xf32>,
    return
  }
}

</mosaic_0001>

<sc_bundles>
// kernel: kernel.4.cloned.1.call-start
scs
__scs_entry_jumppad:
0x0: {  	(pc) =	sbr.rel $0x88, $3  }
0x1: {  	(tag) =	ssettag $0x0;
	lr =	simm.s32 $0x1  }
0x2: {  	[smem:$0x3F9B] =	sst lr;
	_ =	strace $0xD0000000  }
0x3: {  	_ = 	snop  }
0x4: {  	_ = 	snop  }
0x5: {  	_ = 	snop  }
0x6: {  	_ = 	snop  }
0x7: {  	_ = 	snop  }
__scs_overlays_trampoline_lowered:
0x8: {  	[smem:$0x3FAA] =	sst s0  }
0x9: {  	[smem:$0x3FAB] =	sst s1  }
0xa: {  	[smem:$0x3FAC] =	sst s2  }
0xb: {  	[smem:$0x3FAD] =	sst s3  }
0xc: {  	[smem:$0x3FAE] =	sst s4  }
0xd: {  	[smem:$0x3FAF] =	sst s5  }
0xe: {  	[smem:$0x3FB0] =	sst s6  }
0xf: {  	[smem:$0x3FB1] =	sst s7  }
0x10: {  	[smem:$0x3FB2] =	sst s8  }
0x11: {  	[smem:$0x3FB3] =	sst s9;
	s0 =	simm.s32 @!p0 $0x0  }
0x12: {  	s1 =	sld [smem:$0x3F99];
	s0 =	simm.s32 @p0 $0x1  }
0x13: {  	[smem:$0x3FB4] =	sst s0;
	s0 =	simm.s32 @!p1 $0x0  }
0x14: {  	s2 =	sld [smem:$0x3F98];
	s0 =	simm.s32 @p1 $0x1  }
0x15: {  	[smem:$0x3FB5] =	sst s0;
	s0 =	simm.s32 @!p2 $0x0  }
0x16: {  	s3 =	sld [smem:$0x3FDB];
	s0 =	simm.s32 @p2 $0x1  }
0x17: {  	s4 =	simm.s32 $0x1BF5;
	[smem:$0x3FB7] =	sst s0  }
0x18: {  	s0 =	sld [smem:$0x3F9A];
	_ =	swait.ge [sflag:s4], $0x0  }
0x19: {  	s7 =	sld [smem:$0x3F9B]  }
0x1a: {  	s8 =	sadd.s32 $0xFFFFE003, lr  }
0x1b: {  	s9 =	sadd.s32 $0xFFFFFEF7, lr;
	s5 =	simm.s32 $0xFFFFFFFF;
	p2 =	slt.u32 s8, $0xFFFFF086  }
0x1c: {  	p1 =	slt.u32 s9, $0xF7A;
	s5 =	simm.s32 @!p2 $0x0  }
0x1d: {  	s5 =	simm.s32 @p1 $0x1;
	p0 =	seq.s32 s7, s2  }
0x1e: {  	s7 =	smul.u32 @!p0 $0xF7A, s2;
	p2 =	seq.s32 @!p0 s5, $0x0  }
0x1f: {  	s9 =	smul.u32 $0xF7A, s1;
	s8 =	simm.s32 @!p0 $0x1BF5;
	p2 =	por !p2, p0  }
0x20: {  	[sflag:s8] =	ssyncset.s32 @!p0 $0xFFFFF086;
	s6 =	sadd.s32 @!p0 s3, s7;
	s7 =	simm.s32 @!p0 $0x108  }
0x21: {  	s3 =	sadd.s32 s3, s9;
	s6 =	sadd.s32 @!p0 $0x88, s6;
	s7 =	simm.s32 @p2 $0x1082  }
0x22: {  	[simem:s7], [sflag:s8] =	dma.local @!p0 [hbm:s6], $0xF7A  }
0x23: {  	s9 =	sor.u32 $0xD0000000, s2;
	s6 =	simm.s32 $0x108;
	_ =	swait.ge @!p0 [sflag:s8], $0x0  }
0x24: {  	s3 =	sadd.s32 $0x88, s3;
	s6 =	simm.s32 @!p1 $0x1082;
	[sflag:s4] =	ssyncset.s32 $0xFFFFF086  }
0x25: {  	[simem:s6], [sflag:s4] =	dma.local [hbm:s3], $0xF7A  }
0x26: {  	[smem:$0x3F9B] =	sst s1;
	(tag) =	ssettag s2;
	_ =	strace s9  }
0x27: {  	s1 =	sld [smem:$0x3FAB]  }
0x28: {  	s2 =	sld [smem:$0x3FAC]  }
0x29: {  	s4 =	sld [smem:$0x3FAE]  }
0x2a: {  	p0 =	seq.s32 s5, $0x0;
	s5 =	sld [smem:$0x3FAF]  }
0x2b: {  	s6 =	sld [smem:$0x3FB0]  }
0x2c: {  	s7 =	sld [smem:$0x3FB1]  }
0x2d: {  	s3 =	simm.s32 $0x108;
	s8 =	sld [smem:$0x3FB2]  }
0x2e: {  	s3 =	simm.s32 @!p0 $0x1082;
	s9 =	sld [smem:$0x3FB3]  }
0x2f: {  	lr =	sadd.s32 s0, s3;
	s0 =	sld [smem:$0x3FAA]  }
0x30: {  	s3 =	sld [smem:$0x3FAD]  }
0x31: {  	[smem:$0x3FB6] =	sst s10  }
0x32: {  	s10 =	sld [smem:$0x3FB4];
	_ =	sdelay $0x3  }
0x33: {  	p0 =	seq.s32 s10, $0x1;
	s10 =	sld [smem:$0x3FB6];
	_ =	sdelay $0x3  }
0x34: {  	[smem:$0x3FB6] =	sst s10  }
0x35: {  	s10 =	sld [smem:$0x3FB5];
	_ =	sdelay $0x3  }
0x36: {  	p1 =	seq.s32 s10, $0x1;
	s10 =	sld [smem:$0x3FB6];
	_ =	sdelay $0x3  }
0x37: {  	[smem:$0x3FB6] =	sst s10  }
0x38: {  	s10 =	sld [smem:$0x3FB7]  }
0x39: {  	_ = 	snop;
	(pc) =	sbr.ind lr, $3  }
0x3a: {  	_ = 	snop  }
0x3b: {  	_ = 	snop  }
0x3c: {  	p2 =	seq.s32 s10, $0x1;
	s10 =	sld [smem:$0x3FB6]  }
0x3d: {  	_ =	shalt  }
0x3e: {  	_ =	shalt  }
0x3f: {  	_ =	shalt  }
0x40: {  	_ =	shalt  }
0x41: {  	_ =	shalt  }
0x42: {  	_ =	shalt  }
0x43: {  	_ =	shalt  }
0x44: {  	_ =	shalt  }
0x45: {  	_ =	shalt  }
0x46: {  	_ =	shalt  }
0x47: {  	_ =	shalt  }
0x48: {  	_ =	shalt  }
0x49: {  	_ =	shalt  }
0x4a: {  	_ =	shalt  }
0x4b: {  	_ =	shalt  }
0x4c: {  	_ =	shalt  }
0x4d: {  	_ =	shalt  }
0x4e: {  	_ =	shalt  }
0x4f: {  	_ =	shalt  }
0x50: {  	_ =	shalt  }
0x51: {  	_ =	shalt  }
0x52: {  	_ =	shalt  }
0x53: {  	_ =	shalt  }
0x54: {  	_ =	shalt  }
0x55: {  	_ =	shalt  }
0x56: {  	_ =	shalt  }
0x57: {  	_ =	shalt  }
0x58: {  	_ =	shalt  }
0x59: {  	_ =	shalt  }
0x5a: {  	_ =	shalt  }
0x5b: {  	_ =	shalt  }
0x5c: {  	_ =	shalt  }
0x5d: {  	_ =	shalt  }
0x5e: {  	_ =	shalt  }
0x5f: {  	_ =	shalt  }
0x60: {  	_ =	shalt  }
0x61: {  	_ =	shalt  }
0x62: {  	_ =	shalt  }
0x63: {  	_ =	shalt  }
0x64: {  	_ =	shalt  }
0x65: {  	_ =	shalt  }
0x66: {  	_ =	shalt  }
0x67: {  	_ =	shalt  }
0x68: {  	_ =	shalt  }
0x69: {  	_ =	shalt  }
0x6a: {  	_ =	shalt  }
0x6b: {  	_ =	shalt  }
0x6c: {  	_ =	shalt  }
0x6d: {  	_ =	shalt  }
0x6e: {  	_ =	shalt  }
0x6f: {  	_ =	shalt  }
0x70: {  	_ =	shalt  }
0x71: {  	_ =	shalt  }
0x72: {  	_ =	shalt  }
0x73: {  	_ =	shalt  }
0x74: {  	_ =	shalt  }
0x75: {  	_ =	shalt  }
0x76: {  	_ =	shalt  }
0x77: {  	_ =	shalt  }
0x78: {  	_ =	shalt  }
0x79: {  	_ =	shalt  }
0x7a: {  	_ =	shalt  }
0x7b: {  	_ =	shalt  }
0x7c: {  	_ =	shalt  }
0x7d: {  	_ =	shalt  }
0x7e: {  	_ =	shalt  }
0x7f: {  	_ =	shalt  }
0x80: {  	_ =	shalt  }
0x81: {  	_ =	shalt  }
0x82: {  	_ =	shalt  }
0x83: {  	_ =	shalt  }
0x84: {  	_ =	shalt  }
0x85: {  	_ =	shalt  }
0x86: {  	_ =	shalt  }
0x87: {  	_ =	shalt  }
.Lfunc_end0:
.L_simem_size_0:
called_computation_lowered:
.L_overlay_start_0:
0x88: {  	s2 =	sld [smem:$0x3FD9]  }
0x89: {  	s3 =	sld [smem:$0x3FFE];
	_ =	sdelay $0x1  }
0x8a: {  	s1 =	srdreg.scid  }
0x8b: {  	s0 =	sand.u32 $0x1, s1  }
0x8c: {  	s17 =	sshll.u32 s0, $0xA;
	s2 =	sadd.s32 s3, s2  }
0x8d: {  	s2 =	sadd.s32 s2, s17  }
0x8e: {  	[smem:$0x3FC2] =	sst s2  }
0x8f: {  	_ = 	snop  }
0x90: {  	s2 =	sld [smem:$0x3FC8]  }
0x91: {  	s18 =	sld [smem:$0x3FC7]  }
0x92: {  	s4 =	sld [smem:$0x3FD0];
	(tm) =	ssettm $0x1  }
0x93: {  	s5 =	sld [smem:$0x3FFB];
	_ =	sdelay $0x3  }
0x94: {  	_ =	strace s5  }
0x95: {  	s5 =	sld [smem:$0x3FFC];
	_ =	sdelay $0x3  }
0x96: {  	_ =	strace s5  }
0x97: {  	s5 =	sld [smem:$0x3FFD];
	_ =	sdelay $0x3  }
0x98: {  	_ =	strace s5  }
0x99: {  	_ =	strace $0x8FFFFFFF  }
0x9a: {  	s19 =	sld [smem:$0x3FDB];
	_ =	sdelay $0x1  }
0x9b: {  	s6 =	simm.s32 $_scs_section_size  }
0x9c: {  	s7 =	simm.s32 $_size__tile_overlayer_lowered;
	s8 =	simm.s32 $_tile_overlayer_lowered  }
0x9d: {  	s22 =	simm.s32 $0x1BFF;
	s21 =	sshll.u32 s8, $0x1;
	s5 =	sadd.s32 s6, s19  }
0x9e: {  	s9 =	simm.s32 $0x0;
	s20 =	sshll.u32 s7, $0x1;
	s7 =	sadd.s32 s21, s5  }
0x9f: {  	[timem:s9], [sflag:s22] =	dma.local [hbm:s7], s20  }
0xa0: {  	_ =	swait.ge [sflag:s22], s20  }
0xa1: {  	s6 =	ssub.s32 $0x0, s20;
	[sflag:s22] =	ssyncset.done $0x0  }
0xa2: {  	[sflag:s22] =	ssyncadd.s32 s6;
	_ =	sdelay $0x1  }
0xa3: {  	s23 =	simm.s32 $0x1B8B  }
0xa4: {  	_ =	swait.ge [sflag:s23], $0x1  }
0xa5: {  	[sflag:s23] =	ssyncset.done $0x0  }
0xa6: {  	s25 =	simm.s32 $0x1B8E;
	s24 =	sld [smem:$0x3FFE];
	[sflag:s23] =	ssyncadd.s32 $0xFFFFFFFF  }
0xa7: {  	s26 =	simm.s32 $execute0_lowered;
	[smem:$0x3FD2] =	sst s25  }
0xa8: {  	s7 =	sshll.u32 s26, $0x1;
	_ =	strace $0x80000046;
	[dreg:$0x1] =	wrdreg $0xFFFFFFFF  }
0xa9: {  	s28 =	simm.s32 $_size_execute0_lowered;
	s5 =	sadd.s32 s5, s7;
	[dreg:$0x0] =	wrdreg $0x0  }
0xaa: {  	s7 =	sshll.u32 s28, $0x1;
	[dreg:$0x2] =	wrdreg s5  }
0xab: {  	[dreg:$0x3] =	wrdreg s7  }
0xac: {  	[dreg:$0x4] =	wrdreg $0xC0  }
0xad: {  	_ =	task [dreg:s9], $0x5FFFF  }
0xae: {  	[dreg:$0x1] =	wrdreg $0xFFFFFFFF  }
0xaf: {  	[dreg:$0x0] =	wrdreg $0x60  }
0xb0: {  	[dreg:$0x2] =	wrdreg s2  }
0xb1: {  	[dreg:$0x3] =	wrdreg s18  }
0xb2: {  	[dreg:$0x4] =	wrdreg s24  }
0xb3: {  	[dreg:$0x5] =	wrdreg s4  }
0xb4: {  	[dreg:$0x6] =	wrdreg $0x9  }
0xb5: {  	_ =	task.clear_ibuf [dreg:s9], $0x7FFFF;
	_ =	strace $0x90000046  }
0xb6: {  	s29 =	simm.s32 $0x9;
	_ =	strace $0x80000048  }
0xb7: {  	_ =	swait.ge [sflag:s29], $0x1  }
0xb8: {  	[sflag:s29] =	ssyncadd.s32 $0xFFFFFFFF  }
0xb9: {  	_ =	strace $0x90000048  }
0xba: {  	_ =	sfence  }
0xbb: {  	s30 =	sld [smem:$0x0];
	_ =	sdelay $0x2  }
0xbc: {  	s31 =	sshll.u32 s1, $0xD;
	s1 =	sshrl.u32 s1, $0x2  }
0xbd: {  	s3 =	sand.u32 $0x4000, s31;
	s1 =	sadd.s32 s1, s30  }
0xbe: {  	s0 =	sor.u32 s3, s0;
	s1 =	sshll.u32 s1, $0x11  }
0xbf: {  	s0 =	sor.u32 s1, s0  }
0xc0: {  	s0 =	sadd.s32 $0x8F2B, s0  }
0xc1: {  	[sflag:s0] =	ssyncadd.remote.s32 $0x1  }
0xc2: {  	_ =	sfence.sel $0xFFFF  }
0xc3: {  	[dreg:$0x0] =	wrdreg $0xFFFFFFFF;
	(pc) =	sbr.abs _section_cstart, $3  }
0xc4: {  	[dreg:$0x1] =	wrdreg $0xFFFFFFFF  }
0xc5: {  	_ =	task.clear_ibuf [dreg:s9], $0x2FFFF;
	_ =	strace $0x9FFFFFFF  }
0xc6: {  	(tm) =	ssettm $0x7FFFFFFF  }
0xc7: {  	_ =	shalt  }
tec
execute0_lowered:
.L_overlay_start_1:
0x0: {  	(tag) =	ssettag $0x1  }
0x1: {  	v0 =	vimm.s32 $0x1380;
	vm14 =	vcmask $0x300;
	vm13 =	vcmask $0x704  }
0x2: {  	vm12 =	vcmask $0xB08;
	vm11 =	vcmask $0xF0C;
	vm10 =	vcmask $0x1310  }
0x3: {  	vm9 =	vcmask $0x1714;
	v1 =	vlaneseq.u32;
	vm8 =	vcmask $0x1B18  }
0x4: {  	vm7 =	vcmask $0x1F1C;
	v3 =	vimm.s32 $0x1FF8;
	vm0 =	vcmask $0x2320  }
0x5: {  	vm1 =	vcmask $0x2724;
	vm2 =	vcmask $0x2B28;
	vm3 =	vcmask $0x2F2C  }
0x6: {  	vm4 =	vcmask $0x3330;
	vm5 =	vcmask $0x3734;
	vm6 =	vcmask $0x3B38  }
0x7: {  	v6 =	vimm.s32 $0x1FF9;
	v7 =	vimm.s32 $0x3FF9;
	v8 =	vimm.s32 $0x1FFA  }
0x8: {  	v9 =	vimm.s32 $0x3FFA;
	v10 =	vimm.s32 $0x1FFB;
	v11 =	vimm.s32 $0x3FFB  }
0x9: {  	v12 =	vimm.s32 $0x1FFC;
	v13 =	vimm.s32 $0x3FFC;
	v14 =	vimm.s32 $0x1FFD  }
0xa: {  	v15 =	vimm.s32 $0x3FFD;
	v16 =	vimm.s32 $0x1FFE;
	v17 =	vimm.s32 $0x3FFE  }
0xb: {  	v18 =	vimm.s32 $0x1FFF;
	v19 =	vimm.s32 $0x3FFF;
	v0 =	vsel vm14, $0x0, v0  }
0xc: {  	v3 =	vsel vm14, $0xC78, v3;
	v6 =	vsel vm14, $0xC79, v6;
	v7 =	vsel vm14, $0x2C79, v7  }
0xd: {  	v8 =	vsel vm14, $0xC7A, v8;
	v9 =	vsel vm14, $0x2C7A, v9;
	v10 =	vsel vm14, $0xC7B, v10  }
0xe: {  	v11 =	vsel vm14, $0x2C7B, v11;
	v12 =	vsel vm14, $0xC7C, v12;
	v13 =	vsel vm14, $0x2C7C, v13  }
0xf: {  	v14 =	vsel vm14, $0xC7D, v14;
	v15 =	vsel vm14, $0x2C7D, v15;
	v16 =	vsel vm14, $0xC7E, v16  }
0x10: {  	v17 =	vsel vm14, $0x2C7E, v17;
	v18 =	vsel vm14, $0xC7F, v18;
	v19 =	vsel vm14, $0x2C7F, v19  }
0x11: {  	v0 =	vsel vm13, $0x80, v0;
	v3 =	vsel vm13, $0xCF8, v3;
	v6 =	vsel vm13, $0xCF9, v6  }
0x12: {  	v7 =	vsel vm13, $0x2CF9, v7;
	v8 =	vsel vm13, $0xCFA, v8;
	v9 =	vsel vm13, $0x2CFA, v9  }
0x13: {  	v10 =	vsel vm13, $0xCFB, v10;
	v11 =	vsel vm13, $0x2CFB, v11;
	v12 =	vsel vm13, $0xCFC, v12  }
0x14: {  	v13 =	vsel vm13, $0x2CFC, v13;
	v14 =	vsel vm13, $0xCFD, v14;
	v15 =	vsel vm13, $0x2CFD, v15  }
0x15: {  	v16 =	vsel vm13, $0xCFE, v16;
	v17 =	vsel vm13, $0x2CFE, v17;
	v18 =	vsel vm13, $0xCFF, v18  }
0x16: {  	v19 =	vsel vm13, $0x2CFF, v19;
	v0 =	vsel vm12, $0x100, v0;
	v3 =	vsel vm12, $0xD78, v3  }
0x17: {  	v6 =	vsel vm12, $0xD79, v6;
	v7 =	vsel vm12, $0x2D79, v7;
	v8 =	vsel vm12, $0xD7A, v8  }
0x18: {  	v9 =	vsel vm12, $0x2D7A, v9;
	v10 =	vsel vm12, $0xD7B, v10;
	v11 =	vsel vm12, $0x2D7B, v11  }
0x19: {  	v12 =	vsel vm12, $0xD7C, v12;
	v13 =	vsel vm12, $0x2D7C, v13;
	v14 =	vsel vm12, $0xD7D, v14  }
0x1a: {  	v15 =	vsel vm12, $0x2D7D, v15;
	v16 =	vsel vm12, $0xD7E, v16;
	v17 =	vsel vm12, $0x2D7E, v17  }
0x1b: {  	v18 =	vsel vm12, $0xD7F, v18;
	v19 =	vsel vm12, $0x2D7F, v19;
	v0 =	vsel vm11, $0x180, v0  }
0x1c: {  	v3 =	vsel vm11, $0xDF8, v3;
	v6 =	vsel vm11, $0xDF9, v6;
	v7 =	vsel vm11, $0x2DF9, v7  }
0x1d: {  	v8 =	vsel vm11, $0xDFA, v8;
	v9 =	vsel vm11, $0x2DFA, v9;
	v10 =	vsel vm11, $0xDFB, v10  }
0x1e: {  	v11 =	vsel vm11, $0x2DFB, v11;
	v12 =	vsel vm11, $0xDFC, v12;
	v13 =	vsel vm11, $0x2DFC, v13  }
0x1f: {  	v14 =	vsel vm11, $0xDFD, v14;
	v15 =	vsel vm11, $0x2DFD, v15;
	v16 =	vsel vm11, $0xDFE, v16  }
0x20: {  	v17 =	vsel vm11, $0x2DFE, v17;
	v18 =	vsel vm11, $0xDFF, v18;
	v19 =	vsel vm11, $0x2DFF, v19  }
0x21: {  	v0 =	vsel vm10, $0x200, v0;
	v3 =	vsel vm10, $0xE78, v3;
	v6 =	vsel vm10, $0xE79, v6  }
0x22: {  	v7 =	vsel vm10, $0x2E79, v7;
	v8 =	vsel vm10, $0xE7A, v8;
	v9 =	vsel vm10, $0x2E7A, v9  }
0x23: {  	v10 =	vsel vm10, $0xE7B, v10;
	v11 =	vsel vm10, $0x2E7B, v11;
	v12 =	vsel vm10, $0xE7C, v12  }
0x24: {  	v13 =	vsel vm10, $0x2E7C, v13;
	v14 =	vsel vm10, $0xE7D, v14;
	v15 =	vsel vm10, $0x2E7D, v15  }
0x25: {  	v16 =	vsel vm10, $0xE7E, v16;
	v17 =	vsel vm10, $0x2E7E, v17;
	v18 =	vsel vm10, $0xE7F, v18  }
0x26: {  	v19 =	vsel vm10, $0x2E7F, v19;
	v2 =	vsel vm9, $0x280, v0;
	v0 =	vmul.u32 $0x80, v1  }
0x27: {  	v3 =	vsel vm9, $0xEF8, v3;
	v6 =	vsel vm9, $0xEF9, v6;
	v7 =	vsel vm9, $0x2EF9, v7  }
0x28: {  	v8 =	vsel vm9, $0xEFA, v8;
	v9 =	vsel vm9, $0x2EFA, v9;
	v10 =	vsel vm9, $0xEFB, v10  }
0x29: {  	v11 =	vsel vm9, $0x2EFB, v11;
	v12 =	vsel vm9, $0xEFC, v12;
	v13 =	vsel vm9, $0x2EFC, v13  }
0x2a: {  	v14 =	vsel vm9, $0xEFD, v14;
	v15 =	vsel vm9, $0x2EFD, v15;
	v16 =	vsel vm9, $0xEFE, v16  }
0x2b: {  	v17 =	vsel vm9, $0x2EFE, v17;
	v18 =	vsel vm9, $0xEFF, v18;
	v19 =	vsel vm9, $0x2EFF, v19  }
0x2c: {  	v1 =	vsel vm8, $0x300, v2;
	v2 =	vimm.s32 $0x3380;
	v3 =	vsel vm8, $0xF78, v3  }
0x2d: {  	v6 =	vsel vm8, $0xF79, v6;
	v7 =	vsel vm8, $0x2F79, v7;
	v8 =	vsel vm8, $0xF7A, v8  }
0x2e: {  	v9 =	vsel vm8, $0x2F7A, v9;
	v10 =	vsel vm8, $0xF7B, v10;
	v11 =	vsel vm8, $0x2F7B, v11  }
0x2f: {  	v12 =	vsel vm8, $0xF7C, v12;
	v13 =	vsel vm8, $0x2F7C, v13;
	v14 =	vsel vm8, $0xF7D, v14  }
0x30: {  	v15 =	vsel vm8, $0x2F7D, v15;
	v16 =	vsel vm8, $0xF7E, v16;
	v17 =	vsel vm8, $0x2F7E, v17  }
0x31: {  	v18 =	vsel vm8, $0xF7F, v18;
	v19 =	vsel vm8, $0x2F7F, v19;
	v1 =	vsel vm7, $0x380, v1  }
0x32: {  	v2 =	vsel vm14, $0x2000, v2;
	v3 =	vsel vm7, $0xFF8, v3;
	v6 =	vsel vm7, $0xFF9, v6  }
0x33: {  	v7 =	vsel vm7, $0x2FF9, v7;
	v8 =	vsel vm7, $0xFFA, v8;
	v9 =	vsel vm7, $0x2FFA, v9  }
0x34: {  	v10 =	vsel vm7, $0xFFB, v10;
	v11 =	vsel vm7, $0x2FFB, v11;
	v12 =	vsel vm7, $0xFFC, v12  }
0x35: {  	v13 =	vsel vm7, $0x2FFC, v13;
	v14 =	vsel vm7, $0xFFD, v14;
	v15 =	vsel vm7, $0x2FFD, v15  }
0x36: {  	v16 =	vsel vm7, $0xFFE, v16;
	v17 =	vsel vm7, $0x2FFE, v17;
	v18 =	vsel vm7, $0xFFF, v18  }
0x37: {  	v19 =	vsel vm7, $0x2FFF, v19;
	v1 =	vsel vm0, $0x1000, v1;
	v2 =	vsel vm13, $0x2080, v2  }
0x38: {  	v3 =	vsel vm0, $0x1C78, v3;
	v6 =	vsel vm0, $0x1C79, v6;
	v7 =	vsel vm0, $0x3C79, v7  }
0x39: {  	v8 =	vsel vm0, $0x1C7A, v8;
	v9 =	vsel vm0, $0x3C7A, v9;
	v10 =	vsel vm0, $0x1C7B, v10  }
0x3a: {  	v11 =	vsel vm0, $0x3C7B, v11;
	v12 =	vsel vm0, $0x1C7C, v12;
	v13 =	vsel vm0, $0x3C7C, v13  }
0x3b: {  	v14 =	vsel vm0, $0x1C7D, v14;
	v15 =	vsel vm0, $0x3C7D, v15;
	v16 =	vsel vm0, $0x1C7E, v16  }
0x3c: {  	v17 =	vsel vm0, $0x3C7E, v17;
	v18 =	vsel vm0, $0x1C7F, v18;
	v19 =	vsel vm0, $0x3C7F, v19  }
0x3d: {  	v2 =	vsel vm12, $0x2100, v2;
	v1 =	vsel vm1, $0x1080, v1;
	v3 =	vsel vm1, $0x1CF8, v3  }
0x3e: {  	v6 =	vsel vm1, $0x1CF9, v6;
	v7 =	vsel vm1, $0x3CF9, v7;
	v8 =	vsel vm1, $0x1CFA, v8  }
0x3f: {  	v9 =	vsel vm1, $0x3CFA, v9;
	v10 =	vsel vm1, $0x1CFB, v10;
	v11 =	vsel vm1, $0x3CFB, v11  }
0x40: {  	v12 =	vsel vm1, $0x1CFC, v12;
	v13 =	vsel vm1, $0x3CFC, v13;
	v14 =	vsel vm1, $0x1CFD, v14  }
0x41: {  	v15 =	vsel vm1, $0x3CFD, v15;
	v16 =	vsel vm1, $0x1CFE, v16;
	v17 =	vsel vm1, $0x3CFE, v17  }
0x42: {  	v18 =	vsel vm1, $0x1CFF, v18;
	v19 =	vsel vm1, $0x3CFF, v19;
	v2 =	vsel vm11, $0x2180, v2  }
0x43: {  	v1 =	vsel vm2, $0x1100, v1;
	v3 =	vsel vm2, $0x1D78, v3;
	v6 =	vsel vm2, $0x1D79, v6  }
0x44: {  	v7 =	vsel vm2, $0x3D79, v7;
	v8 =	vsel vm2, $0x1D7A, v8;
	v9 =	vsel vm2, $0x3D7A, v9  }
0x45: {  	v10 =	vsel vm2, $0x1D7B, v10;
	v11 =	vsel vm2, $0x3D7B, v11;
	v12 =	vsel vm2, $0x1D7C, v12  }
0x46: {  	v13 =	vsel vm2, $0x3D7C, v13;
	v14 =	vsel vm2, $0x1D7D, v14;
	v15 =	vsel vm2, $0x3D7D, v15  }
0x47: {  	v16 =	vsel vm2, $0x1D7E, v16;
	v17 =	vsel vm2, $0x3D7E, v17;
	v18 =	vsel vm2, $0x1D7F, v18  }
0x48: {  	v19 =	vsel vm2, $0x3D7F, v19;
	v2 =	vsel vm10, $0x2200, v2;
	v1 =	vsel vm3, $0x1180, v1  }
0x49: {  	v3 =	vsel vm3, $0x1DF8, v3;
	v6 =	vsel vm3, $0x1DF9, v6;
	v7 =	vsel vm3, $0x3DF9, v7  }
0x4a: {  	v8 =	vsel vm3, $0x1DFA, v8;
	v9 =	vsel vm3, $0x3DFA, v9;
	v10 =	vsel vm3, $0x1DFB, v10  }
0x4b: {  	v11 =	vsel vm3, $0x3DFB, v11;
	v12 =	vsel vm3, $0x1DFC, v12;
	v13 =	vsel vm3, $0x3DFC, v13  }
0x4c: {  	v14 =	vsel vm3, $0x1DFD, v14;
	v15 =	vsel vm3, $0x3DFD, v15;
	v16 =	vsel vm3, $0x1DFE, v16  }
0x4d: {  	v17 =	vsel vm3, $0x3DFE, v17;
	v18 =	vsel vm3, $0x1DFF, v18;
	v19 =	vsel vm3, $0x3DFF, v19  }
0x4e: {  	v2 =	vsel vm9, $0x2280, v2;
	v1 =	vsel vm4, $0x1200, v1;
	v3 =	vsel vm4, $0x1E78, v3  }
0x4f: {  	v6 =	vsel vm4, $0x1E79, v6;
	v7 =	vsel vm4, $0x3E79, v7;
	v2 =	vsel vm8, $0x2300, v2  }
0x50: {  	v8 =	vsel vm4, $0x1E7A, v8;
	v9 =	vsel vm4, $0x3E7A, v9;
	v2 =	vsel vm7, $0x2380, v2  }
0x51: {  	v10 =	vsel vm4, $0x1E7B, v10;
	v11 =	vsel vm4, $0x3E7B, v11;
	v2 =	vsel vm0, $0x3000, v2  }
0x52: {  	v12 =	vsel vm4, $0x1E7C, v12;
	v13 =	vsel vm4, $0x3E7C, v13;
	v2 =	vsel vm1, $0x3080, v2  }
0x53: {  	v14 =	vsel vm4, $0x1E7D, v14;
	v15 =	vsel vm4, $0x3E7D, v15;
	v2 =	vsel vm2, $0x3100, v2  }
0x54: {  	v16 =	vsel vm4, $0x1E7E, v16;
	v17 =	vsel vm4, $0x3E7E, v17;
	v2 =	vsel vm3, $0x3180, v2  }
0x55: {  	v18 =	vsel vm4, $0x1E7F, v18;
	v19 =	vsel vm4, $0x3E7F, v19;
	v2 =	vsel vm4, $0x3200, v2  }
0x56: {  	v1 =	vsel vm5, $0x1280, v1;
	v5 =	vsel vm5, $0x1EF8, v3;
	v4 =	vsel vm5, $0x3280, v2  }
0x57: {  	v3 =	vsel vm6, $0x3300, v4;
	v4 =	vsel vm6, $0x1F78, v5;
	v5 =	vimm.s32 $0x3FF8  }
0x58: {  	s0 =	rddreg [dreg:$0x0];
	v6 =	vsel vm5, $0x1EF9, v6;
	v7 =	vsel vm5, $0x3EF9, v7;
	v5 =	vsel vm14, $0x2C78, v5  }
0x59: {  	s2 =	rddreg [dreg:$0x2];
	v8 =	vsel vm5, $0x1EFA, v8;
	v9 =	vsel vm5, $0x3EFA, v9;
	v5 =	vsel vm13, $0x2CF8, v5  }
0x5a: {  	s3 =	rddreg [dreg:$0x3];
	v10 =	vsel vm5, $0x1EFB, v10;
	v11 =	vsel vm5, $0x3EFB, v11;
	v5 =	vsel vm12, $0x2D78, v5  }
0x5b: {  	s4 =	srdreg.scid;
	s5 =	stileid.u32;
	v12 =	vsel vm5, $0x1EFC, v12;
	v13 =	vsel vm5, $0x3EFC, v13;
	v5 =	vsel vm11, $0x2DF8, v5  }
0x5c: {  	s7 =	simm.s32 $0x0;
	s11 =	simm.s32 $0x400;
	s12 =	simm.s32 $0x7A1400;
	v14 =	vsel vm5, $0x1EFD, v14;
	v15 =	vsel vm5, $0x3EFD, v15;
	v5 =	vsel vm10, $0x2E78, v5  }
0x5d: {  	s24 =	simm.s32 $0x9400;
	s28 =	simm.s32 $0x11400;
	s4 =	sand.u32 $0x1, s4;
	v16 =	vsel vm5, $0x1EFE, v16;
	v17 =	vsel vm5, $0x3EFE, v17;
	v5 =	vsel vm9, $0x2EF8, v5  }
0x5e: {  	s23 =	simm.s32 $0xA400;
	s5 =	sshll.u32 s5, $0xA;
	s6 =	sshll.u32 s4, $0x9;
	v18 =	vsel vm5, $0x1EFF, v18;
	v19 =	vsel vm5, $0x3EFF, v19;
	v5 =	vsel vm8, $0x2F78, v5  }
0x5f: {  	s1 =	simm.s32 $0x0;
	s4 =	ssub.s32 $0x2, s4;
	s5 =	sor.u32 s6, s5;
	v1 =	vsel vm6, $0x1300, v1;
	v6 =	vsel vm6, $0x1F79, v6;
	v5 =	vsel vm7, $0x2FF8, v5  }
0x60: {  	[smem:$0x7FF] =	sst s7;
	s26 =	sshrl.u32 s4, $0x1;
	s6 =	sshrl.u32 s5, $0x3;
	v7 =	vsel vm6, $0x3F79, v7;
	v8 =	vsel vm6, $0x1F7A, v8;
	v5 =	vsel vm0, $0x3C78, v5  }
0x61: {  	_ =	strace $0x80000047;
	s4 =	ssub.s32 s4, s26;
	s3 =	sadd.s32 s3, s6;
	v9 =	vsel vm6, $0x3F7A, v9;
	v10 =	vsel vm6, $0x1F7B, v10;
	v5 =	vsel vm1, $0x3CF8, v5  }
0x62: {  	s25 =	sadd.s32 s6, s2;
	s31 =	smax.u32 s4, $0x1;
	[dreg:$0x6] =	wrdreg s3;
	v11 =	vsel vm6, $0x3F7B, v11;
	v12 =	vsel vm6, $0x1F7C, v12;
	v5 =	vsel vm2, $0x3D78, v5  }
0x63: {  	s2 =	sadd.s32 s5, s2;
	s29 =	sadd.s32 $0x1400, s25;
	[dreg:$0x9] =	wrdreg s31;
	v13 =	vsel vm6, $0x3F7C, v13;
	v14 =	vsel vm6, $0x1F7D, v14;
	v5 =	vsel vm3, $0x3DF8, v5  }
0x64: {  	s26 =	simm.s32 $0x10400;
	s30 =	sadd.s32 $0x1C00, s2;
	[dreg:$0x5] =	wrdreg s29;
	v15 =	vsel vm6, $0x3F7D, v15;
	v16 =	vsel vm6, $0x1F7E, v16;
	v5 =	vsel vm4, $0x3E78, v5  }
0x65: {  	s5 =	simm.s32 $0x11;
	s2 =	sadd.s32 $0x11C00, s2;
	[dreg:$0x7] =	wrdreg s30;
	v17 =	vsel vm6, $0x3F7E, v17;
	v18 =	vsel vm6, $0x1F7F, v18;
	v5 =	vsel vm5, $0x3EF8, v5  }
0x66: {  	s25 =	simm.s32 $0x8400;
	[dreg:$0x8] =	wrdreg s2;
	s2 =	simm.s32 $0x4400;
	v19 =	vsel vm6, $0x3F7F, v19;
	v2 =	vor.u32 $0x800, v0;
	v5 =	vsel vm6, $0x3F78, v5  }
.LBB2_1:
0x67: {  	[dreg:$0xa] =	wrdreg s1  }
0x68: {  	s3 =	simm.s32 $0x0;
	s4 =	rddreg [dreg:$0x5]  }
0x69: {  	[tilespmem:s3], [sflag:$0x11] =	stream.linear.gather [hbm4b:s4+s3], $0x200, $0x38;
	[tilespmem:$0x18400] =	vst v63  }
0x6a: {  	_ =	swait.ge [sflag:s5], $0x200  }
0x6b: {  	[sflag:s5] =	ssyncset.done $0x0  }
0x6c: {  	s7 =	simm.s32 $0x200;
	s31 =	rddreg [dreg:$0x6];
	[sflag:s5] =	ssyncadd.s32 $0xFFFFFE00  }
0x6d: {  	[tilespmem:s7], [sflag:$0x11] =	stream.linear.gather [hbm4b:s31+s3], $0x200, $0x38;
	[tilespmem:$0x18400] =	vst v63  }
0x6e: {  	_ =	swait.ge [sflag:s5], $0x200  }
0x6f: {  	[sflag:s5] =	ssyncset.done $0x0  }
0x70: {  	v22 =	vimm.s32 $0x0;
	s8 =	simm.s32 $0x0;
	s10 =	simm.s32 $0x7;
	v23 =	vimm.s32 $0x0;
	[sflag:s5] =	ssyncadd.s32 $0xFFFFFE00  }
.LBB2_2:
0x71: {  	p0 =	seq.s32 s10, $0x7  }
0x72: {  	(v2sf) =	vpush @!p0 v23, $0x8  }
0x73: {  	(v2sf) =	vpush @!p0 v22, $0x8;
	_ =	sdelay $0xd  }
0x74: {  	s3 =	spop @!p0 (v2sf)  }
0x75: {  	v20 =	vld [tilespmem:s8+$0x0];
	s1 =	simm.s32 @!p0 $0x1;
	s4 =	spop @!p0 (v2sf)  }
0x76: {  	v21 =	vld [tilespmem:s7+$0x0];
	_ =	swait.ge @!p0 [sflag:s1], $0x1000  }
0x77: {  	[sflag:s1] =	ssyncset.done @!p0 $0x0  }
0x78: {  	[sflag:s1] =	ssyncadd.s32 @!p0 $0xFFFFF000;
	s1 =	simm.s32 @!p0 $0x9  }
0x79: {  	_ =	swait.ge @!p0 [sflag:s1], $0x1000  }
0x7a: {  	(v2sf) =	vpush v20, $0x0  }
0x7b: {  	(v2sf) =	vpush v21, $0x0;
	_ =	sdelay $0x5  }
0x7c: {  	s3 =	sand.u32 @!p0 $0x7F, s3  }
0x7d: {  	s5 =	sadd.s32 @!p0 $0xFFFFFFF1, s10;
	s4 =	sand.u32 @!p0 $0x7F, s4;
	v24 =	vor.u32 @!p0 s3, v0  }
0x7e: {  	v25 =	vmov @!p0 s5;
	v26 =	vor.u32 @!p0 s4, v0  }
0x7f: {  	v27 =	vshll.u32 @!p0 v25, $0x3  }
0x80: {  	v25 =	vand.u32 @!p0 $0x78, v25;
	v27 =	vand.u32 @!p0 $0xFFFFFC00, v27;
	[sflag:s1] =	ssyncset.done @!p0 $0x0  }
0x81: {  	v25 =	vor.u32 @!p0 v25, v27;
	[sflag:s1] =	ssyncadd.s32 @!p0 $0xFFFFF000  }
0x82: {  	v27 =	vadd.s32 @!p0 v1, v25;
	v24 =	vld.idx.msk @!p0 [tilespmem:v24+s25+$0x0], $0xffff  }
0x83: {  	v26 =	vld.idx.msk @!p0 [tilespmem:v26+s26+$0x0], $0xffff  }
0x84: {  	v28 =	vor.u32 @!p0 s3, v2;
	s9 =	spop (v2sf);
	(v2sf) =	vpush @!p0 v23, $0x9  }
0x85: {  	v29 =	vor.u32 @!p0 s4, v2;
	s30 =	spop (v2sf);
	(v2sf) =	vpush @!p0 v22, $0x9;
	_ =	sdelay $0x1  }
0x86: {  	[tilespmem:v27+s11+$0x0] =	vst.idx.msk @!p0 $0xffff, v24  }
0x87: {  	[tilespmem:v27+s2+$0x0] =	vst.idx.msk @!p0 $0xffff, v26  }
0x88: {  	v25 =	vadd.s32 @!p0 v3, v25;
	v24 =	vld.idx.msk @!p0 [tilespmem:v28+s25+$0x0], $0xffff  }
0x89: {  	v26 =	vld.idx.msk @!p0 [tilespmem:v29+s26+$0x0], $0xffff;
	_ =	sdelay $0x3  }
0x8a: {  	[tilespmem:v25+s11+$0x0] =	vst.idx.msk @!p0 $0xffff, v24;
	s17 =	sand.u32 $0xFFFFF80, s9  }
0x8b: {  	s29 =	rddreg [dreg:$0x1];
	[tilespmem:v25+s2+$0x0] =	vst.idx.msk @!p0 $0xffff, v26;
	s3 =	sadd.s32 s0, s17;
	s18 =	sand.u32 $0xFFFFF80, s30  }
0x8c: {  	[tilespmem:s25], [sflag:$0x1] =	stream.strided.gather [hbm4b:s3+s11], $0x1000, s12, s11, $0x38;
	[tilespmem:$0x18400] =	vst v63  }
0x8d: {  	s3 =	sadd.s32 s29, s18  }
0x8e: {  	[tilespmem:s26], [sflag:$0x9] =	stream.strided.gather [hbm4b:s3+s11], $0x1000, s12, s11, $0x38;
	[tilespmem:$0x18400] =	vst v63  }
0x8f: {  	s3 =	spop @!p0 (v2sf)  }
0x90: {  	s6 =	simm.s32 @!p0 $0x2;
	s4 =	spop @!p0 (v2sf)  }
0x91: {  	_ =	swait.ge @!p0 [sflag:s6], $0x1000  }
0x92: {  	s5 =	sadd.s32 @!p0 $0xFFFFFFF2, s10;
	[sflag:s6] =	ssyncset.done @!p0 $0x0  }
0x93: {  	v25 =	vmov @!p0 s5;
	s5 =	simm.s32 @!p0 $0xA;
	[sflag:s6] =	ssyncadd.s32 @!p0 $0xFFFFF000  }
0x94: {  	_ =	swait.ge @!p0 [sflag:s5], $0x1000  }
0x95: {  	(v2sf) =	vpush v20, $0x1  }
0x96: {  	(v2sf) =	vpush v21, $0x1;
	_ =	sdelay $0x5  }
0x97: {  	s3 =	sand.u32 @!p0 $0x7F, s3  }
0x98: {  	s4 =	sand.u32 @!p0 $0x7F, s4;
	v24 =	vor.u32 @!p0 s3, v0  }
0x99: {  	v26 =	vor.u32 @!p0 s4, v0  }
0x9a: {  	v27 =	vshll.u32 @!p0 v25, $0x3  }
0x9b: {  	v25 =	vand.u32 @!p0 $0x79, v25;
	v27 =	vand.u32 @!p0 $0xFFFFFC00, v27;
	[sflag:s5] =	ssyncset.done @!p0 $0x0  }
0x9c: {  	v25 =	vor.u32 @!p0 v25, v27;
	[sflag:s5] =	ssyncadd.s32 @!p0 $0xFFFFF000  }
0x9d: {  	v27 =	vadd.s32 @!p0 v1, v25;
	v24 =	vld.idx.msk @!p0 [tilespmem:v24+s24+$0x0], $0xffff  }
0x9e: {  	v26 =	vld.idx.msk @!p0 [tilespmem:v26+s28+$0x0], $0xffff  }
0x9f: {  	v28 =	vor.u32 @!p0 s3, v2;
	s3 =	spop (v2sf);
	(v2sf) =	vpush @!p0 v23, $0xA  }
0xa0: {  	v29 =	vor.u32 @!p0 s4, v2;
	s4 =	spop (v2sf);
	(v2sf) =	vpush @!p0 v22, $0xA;
	_ =	sdelay $0x1  }
0xa1: {  	[tilespmem:v27+s11+$0x0] =	vst.idx.msk @!p0 $0xffff, v24  }
0xa2: {  	[tilespmem:v27+s2+$0x0] =	vst.idx.msk @!p0 $0xffff, v26  }
0xa3: {  	v25 =	vadd.s32 @!p0 v3, v25;
	v24 =	vld.idx.msk @!p0 [tilespmem:v28+s24+$0x0], $0xffff  }
0xa4: {  	v26 =	vld.idx.msk @!p0 [tilespmem:v29+s28+$0x0], $0xffff;
	_ =	sdelay $0x3  }
0xa5: {  	[tilespmem:v25+s11+$0x0] =	vst.idx.msk @!p0 $0xffff, v24;
	s19 =	sand.u32 $0xFFFFF80, s3  }
0xa6: {  	[tilespmem:v25+s2+$0x0] =	vst.idx.msk @!p0 $0xffff, v26;
	s5 =	sadd.s32 s0, s19;
	s20 =	sand.u32 $0xFFFFF80, s4  }
0xa7: {  	[tilespmem:s24], [sflag:$0x2] =	stream.strided.gather [hbm4b:s5+s11], $0x1000, s12, s11, $0x38;
	[tilespmem:$0x18400] =	vst v63  }
0xa8: {  	s5 =	sadd.s32 s29, s20  }
0xa9: {  	[tilespmem:s28], [sflag:$0xA] =	stream.strided.gather [hbm4b:s5+s11], $0x1000, s12, s11, $0x38;
	[tilespmem:$0x18400] =	vst v63  }
0xaa: {  	s5 =	spop @!p0 (v2sf)  }
0xab: {  	[dreg:$0xb] =	wrdreg s7;
	s7 =	simm.s32 @!p0 $0x3;
	s6 =	spop @!p0 (v2sf)  }
0xac: {  	_ =	swait.ge @!p0 [sflag:s7], $0x1000  }
0xad: {  	[sflag:s7] =	ssyncset.done @!p0 $0x0  }
0xae: {  	[sflag:s7] =	ssyncadd.s32 @!p0 $0xFFFFF000;
	s7 =	simm.s32 @!p0 $0xB  }
0xaf: {  	_ =	swait.ge @!p0 [sflag:s7], $0x1000  }
0xb0: {  	(v2sf) =	vpush v20, $0x2  }
0xb1: {  	(v2sf) =	vpush v21, $0x2;
	_ =	sdelay $0x5  }
0xb2: {  	s5 =	sand.u32 @!p0 $0x7F, s5  }
0xb3: {  	s13 =	sadd.s32 @!p0 $0xFFFFFFF3, s10;
	s6 =	sand.u32 @!p0 $0x7F, s6;
	v24 =	vor.u32 @!p0 s5, v0  }
0xb4: {  	v25 =	vmov @!p0 s13;
	v26 =	vor.u32 @!p0 s6, v0  }
0xb5: {  	v27 =	vshll.u32 @!p0 v25, $0x3  }
0xb6: {  	v25 =	vand.u32 @!p0 $0x7A, v25;
	v27 =	vand.u32 @!p0 $0xFFFFFC00, v27;
	[sflag:s7] =	ssyncset.done @!p0 $0x0  }
0xb7: {  	v25 =	vor.u32 @!p0 v25, v27;
	[sflag:s7] =	ssyncadd.s32 @!p0 $0xFFFFF000  }
0xb8: {  	s13 =	simm.s32 @!p0 $0x12400;
	v27 =	vadd.s32 @!p0 v1, v25;
	v24 =	vld.idx.msk @!p0 [tilespmem:v24+s23+$0x0], $0xffff  }
0xb9: {  	v26 =	vld.idx.msk @!p0 [tilespmem:v26+s13+$0x0], $0xffff  }
0xba: {  	v28 =	vor.u32 @!p0 s5, v2;
	s5 =	spop (v2sf);
	(v2sf) =	vpush @!p0 v23, $0xB  }
0xbb: {  	v29 =	vor.u32 @!p0 s6, v2;
	s6 =	spop (v2sf);
	(v2sf) =	vpush @!p0 v22, $0xB;
	_ =	sdelay $0x1  }
0xbc: {  	[tilespmem:v27+s11+$0x0] =	vst.idx.msk @!p0 $0xffff, v24  }
0xbd: {  	[tilespmem:v27+s2+$0x0] =	vst.idx.msk @!p0 $0xffff, v26  }
0xbe: {  	v25 =	vadd.s32 @!p0 v3, v25;
	v24 =	vld.idx.msk @!p0 [tilespmem:v28+s23+$0x0], $0xffff  }
0xbf: {  	v26 =	vld.idx.msk @!p0 [tilespmem:v29+s13+$0x0], $0xffff;
	_ =	sdelay $0x3  }
0xc0: {  	[tilespmem:v25+s11+$0x0] =	vst.idx.msk @!p0 $0xffff, v24;
	s21 =	sand.u32 $0xFFFFF80, s5  }
0xc1: {  	[tilespmem:v25+s2+$0x0] =	vst.idx.msk @!p0 $0xffff, v26;
	s13 =	sadd.s32 s0, s21;
	s22 =	sand.u32 $0xFFFFF80, s6  }
0xc2: {  	[tilespmem:s23], [sflag:$0x3] =	stream.strided.gather [hbm4b:s13+s11], $0x1000, s12, s11, $0x38;
	[tilespmem:$0x18400] =	vst v63  }
0xc3: {  	s14 =	simm.s32 $0x12400;
	s13 =	sadd.s32 s29, s22  }
0xc4: {  	[tilespmem:s14], [sflag:$0xB] =	stream.strided.gather [hbm4b:s13+s11], $0x1000, s12, s11, $0x38;
	[tilespmem:$0x18400] =	vst v63  }
0xc5: {  	s13 =	spop @!p0 (v2sf)  }
0xc6: {  	s7 =	simm.s32 @!p0 $0x4;
	s14 =	spop @!p0 (v2sf)  }
0xc7: {  	_ =	swait.ge @!p0 [sflag:s7], $0x1000  }
0xc8: {  	[sflag:s7] =	ssyncset.done @!p0 $0x0  }
0xc9: {  	[sflag:s7] =	ssyncadd.s32 @!p0 $0xFFFFF000;
	s7 =	simm.s32 @!p0 $0xC  }
0xca: {  	_ =	swait.ge @!p0 [sflag:s7], $0x1000  }
0xcb: {  	(v2sf) =	vpush v20, $0x3  }
0xcc: {  	(v2sf) =	vpush v21, $0x3;
	_ =	sdelay $0x5  }
0xcd: {  	s13 =	sand.u32 @!p0 $0x7F, s13  }
0xce: {  	s15 =	sadd.s32 @!p0 $0xFFFFFFF4, s10;
	s14 =	sand.u32 @!p0 $0x7F, s14;
	v24 =	vor.u32 @!p0 s13, v0  }
0xcf: {  	v25 =	vmov @!p0 s15;
	v26 =	vor.u32 @!p0 s14, v0  }
0xd0: {  	v27 =	vshll.u32 @!p0 v25, $0x3  }
0xd1: {  	v25 =	vand.u32 @!p0 $0x7B, v25;
	v27 =	vand.u32 @!p0 $0xFFFFFC00, v27;
	[sflag:s7] =	ssyncset.done @!p0 $0x0  }
0xd2: {  	s15 =	simm.s32 @!p0 $0xB400;
	v25 =	vor.u32 @!p0 v25, v27;
	[sflag:s7] =	ssyncadd.s32 @!p0 $0xFFFFF000  }
0xd3: {  	s16 =	simm.s32 @!p0 $0x13400;
	v27 =	vadd.s32 @!p0 v1, v25;
	v24 =	vld.idx.msk @!p0 [tilespmem:v24+s15+$0x0], $0xffff  }
0xd4: {  	v26 =	vld.idx.msk @!p0 [tilespmem:v26+s16+$0x0], $0xffff  }
0xd5: {  	v28 =	vor.u32 @!p0 s13, v2;
	s13 =	spop (v2sf);
	(v2sf) =	vpush @!p0 v23, $0xC  }
0xd6: {  	v29 =	vor.u32 @!p0 s14, v2;
	s14 =	spop (v2sf);
	(v2sf) =	vpush @!p0 v22, $0xC;
	_ =	sdelay $0x1  }
0xd7: {  	[tilespmem:v27+s11+$0x0] =	vst.idx.msk @!p0 $0xffff, v24  }
0xd8: {  	[tilespmem:v27+s2+$0x0] =	vst.idx.msk @!p0 $0xffff, v26  }
0xd9: {  	v25 =	vadd.s32 @!p0 v3, v25;
	v24 =	vld.idx.msk @!p0 [tilespmem:v28+s15+$0x0], $0xffff  }
0xda: {  	v26 =	vld.idx.msk @!p0 [tilespmem:v29+s16+$0x0], $0xffff;
	_ =	sdelay $0x3  }
0xdb: {  	[tilespmem:v25+s11+$0x0] =	vst.idx.msk @!p0 $0xffff, v24;
	s23 =	sand.u32 $0xFFFFF80, s13  }
0xdc: {  	s24 =	simm.s32 $0xB400;
	[tilespmem:v25+s2+$0x0] =	vst.idx.msk @!p0 $0xffff, v26;
	s15 =	sadd.s32 s0, s23;
	s25 =	sand.u32 $0xFFFFF80, s14  }
0xdd: {  	[tilespmem:s24], [sflag:$0x4] =	stream.strided.gather [hbm4b:s15+s11], $0x1000, s12, s11, $0x38;
	[tilespmem:$0x18400] =	vst v63  }
0xde: {  	s26 =	simm.s32 $0x13400;
	s15 =	sadd.s32 s29, s25  }
0xdf: {  	[tilespmem:s26], [sflag:$0xC] =	stream.strided.gather [hbm4b:s15+s11], $0x1000, s12, s11, $0x38;
	[tilespmem:$0x18400] =	vst v63  }
0xe0: {  	s15 =	spop @!p0 (v2sf)  }
0xe1: {  	s7 =	simm.s32 @!p0 $0x5;
	s16 =	spop @!p0 (v2sf)  }
0xe2: {  	_ =	swait.ge @!p0 [sflag:s7], $0x1000  }
0xe3: {  	[sflag:s7] =	ssyncset.done @!p0 $0x0  }
0xe4: {  	[sflag:s7] =	ssyncadd.s32 @!p0 $0xFFFFF000;
	s7 =	simm.s32 @!p0 $0xD  }
0xe5: {  	_ =	swait.ge @!p0 [sflag:s7], $0x1000  }
0xe6: {  	(v2sf) =	vpush v20, $0x4  }
0xe7: {  	(v2sf) =	vpush v21, $0x4;
	_ =	sdelay $0x5  }
0xe8: {  	s15 =	sand.u32 @!p0 $0x7F, s15  }
0xe9: {  	s17 =	sadd.s32 @!p0 $0xFFFFFFF5, s10;
	s16 =	sand.u32 @!p0 $0x7F, s16;
	v24 =	vor.u32 @!p0 s15, v0  }
0xea: {  	v25 =	vmov @!p0 s17;
	v26 =	vor.u32 @!p0 s16, v0  }
0xeb: {  	v27 =	vshll.u32 @!p0 v25, $0x3  }
0xec: {  	v25 =	vand.u32 @!p0 $0x7C, v25;
	v27 =	vand.u32 @!p0 $0xFFFFFC00, v27;
	[sflag:s7] =	ssyncset.done @!p0 $0x0  }
0xed: {  	s17 =	simm.s32 @!p0 $0xC400;
	v25 =	vor.u32 @!p0 v25, v27;
	[sflag:s7] =	ssyncadd.s32 @!p0 $0xFFFFF000  }
0xee: {  	s18 =	simm.s32 @!p0 $0x14400;
	v27 =	vadd.s32 @!p0 v1, v25;
	v24 =	vld.idx.msk @!p0 [tilespmem:v24+s17+$0x0], $0xffff  }
0xef: {  	v26 =	vld.idx.msk @!p0 [tilespmem:v26+s18+$0x0], $0xffff  }
0xf0: {  	v28 =	vor.u32 @!p0 s15, v2;
	s15 =	spop (v2sf);
	(v2sf) =	vpush @!p0 v23, $0xD  }
0xf1: {  	v29 =	vor.u32 @!p0 s16, v2;
	s21 =	spop (v2sf);
	(v2sf) =	vpush @!p0 v22, $0xD;
	_ =	sdelay $0x1  }
0xf2: {  	[tilespmem:v27+s11+$0x0] =	vst.idx.msk @!p0 $0xffff, v24  }
0xf3: {  	[tilespmem:v27+s2+$0x0] =	vst.idx.msk @!p0 $0xffff, v26  }
0xf4: {  	v25 =	vadd.s32 @!p0 v3, v25;
	v24 =	vld.idx.msk @!p0 [tilespmem:v28+s17+$0x0], $0xffff  }
0xf5: {  	v26 =	vld.idx.msk @!p0 [tilespmem:v29+s18+$0x0], $0xffff;
	_ =	sdelay $0x3  }
0xf6: {  	[tilespmem:v25+s11+$0x0] =	vst.idx.msk @!p0 $0xffff, v24;
	s1 =	sand.u32 $0xFFFFF80, s15  }
0xf7: {  	s7 =	simm.s32 $0xC400;
	[tilespmem:v25+s2+$0x0] =	vst.idx.msk @!p0 $0xffff, v26;
	s16 =	sadd.s32 s0, s1;
	s18 =	sand.u32 $0xFFFFF80, s21  }
0xf8: {  	[tilespmem:s7], [sflag:$0x5] =	stream.strided.gather [hbm4b:s16+s11], $0x1000, s12, s11, $0x38;
	[tilespmem:$0x18400] =	vst v63  }
0xf9: {  	s19 =	simm.s32 $0x14400;
	s16 =	sadd.s32 s29, s18  }
0xfa: {  	[tilespmem:s19], [sflag:$0xD] =	stream.strided.gather [hbm4b:s16+s11], $0x1000, s12, s11, $0x38;
	[tilespmem:$0x18400] =	vst v63  }
0xfb: {  	s16 =	spop @!p0 (v2sf)  }
0xfc: {  	s7 =	simm.s32 @!p0 $0x6;
	s17 =	spop @!p0 (v2sf)  }
0xfd: {  	_ =	swait.ge @!p0 [sflag:s7], $0x1000  }
0xfe: {  	[sflag:s7] =	ssyncset.done @!p0 $0x0  }
0xff: {  	[sflag:s7] =	ssyncadd.s32 @!p0 $0xFFFFF000;
	s7 =	simm.s32 @!p0 $0xE  }
0x100: {  	_ =	swait.ge @!p0 [sflag:s7], $0x1000  }
0x101: {  	(v2sf) =	vpush v20, $0x5  }
0x102: {  	(v2sf) =	vpush v21, $0x5;
	_ =	sdelay $0x5  }
0x103: {  	s16 =	sand.u32 @!p0 $0x7F, s16  }
0x104: {  	s18 =	sadd.s32 @!p0 $0xFFFFFFF6, s10;
	s17 =	sand.u32 @!p0 $0x7F, s17;
	v24 =	vor.u32 @!p0 s16, v0  }
0x105: {  	v25 =	vmov @!p0 s18;
	v26 =	vor.u32 @!p0 s17, v0  }
0x106: {  	v27 =	vshll.u32 @!p0 v25, $0x3  }
0x107: {  	v25 =	vand.u32 @!p0 $0x7D, v25;
	v27 =	vand.u32 @!p0 $0xFFFFFC00, v27;
	[sflag:s7] =	ssyncset.done @!p0 $0x0  }
0x108: {  	s18 =	simm.s32 @!p0 $0xD400;
	v25 =	vor.u32 @!p0 v25, v27;
	[sflag:s7] =	ssyncadd.s32 @!p0 $0xFFFFF000  }
0x109: {  	s19 =	simm.s32 @!p0 $0x15400;
	v27 =	vadd.s32 @!p0 v1, v25;
	v24 =	vld.idx.msk @!p0 [tilespmem:v24+s18+$0x0], $0xffff  }
0x10a: {  	v26 =	vld.idx.msk @!p0 [tilespmem:v26+s19+$0x0], $0xffff  }
0x10b: {  	v28 =	vor.u32 @!p0 s16, v2;
	s25 =	spop (v2sf);
	(v2sf) =	vpush @!p0 v23, $0xE  }
0x10c: {  	v29 =	vor.u32 @!p0 s17, v2;
	s26 =	spop (v2sf);
	(v2sf) =	vpush @!p0 v22, $0xE;
	_ =	sdelay $0x1  }
0x10d: {  	[tilespmem:v27+s11+$0x0] =	vst.idx.msk @!p0 $0xffff, v24  }
0x10e: {  	[tilespmem:v27+s2+$0x0] =	vst.idx.msk @!p0 $0xffff, v26  }
0x10f: {  	v25 =	vadd.s32 @!p0 v3, v25;
	v24 =	vld.idx.msk @!p0 [tilespmem:v28+s18+$0x0], $0xffff  }
0x110: {  	v26 =	vld.idx.msk @!p0 [tilespmem:v29+s19+$0x0], $0xffff;
	_ =	sdelay $0x3  }
0x111: {  	[tilespmem:v25+s11+$0x0] =	vst.idx.msk @!p0 $0xffff, v24;
	s20 =	sand.u32 $0xFFFFF80, s25  }
0x112: {  	s22 =	simm.s32 $0xD400;
	[tilespmem:v25+s2+$0x0] =	vst.idx.msk @!p0 $0xffff, v26;
	s16 =	sadd.s32 s0, s20;
	s23 =	sand.u32 $0xFFFFF80, s26  }
0x113: {  	[tilespmem:s22], [sflag:$0x6] =	stream.strided.gather [hbm4b:s16+s11], $0x1000, s12, s11, $0x38;
	[tilespmem:$0x18400] =	vst v63  }
0x114: {  	s24 =	simm.s32 $0x15400;
	s16 =	sadd.s32 s29, s23  }
0x115: {  	[tilespmem:s24], [sflag:$0xE] =	stream.strided.gather [hbm4b:s16+s11], $0x1000, s12, s11, $0x38;
	[tilespmem:$0x18400] =	vst v63  }
0x116: {  	s16 =	spop @!p0 (v2sf)  }
0x117: {  	s7 =	simm.s32 @!p0 $0x7;
	s17 =	spop @!p0 (v2sf)  }
0x118: {  	_ =	swait.ge @!p0 [sflag:s7], $0x1000  }
0x119: {  	[sflag:s7] =	ssyncset.done @!p0 $0x0  }
0x11a: {  	[sflag:s7] =	ssyncadd.s32 @!p0 $0xFFFFF000;
	s7 =	simm.s32 @!p0 $0xF  }
0x11b: {  	_ =	swait.ge @!p0 [sflag:s7], $0x1000  }
0x11c: {  	(v2sf) =	vpush v20, $0x6  }
0x11d: {  	(v2sf) =	vpush v21, $0x6;
	_ =	sdelay $0x5  }
0x11e: {  	s16 =	sand.u32 @!p0 $0x7F, s16  }
0x11f: {  	s18 =	sadd.s32 @!p0 $0xFFFFFFF7, s10;
	s17 =	sand.u32 @!p0 $0x7F, s17;
	v24 =	vor.u32 @!p0 s16, v0  }
0x120: {  	v25 =	vmov @!p0 s18;
	v26 =	vor.u32 @!p0 s17, v0  }
0x121: {  	v27 =	vshll.u32 @!p0 v25, $0x3  }
0x122: {  	v25 =	vand.u32 @!p0 $0x7E, v25;
	v27 =	vand.u32 @!p0 $0xFFFFFC00, v27;
	[sflag:s7] =	ssyncset.done @!p0 $0x0  }
0x123: {  	s18 =	simm.s32 @!p0 $0xE400;
	v25 =	vor.u32 @!p0 v25, v27;
	[sflag:s7] =	ssyncadd.s32 @!p0 $0xFFFFF000  }
0x124: {  	s19 =	simm.s32 @!p0 $0x16400;
	v27 =	vadd.s32 @!p0 v1, v25;
	v24 =	vld.idx.msk @!p0 [tilespmem:v24+s18+$0x0], $0xffff  }
0x125: {  	v26 =	vld.idx.msk @!p0 [tilespmem:v26+s19+$0x0], $0xffff  }
0x126: {  	v28 =	vor.u32 @!p0 s16, v2;
	s28 =	spop (v2sf);
	(v2sf) =	vpush @!p0 v23, $0xF  }
0x127: {  	s23 =	sand.u32 $0x7F, s4;
	v29 =	vor.u32 @!p0 s17, v2;
	s4 =	spop (v2sf);
	(v2sf) =	vpush @!p0 v22, $0xF;
	_ =	sdelay $0x1  }
0x128: {  	[tilespmem:v27+s11+$0x0] =	vst.idx.msk @!p0 $0xffff, v24  }
0x129: {  	[tilespmem:v27+s2+$0x0] =	vst.idx.msk @!p0 $0xffff, v26  }
0x12a: {  	v25 =	vadd.s32 @!p0 v3, v25;
	v24 =	vld.idx.msk @!p0 [tilespmem:v28+s18+$0x0], $0xffff  }
0x12b: {  	v26 =	vld.idx.msk @!p0 [tilespmem:v29+s19+$0x0], $0xffff;
	_ =	sdelay $0x2  }
0x12c: {  	s31 =	sand.u32 $0x7F, s9;
	s20 =	simm.s32 $0x16400  }
0x12d: {  	s22 =	sand.u32 $0x7F, s3;
	s16 =	sand.u32 $0x7F, s5;
	[tilespmem:v25+s11+$0x0] =	vst.idx.msk @!p0 $0xffff, v24;
	s1 =	sand.u32 $0xFFFFF80, s28  }
0x12e: {  	s7 =	simm.s32 $0xE400;
	[tilespmem:v25+s2+$0x0] =	vst.idx.msk @!p0 $0xffff, v26;
	s3 =	sadd.s32 s0, s1;
	s9 =	sand.u32 $0xFFFFF80, s4  }
0x12f: {  	[tilespmem:s7], [sflag:$0x7] =	stream.strided.gather [hbm4b:s3+s11], $0x1000, s12, s11, $0x38;
	[tilespmem:$0x18400] =	vst v63  }
0x130: {  	s17 =	sand.u32 $0x7F, s6;
	s1 =	sand.u32 $0x7F, s28;
	s3 =	sadd.s32 s29, s9  }
0x131: {  	[tilespmem:s20], [sflag:$0xF] =	stream.strided.gather [hbm4b:s3+s11], $0x1000, s12, s11, $0x38;
	[tilespmem:$0x18400] =	vst v63  }
0x132: {  	s5 =	sand.u32 $0x7F, s4;
	[dreg:$0xc] =	wrdreg s1;
	s3 =	spop @!p0 (v2sf)  }
0x133: {  	s6 =	simm.s32 @!p0 $0x8;
	[dreg:$0xd] =	wrdreg s5;
	s4 =	spop @!p0 (v2sf)  }
0x134: {  	_ =	swait.ge @!p0 [sflag:s6], $0x1000  }
0x135: {  	s5 =	sadd.s32 @!p0 $0xFFFFFFF8, s10;
	[sflag:s6] =	ssyncset.done @!p0 $0x0  }
0x136: {  	v23 =	vmov @!p0 s5;
	s5 =	simm.s32 @!p0 $0x10;
	s3 =	sand.u32 @!p0 $0x7F, s3;
	[sflag:s6] =	ssyncadd.s32 @!p0 $0xFFFFF000  }
0x137: {  	s4 =	sand.u32 @!p0 $0x7F, s4;
	v22 =	vor.u32 @!p0 s3, v0;
	_ =	swait.ge @!p0 [sflag:s5], $0x1000  }
0x138: {  	v24 =	vor.u32 @!p0 s4, v0;
	(v2sf) =	vpush v20, $0x7  }
0x139: {  	v25 =	vshll.u32 @!p0 v23, $0x3;
	(v2sf) =	vpush v21, $0x7  }
0x13a: {  	v23 =	vand.u32 @!p0 $0x7F, v23;
	v25 =	vand.u32 @!p0 $0xFFFFFC00, v25;
	[sflag:s5] =	ssyncset.done @!p0 $0x0  }
0x13b: {  	v23 =	vor.u32 @!p0 v23, v25;
	[sflag:s5] =	ssyncadd.s32 @!p0 $0xFFFFF000;
	s5 =	simm.s32 @!p0 $0xF400  }
0x13c: {  	v25 =	vadd.s32 @!p0 v1, v23;
	s6 =	simm.s32 @!p0 $0x17400;
	v22 =	vld.idx.msk @!p0 [tilespmem:v22+s5+$0x0], $0xffff  }
0x13d: {  	v24 =	vld.idx.msk @!p0 [tilespmem:v24+s6+$0x0], $0xffff  }
0x13e: {  	v26 =	vor.u32 @!p0 s3, v2  }
0x13f: {  	v27 =	vor.u32 @!p0 s4, v2;
	_ =	sdelay $0x1  }
0x140: {  	[tilespmem:v25+s11+$0x0] =	vst.idx.msk @!p0 $0xffff, v22  }
0x141: {  	[tilespmem:v25+s2+$0x0] =	vst.idx.msk @!p0 $0xffff, v24  }
0x142: {  	v23 =	vadd.s32 @!p0 v3, v23;
	v22 =	vld.idx.msk @!p0 [tilespmem:v26+s5+$0x0], $0xffff  }
0x143: {  	v24 =	vld.idx.msk @!p0 [tilespmem:v27+s6+$0x0], $0xffff;
	_ =	sdelay $0x2  }
0x144: {  	s18 =	sand.u32 $0x7F, s13;
	s19 =	sand.u32 $0x7F, s14;
	s4 =	spop (v2sf)  }
0x145: {  	s14 =	sand.u32 $0x7F, s25;
	[tilespmem:v23+s11+$0x0] =	vst.idx.msk @!p0 $0xffff, v22;
	s6 =	sand.u32 $0xFFFFF80, s4;
	s5 =	spop (v2sf)  }
0x146: {  	s7 =	simm.s32 $0xF400;
	[tilespmem:v23+s2+$0x0] =	vst.idx.msk @!p0 $0xffff, v24;
	s3 =	sadd.s32 s0, s6;
	s9 =	sand.u32 $0xFFFFF80, s5  }
0x147: {  	[tilespmem:s7], [sflag:$0x8] =	stream.strided.gather [hbm4b:s3+s11], $0x1000, s12, s11, $0x38;
	[tilespmem:$0x18400] =	vst v63  }
0x148: {  	s13 =	simm.s32 $0x17400;
	s25 =	simm.s32 $0x1;
	s3 =	sadd.s32 s29, s9  }
0x149: {  	[tilespmem:s13], [sflag:$0x10] =	stream.strided.gather [hbm4b:s3+s11], $0x1000, s12, s11, $0x38;
	[tilespmem:$0x18400] =	vst v63  }
0x14a: {  	_ =	swait.ge [sflag:s25], $0x1000  }
0x14b: {  	s24 =	sand.u32 $0x7F, s30;
	[sflag:s25] =	ssyncset.done $0x0  }
0x14c: {  	s1 =	simm.s32 $0x9;
	s20 =	sand.u32 $0x7F, s15;
	[sflag:s25] =	ssyncadd.s32 $0xFFFFF000  }
0x14d: {  	s15 =	sand.u32 $0x7F, s26;
	s26 =	sadd.s32 $0xFFFFFFF9, s10;
	v22 =	vor.u32 s31, v0;
	_ =	swait.ge [sflag:s1], $0x1000  }
0x14e: {  	v32 =	vor.u32 s24, v0;
	v23 =	vmov s26;
	(v2sf) =	vpush v20, $0x8  }
0x14f: {  	v33 =	vshll.u32 v23, $0x3  }
0x150: {  	v23 =	vand.u32 $0x70, v23;
	v25 =	vand.u32 $0xC00, v33;
	[sflag:s1] =	ssyncset.done $0x0  }
0x151: {  	v23 =	vor.u32 v23, v25;
	s25 =	simm.s32 $0x8400;
	[sflag:s1] =	ssyncadd.s32 $0xFFFFF000  }
0x152: {  	s26 =	simm.s32 $0x10400;
	v25 =	vor.u32 v1, v23;
	(v2sf) =	vpush v21, $0x8;
	v22 =	vld.idx.msk [tilespmem:v22+s25+$0x0], $0xffff  }
0x153: {  	v24 =	vld.idx.msk [tilespmem:v32+s26+$0x0], $0xffff  }
0x154: {  	v34 =	vor.u32 s31, v2  }
0x155: {  	v35 =	vor.u32 s24, v2;
	_ =	sdelay $0x1  }
0x156: {  	[tilespmem:v25+s11+$0x0] =	vst.idx.msk $0xffff, v22  }
0x157: {  	[tilespmem:v25+s2+$0x0] =	vst.idx.msk $0xffff, v24  }
0x158: {  	v23 =	vor.u32 v3, v23;
	v22 =	vld.idx.msk [tilespmem:v34+s25+$0x0], $0xffff  }
0x159: {  	v24 =	vld.idx.msk [tilespmem:v35+s26+$0x0], $0xffff;
	_ =	sdelay $0x2  }
0x15a: {  	s31 =	spop (v2sf)  }
0x15b: {  	[tilespmem:v23+s11+$0x0] =	vst.idx.msk $0xffff, v22;
	s7 =	sand.u32 $0xFFFFF80, s31  }
0x15c: {  	[tilespmem:v23+s2+$0x0] =	vst.idx.msk $0xffff, v24;
	s3 =	sadd.s32 s0, s7  }
0x15d: {  	[tilespmem:s25], [sflag:$0x1] =	stream.strided.gather [hbm4b:s3+s11], $0x1000, s12, s11, $0x38;
	[tilespmem:$0x18400] =	vst v63  }
0x15e: {  	s3 =	spop (v2sf)  }
0x15f: {  	s9 =	sand.u32 $0xFFFFF80, s3  }
0x160: {  	s13 =	simm.s32 $0x2;
	s6 =	sadd.s32 s29, s9  }
0x161: {  	[tilespmem:s26], [sflag:$0x9] =	stream.strided.gather [hbm4b:s6+s11], $0x1000, s12, s11, $0x38;
	[tilespmem:$0x18400] =	vst v63  }
0x162: {  	_ =	swait.ge [sflag:s13], $0x1000  }
0x163: {  	[sflag:s13] =	ssyncset.done $0x0  }
0x164: {  	s1 =	simm.s32 $0xA;
	[sflag:s13] =	ssyncadd.s32 $0xFFFFF000  }
0x165: {  	s24 =	sadd.s32 $0xFFFFFFFA, s10;
	v22 =	vor.u32 s22, v0;
	_ =	swait.ge [sflag:s1], $0x1000  }
0x166: {  	v36 =	vor.u32 s23, v0;
	v23 =	vmov s24;
	(v2sf) =	vpush v20, $0x9  }
0x167: {  	v37 =	vshll.u32 v23, $0x3  }
0x168: {  	v23 =	vand.u32 $0x71, v23;
	v25 =	vand.u32 $0xC00, v37;
	[sflag:s1] =	ssyncset.done $0x0  }
0x169: {  	s24 =	simm.s32 $0x9400;
	v23 =	vor.u32 v23, v25;
	[sflag:s1] =	ssyncadd.s32 $0xFFFFF000  }
0x16a: {  	s28 =	simm.s32 $0x11400;
	v25 =	vor.u32 v1, v23;
	(v2sf) =	vpush v21, $0x9;
	v22 =	vld.idx.msk [tilespmem:v22+s24+$0x0], $0xffff  }
0x16b: {  	v24 =	vld.idx.msk [tilespmem:v36+s28+$0x0], $0xffff  }
0x16c: {  	v38 =	vor.u32 s22, v2  }
0x16d: {  	v39 =	vor.u32 s23, v2;
	_ =	sdelay $0x1  }
0x16e: {  	[tilespmem:v25+s11+$0x0] =	vst.idx.msk $0xffff, v22  }
0x16f: {  	[tilespmem:v25+s2+$0x0] =	vst.idx.msk $0xffff, v24  }
0x170: {  	v23 =	vor.u32 v3, v23;
	v22 =	vld.idx.msk [tilespmem:v38+s24+$0x0], $0xffff  }
0x171: {  	v24 =	vld.idx.msk [tilespmem:v39+s28+$0x0], $0xffff;
	_ =	sdelay $0x2  }
0x172: {  	s6 =	spop (v2sf)  }
0x173: {  	[tilespmem:v23+s11+$0x0] =	vst.idx.msk $0xffff, v22;
	s7 =	sand.u32 $0xFFFFF80, s6  }
0x174: {  	[tilespmem:v23+s2+$0x0] =	vst.idx.msk $0xffff, v24;
	s13 =	sadd.s32 s0, s7  }
0x175: {  	[tilespmem:s24], [sflag:$0x2] =	stream.strided.gather [hbm4b:s13+s11], $0x1000, s12, s11, $0x38;
	[tilespmem:$0x18400] =	vst v63  }
0x176: {  	s13 =	spop (v2sf)  }
0x177: {  	s9 =	sand.u32 $0xFFFFF80, s13  }
0x178: {  	s22 =	sadd.s32 s29, s9  }
0x179: {  	[tilespmem:s28], [sflag:$0xA] =	stream.strided.gather [hbm4b:s22+s11], $0x1000, s12, s11, $0x38;
	[tilespmem:$0x18400] =	vst v63  }
0x17a: {  	s22 =	simm.s32 $0x3  }
0x17b: {  	_ =	swait.ge [sflag:s22], $0x1000  }
0x17c: {  	[sflag:s22] =	ssyncset.done $0x0  }
0x17d: {  	s1 =	simm.s32 $0xB;
	[sflag:s22] =	ssyncadd.s32 $0xFFFFF000  }
0x17e: {  	s23 =	sadd.s32 $0xFFFFFFFB, s10;
	v22 =	vor.u32 s16, v0;
	_ =	swait.ge [sflag:s1], $0x1000  }
0x17f: {  	v40 =	vor.u32 s17, v0;
	v23 =	vmov s23;
	(v2sf) =	vpush v20, $0xA  }
0x180: {  	v41 =	vshll.u32 v23, $0x3  }
0x181: {  	v23 =	vand.u32 $0x72, v23;
	v25 =	vand.u32 $0xC00, v41;
	[sflag:s1] =	ssyncset.done $0x0  }
0x182: {  	s23 =	simm.s32 $0xA400;
	v23 =	vor.u32 v23, v25;
	[sflag:s1] =	ssyncadd.s32 $0xFFFFF000  }
0x183: {  	v25 =	vor.u32 v1, v23;
	(v2sf) =	vpush v21, $0xA;
	s1 =	smov.u32 s0;
	s0 =	simm.s32 $0x12400;
	v22 =	vld.idx.msk [tilespmem:v22+s23+$0x0], $0xffff  }
0x184: {  	v24 =	vld.idx.msk [tilespmem:v40+s0+$0x0], $0xffff  }
0x185: {  	v42 =	vor.u32 s16, v2  }
0x186: {  	v43 =	vor.u32 s17, v2;
	_ =	sdelay $0x1  }
0x187: {  	[tilespmem:v25+s11+$0x0] =	vst.idx.msk $0xffff, v22  }
0x188: {  	[tilespmem:v25+s2+$0x0] =	vst.idx.msk $0xffff, v24  }
0x189: {  	v23 =	vor.u32 v3, v23;
	v22 =	vld.idx.msk [tilespmem:v42+s23+$0x0], $0xffff  }
0x18a: {  	v24 =	vld.idx.msk [tilespmem:v43+s0+$0x0], $0xffff;
	_ =	sdelay $0x2  }
0x18b: {  	s16 =	spop (v2sf)  }
0x18c: {  	[tilespmem:v23+s11+$0x0] =	vst.idx.msk $0xffff, v22;
	s7 =	sand.u32 $0xFFFFF80, s16  }
0x18d: {  	[tilespmem:v23+s2+$0x0] =	vst.idx.msk $0xffff, v24;
	s17 =	sadd.s32 s1, s7  }
0x18e: {  	[tilespmem:s23], [sflag:$0x3] =	stream.strided.gather [hbm4b:s17+s11], $0x1000, s12, s11, $0x38;
	[tilespmem:$0x18400] =	vst v63  }
0x18f: {  	s17 =	spop (v2sf)  }
0x190: {  	s9 =	sand.u32 $0xFFFFF80, s17  }
0x191: {  	s22 =	sadd.s32 s29, s9  }
0x192: {  	[tilespmem:s0], [sflag:$0xB] =	stream.strided.gather [hbm4b:s22+s11], $0x1000, s12, s11, $0x38;
	[tilespmem:$0x18400] =	vst v63  }
0x193: {  	s22 =	simm.s32 $0x4  }
0x194: {  	_ =	swait.ge [sflag:s22], $0x1000  }
0x195: {  	[sflag:s22] =	ssyncset.done $0x0  }
0x196: {  	s9 =	simm.s32 $0xC;
	[sflag:s22] =	ssyncadd.s32 $0xFFFFF000  }
0x197: {  	v22 =	vor.u32 s18, v0;
	s7 =	sadd.s32 $0xFFFFFFFC, s10;
	_ =	swait.ge [sflag:s9], $0x1000  }
0x198: {  	v44 =	vor.u32 s19, v0;
	v23 =	vmov s7;
	(v2sf) =	vpush v20, $0xB  }
0x199: {  	v45 =	vshll.u32 v23, $0x3  }
0x19a: {  	v23 =	vand.u32 $0x73, v23;
	v25 =	vand.u32 $0xC00, v45;
	[sflag:s9] =	ssyncset.done $0x0  }
0x19b: {  	v23 =	vor.u32 v23, v25;
	s22 =	simm.s32 $0xB400;
	[sflag:s9] =	ssyncadd.s32 $0xFFFFF000  }
0x19c: {  	v25 =	vor.u32 v1, v23;
	(v2sf) =	vpush v21, $0xB;
	s9 =	simm.s32 $0x13400;
	v22 =	vld.idx.msk [tilespmem:v22+s22+$0x0], $0xffff  }
0x19d: {  	v24 =	vld.idx.msk [tilespmem:v44+s9+$0x0], $0xffff  }
0x19e: {  	v46 =	vor.u32 s18, v2  }
0x19f: {  	v47 =	vor.u32 s19, v2;
	_ =	sdelay $0x1  }
0x1a0: {  	[tilespmem:v25+s11+$0x0] =	vst.idx.msk $0xffff, v22  }
0x1a1: {  	[tilespmem:v25+s2+$0x0] =	vst.idx.msk $0xffff, v24  }
0x1a2: {  	v23 =	vor.u32 v3, v23;
	v22 =	vld.idx.msk [tilespmem:v46+s22+$0x0], $0xffff  }
0x1a3: {  	v24 =	vld.idx.msk [tilespmem:v47+s9+$0x0], $0xffff;
	_ =	sdelay $0x2  }
0x1a4: {  	s18 =	spop (v2sf)  }
0x1a5: {  	[tilespmem:v23+s11+$0x0] =	vst.idx.msk $0xffff, v22;
	s7 =	sand.u32 $0xFFFFF80, s18  }
0x1a6: {  	[tilespmem:v23+s2+$0x0] =	vst.idx.msk $0xffff, v24;
	s19 =	sadd.s32 s1, s7  }
0x1a7: {  	[tilespmem:s22], [sflag:$0x4] =	stream.strided.gather [hbm4b:s19+s11], $0x1000, s12, s11, $0x38;
	[tilespmem:$0x18400] =	vst v63  }
0x1a8: {  	s19 =	spop (v2sf)  }
0x1a9: {  	s7 =	sand.u32 $0xFFFFF80, s19  }
0x1aa: {  	s22 =	sadd.s32 s29, s7  }
0x1ab: {  	[tilespmem:s9], [sflag:$0xC] =	stream.strided.gather [hbm4b:s22+s11], $0x1000, s12, s11, $0x38;
	[tilespmem:$0x18400] =	vst v63  }
0x1ac: {  	s22 =	simm.s32 $0x5  }
0x1ad: {  	_ =	swait.ge [sflag:s22], $0x1000  }
0x1ae: {  	[sflag:s22] =	ssyncset.done $0x0  }
0x1af: {  	s9 =	simm.s32 $0xD;
	[sflag:s22] =	ssyncadd.s32 $0xFFFFF000  }
0x1b0: {  	s21 =	sand.u32 $0x7F, s21;
	v22 =	vor.u32 s20, v0;
	s7 =	sadd.s32 $0xFFFFFFFD, s10;
	_ =	swait.ge [sflag:s9], $0x1000  }
0x1b1: {  	v48 =	vor.u32 s21, v0;
	v23 =	vmov s7;
	(v2sf) =	vpush v20, $0xC  }
0x1b2: {  	v49 =	vshll.u32 v23, $0x3  }
0x1b3: {  	v23 =	vand.u32 $0x74, v23;
	v25 =	vand.u32 $0xC00, v49;
	[sflag:s9] =	ssyncset.done $0x0  }
0x1b4: {  	v23 =	vor.u32 v23, v25;
	s22 =	simm.s32 $0xC400;
	[sflag:s9] =	ssyncadd.s32 $0xFFFFF000  }
0x1b5: {  	s30 =	simm.s32 $0x14400;
	v25 =	vor.u32 v1, v23;
	(v2sf) =	vpush v21, $0xC;
	v22 =	vld.idx.msk [tilespmem:v22+s22+$0x0], $0xffff  }
0x1b6: {  	v24 =	vld.idx.msk [tilespmem:v48+s30+$0x0], $0xffff  }
0x1b7: {  	v50 =	vor.u32 s20, v2  }
0x1b8: {  	v51 =	vor.u32 s21, v2;
	_ =	sdelay $0x1  }
0x1b9: {  	[tilespmem:v25+s11+$0x0] =	vst.idx.msk $0xffff, v22  }
0x1ba: {  	[tilespmem:v25+s2+$0x0] =	vst.idx.msk $0xffff, v24  }
0x1bb: {  	v23 =	vor.u32 v3, v23;
	v22 =	vld.idx.msk [tilespmem:v50+s22+$0x0], $0xffff  }
0x1bc: {  	v24 =	vld.idx.msk [tilespmem:v51+s30+$0x0], $0xffff;
	_ =	sdelay $0x2  }
0x1bd: {  	s20 =	spop (v2sf)  }
0x1be: {  	[tilespmem:v23+s11+$0x0] =	vst.idx.msk $0xffff, v22;
	s7 =	sand.u32 $0xFFFFF80, s20  }
0x1bf: {  	[tilespmem:v23+s2+$0x0] =	vst.idx.msk $0xffff, v24;
	s21 =	sadd.s32 s1, s7  }
0x1c0: {  	[tilespmem:s22], [sflag:$0x5] =	stream.strided.gather [hbm4b:s21+s11], $0x1000, s12, s11, $0x38;
	[tilespmem:$0x18400] =	vst v63  }
0x1c1: {  	s21 =	spop (v2sf)  }
0x1c2: {  	s9 =	sand.u32 $0xFFFFF80, s21  }
0x1c3: {  	s22 =	sadd.s32 s29, s9  }
0x1c4: {  	[tilespmem:s30], [sflag:$0xD] =	stream.strided.gather [hbm4b:s22+s11], $0x1000, s12, s11, $0x38;
	[tilespmem:$0x18400] =	vst v63  }
0x1c5: {  	s22 =	simm.s32 $0x6  }
0x1c6: {  	_ =	swait.ge [sflag:s22], $0x1000  }
0x1c7: {  	[sflag:s22] =	ssyncset.done $0x0  }
0x1c8: {  	s9 =	simm.s32 $0xE;
	[sflag:s22] =	ssyncadd.s32 $0xFFFFF000  }
0x1c9: {  	v22 =	vor.u32 s14, v0;
	s7 =	sadd.s32 $0xFFFFFFFE, s10;
	_ =	swait.ge [sflag:s9], $0x1000  }
0x1ca: {  	v52 =	vor.u32 s15, v0;
	v23 =	vmov s7;
	(v2sf) =	vpush v20, $0xD  }
0x1cb: {  	v53 =	vshll.u32 v23, $0x3  }
0x1cc: {  	v23 =	vand.u32 $0x75, v23;
	v25 =	vand.u32 $0xC00, v53;
	[sflag:s9] =	ssyncset.done $0x0  }
0x1cd: {  	s7 =	simm.s32 $0xD400;
	v23 =	vor.u32 v23, v25;
	[sflag:s9] =	ssyncadd.s32 $0xFFFFF000  }
0x1ce: {  	s30 =	simm.s32 $0x15400;
	v25 =	vor.u32 v1, v23;
	(v2sf) =	vpush v21, $0xD;
	v22 =	vld.idx.msk [tilespmem:v22+s7+$0x0], $0xffff  }
0x1cf: {  	v24 =	vld.idx.msk [tilespmem:v52+s30+$0x0], $0xffff  }
0x1d0: {  	v54 =	vor.u32 s14, v2  }
0x1d1: {  	v55 =	vor.u32 s15, v2;
	_ =	sdelay $0x1  }
0x1d2: {  	[tilespmem:v25+s11+$0x0] =	vst.idx.msk $0xffff, v22  }
0x1d3: {  	[tilespmem:v25+s2+$0x0] =	vst.idx.msk $0xffff, v24  }
0x1d4: {  	v23 =	vor.u32 v3, v23;
	v22 =	vld.idx.msk [tilespmem:v54+s7+$0x0], $0xffff  }
0x1d5: {  	v24 =	vld.idx.msk [tilespmem:v55+s30+$0x0], $0xffff;
	_ =	sdelay $0x2  }
0x1d6: {  	s14 =	spop (v2sf)  }
0x1d7: {  	[tilespmem:v23+s11+$0x0] =	vst.idx.msk $0xffff, v22;
	s22 =	sand.u32 $0xFFFFF80, s14  }
0x1d8: {  	[tilespmem:v23+s2+$0x0] =	vst.idx.msk $0xffff, v24;
	s15 =	sadd.s32 s1, s22  }
0x1d9: {  	[tilespmem:s7], [sflag:$0x6] =	stream.strided.gather [hbm4b:s15+s11], $0x1000, s12, s11, $0x38;
	[tilespmem:$0x18400] =	vst v63  }
0x1da: {  	s15 =	spop (v2sf)  }
0x1db: {  	s7 =	sand.u32 $0xFFFFF80, s15  }
0x1dc: {  	s9 =	simm.s32 $0x7;
	s22 =	sadd.s32 s29, s7  }
0x1dd: {  	[tilespmem:s30], [sflag:$0xE] =	stream.strided.gather [hbm4b:s22+s11], $0x1000, s12, s11, $0x38;
	[tilespmem:$0x18400] =	vst v63  }
0x1de: {  	_ =	swait.ge [sflag:s9], $0x1000  }
0x1df: {  	[sflag:s9] =	ssyncset.done $0x0  }
0x1e0: {  	s7 =	simm.s32 $0xF;
	[sflag:s9] =	ssyncadd.s32 $0xFFFFF000  }
0x1e1: {  	_ =	swait.ge [sflag:s7], $0x1000  }
0x1e2: {  	s22 =	sadd.s32 $0xFFFFFFFF, s10;
	s9 =	rddreg [dreg:$0xc]  }
0x1e3: {  	v23 =	vmov s22;
	s22 =	rddreg [dreg:$0xd];
	v22 =	vor.u32 s9, v0  }
0x1e4: {  	(v2sf) =	vpush v20, $0xE;
	v56 =	vor.u32 s22, v0  }
0x1e5: {  	v57 =	vshll.u32 v23, $0x3  }
0x1e6: {  	v23 =	vand.u32 $0x76, v23;
	v25 =	vand.u32 $0xC00, v57;
	[sflag:s7] =	ssyncset.done $0x0  }
0x1e7: {  	s30 =	simm.s32 $0xE400;
	v23 =	vor.u32 v23, v25;
	[sflag:s7] =	ssyncadd.s32 $0xFFFFF000  }
0x1e8: {  	v25 =	vor.u32 v1, v23;
	(v2sf) =	vpush v21, $0xE;
	s7 =	simm.s32 $0x16400;
	v22 =	vld.idx.msk [tilespmem:v22+s30+$0x0], $0xffff  }
0x1e9: {  	v24 =	vld.idx.msk [tilespmem:v56+s7+$0x0], $0xffff  }
0x1ea: {  	v58 =	vor.u32 s9, v2  }
0x1eb: {  	v59 =	vor.u32 s22, v2;
	_ =	sdelay $0x1  }
0x1ec: {  	[tilespmem:v25+s11+$0x0] =	vst.idx.msk $0xffff, v22  }
0x1ed: {  	[tilespmem:v25+s2+$0x0] =	vst.idx.msk $0xffff, v24  }
0x1ee: {  	v23 =	vor.u32 v3, v23;
	v22 =	vld.idx.msk [tilespmem:v58+s30+$0x0], $0xffff  }
0x1ef: {  	v24 =	vld.idx.msk [tilespmem:v59+s7+$0x0], $0xffff;
	_ =	sdelay $0x2  }
0x1f0: {  	s9 =	spop (v2sf)  }
0x1f1: {  	s22 =	sand.u32 $0xFFFFF80, s9;
	[tilespmem:v23+s11+$0x0] =	vst.idx.msk $0xffff, v22  }
0x1f2: {  	s22 =	sadd.s32 s1, s22;
	[tilespmem:v23+s2+$0x0] =	vst.idx.msk $0xffff, v24  }
0x1f3: {  	[tilespmem:s30], [sflag:$0x7] =	stream.strided.gather [hbm4b:s22+s11], $0x1000, s12, s11, $0x38;
	[tilespmem:$0x18400] =	vst v63  }
0x1f4: {  	s30 =	spop (v2sf)  }
0x1f5: {  	s22 =	sand.u32 $0xFFFFF80, s30  }
0x1f6: {  	s22 =	sadd.s32 s29, s22  }
0x1f7: {  	[tilespmem:s7], [sflag:$0xF] =	stream.strided.gather [hbm4b:s22+s11], $0x1000, s12, s11, $0x38;
	[tilespmem:$0x18400] =	vst v63  }
0x1f8: {  	s22 =	simm.s32 $0x8  }
0x1f9: {  	_ =	swait.ge [sflag:s22], $0x1000  }
0x1fa: {  	[sflag:s22] =	ssyncset.done $0x0  }
0x1fb: {  	s4 =	sand.u32 $0x7F, s4;
	[sflag:s22] =	ssyncadd.s32 $0xFFFFF000;
	s22 =	simm.s32 $0x10  }
0x1fc: {  	s5 =	sand.u32 $0x7F, s5;
	v22 =	vor.u32 s4, v0;
	_ =	swait.ge [sflag:s22], $0x1000  }
0x1fd: {  	v60 =	vor.u32 s5, v0;
	v23 =	vmov s10;
	(v2sf) =	vpush v20, $0xF  }
0x1fe: {  	v61 =	vshll.u32 v23, $0x3  }
0x1ff: {  	v23 =	vand.u32 $0x77, v23;
	v25 =	vand.u32 $0xC00, v61;
	[sflag:s22] =	ssyncset.done $0x0  }
0x200: {  	v23 =	vor.u32 v23, v25;
	[sflag:s22] =	ssyncadd.s32 $0xFFFFF000;
	s22 =	simm.s32 $0xF400  }
0x201: {  	v25 =	vor.u32 v1, v23;
	s7 =	simm.s32 $0x17400;
	(v2sf) =	vpush v21, $0xF;
	v22 =	vld.idx.msk [tilespmem:v22+s22+$0x0], $0xffff  }
0x202: {  	v24 =	vld.idx.msk [tilespmem:v60+s7+$0x0], $0xffff  }
0x203: {  	v62 =	vor.u32 s4, v2  }
0x204: {  	v63 =	vor.u32 s5, v2;
	_ =	sdelay $0x1  }
0x205: {  	[tilespmem:v25+s11+$0x0] =	vst.idx.msk $0xffff, v22  }
0x206: {  	[tilespmem:v25+s2+$0x0] =	vst.idx.msk $0xffff, v24  }
0x207: {  	v23 =	vor.u32 v3, v23;
	v22 =	vld.idx.msk [tilespmem:v62+s22+$0x0], $0xffff  }
0x208: {  	v24 =	vld.idx.msk [tilespmem:v63+s7+$0x0], $0xffff;
	_ =	sdelay $0x2  }
0x209: {  	s4 =	spop (v2sf)  }
0x20a: {  	s10 =	sadd.s32 $0x10, s10;
	[tilespmem:v23+s11+$0x0] =	vst.idx.msk $0xffff, v22;
	s5 =	sand.u32 $0xFFFFF80, s4  }
0x20b: {  	p0 =	sne.s32 s10, $0x207;
	s22 =	simm.s32 $0xF400;
	[tilespmem:v23+s2+$0x0] =	vst.idx.msk $0xffff, v24;
	s5 =	sadd.s32 s1, s5  }
0x20c: {  	[tilespmem:s22], [sflag:$0x8] =	stream.strided.gather [hbm4b:s5+s11], $0x1000, s12, s11, $0x38;
	[tilespmem:$0x18400] =	vst v63  }
.Ltmp0:
0x20d: {  	s5 =	spop (v2sf);
	(pc) =	sbr.rel @p0 .LBB2_2-.Ltmp0, $4  }
0x20e: {  	s22 =	sand.u32 $0xFFFFF80, s5  }
0x20f: {  	s7 =	simm.s32 $0x17400;
	s22 =	sadd.s32 s29, s22;
	s29 =	rddreg [dreg:$0xb]  }
0x210: {  	[tilespmem:s7], [sflag:$0x10] =	stream.strided.gather [hbm4b:s22+s11], $0x1000, s12, s11, $0x38;
	[tilespmem:$0x18400] =	vst v63  }
0x211: {  	s8 =	sadd.s32 $0x10, s8;
	s0 =	smov.u32 s1;
	v22 =	vmov v21;
	v23 =	vmov v20;
	s7 =	sadd.s32 $0x10, s29  }
0x212: {  	s0 =	simm.s32 $0x1  }
0x213: {  	s7 =	sand.u32 $0x7F, s31;
	_ =	swait.ge [sflag:s0], $0x1000  }
0x214: {  	s3 =	sand.u32 $0x7F, s3;
	v20 =	vor.u32 s7, v0;
	[sflag:s0] =	ssyncset.done $0x0  }
0x215: {  	s8 =	simm.s32 $0x9;
	v21 =	vor.u32 s3, v0;
	[sflag:s0] =	ssyncadd.s32 $0xFFFFF000  }
0x216: {  	_ =	swait.ge [sflag:s8], $0x1000  }
0x217: {  	[sflag:s8] =	ssyncset.done $0x0  }
0x218: {  	[sflag:s8] =	ssyncadd.s32 $0xFFFFF000  }
0x219: {  	v20 =	vld.idx.msk [tilespmem:v20+s25+$0x0], $0xffff  }
0x21a: {  	v21 =	vld.idx.msk [tilespmem:v21+s26+$0x0], $0xffff  }
0x21b: {  	v22 =	vor.u32 s7, v2  }
0x21c: {  	v23 =	vor.u32 s3, v2;
	_ =	sdelay $0x1  }
0x21d: {  	[tilespmem:v4+s11+$0x0] =	vst.idx.msk $0xffff, v20  }
0x21e: {  	[tilespmem:v4+s2+$0x0] =	vst.idx.msk $0xffff, v21  }
0x21f: {  	v20 =	vld.idx.msk [tilespmem:v22+s25+$0x0], $0xffff  }
0x220: {  	v21 =	vld.idx.msk [tilespmem:v23+s26+$0x0], $0xffff;
	_ =	sdelay $0x3  }
0x221: {  	[tilespmem:v5+s11+$0x0] =	vst.idx.msk $0xffff, v20  }
0x222: {  	s10 =	simm.s32 $0x2;
	[tilespmem:v5+s2+$0x0] =	vst.idx.msk $0xffff, v21  }
0x223: {  	s22 =	sand.u32 $0x7F, s6;
	_ =	swait.ge [sflag:s10], $0x1000  }
0x224: {  	s29 =	sand.u32 $0x7F, s13;
	v20 =	vor.u32 s22, v0;
	[sflag:s10] =	ssyncset.done $0x0  }
0x225: {  	s31 =	simm.s32 $0xA;
	v43 =	vor.u32 s29, v0;
	[sflag:s10] =	ssyncadd.s32 $0xFFFFF000  }
0x226: {  	_ =	swait.ge [sflag:s31], $0x1000  }
0x227: {  	[sflag:s31] =	ssyncset.done $0x0  }
0x228: {  	[sflag:s31] =	ssyncadd.s32 $0xFFFFF000  }
0x229: {  	v20 =	vld.idx.msk [tilespmem:v20+s24+$0x0], $0xffff  }
0x22a: {  	v21 =	vld.idx.msk [tilespmem:v43+s28+$0x0], $0xffff  }
0x22b: {  	v44 =	vor.u32 s22, v2  }
0x22c: {  	v45 =	vor.u32 s29, v2;
	_ =	sdelay $0x1  }
0x22d: {  	[tilespmem:v6+s11+$0x0] =	vst.idx.msk $0xffff, v20  }
0x22e: {  	[tilespmem:v6+s2+$0x0] =	vst.idx.msk $0xffff, v21  }
0x22f: {  	v20 =	vld.idx.msk [tilespmem:v44+s24+$0x0], $0xffff  }
0x230: {  	v21 =	vld.idx.msk [tilespmem:v45+s28+$0x0], $0xffff;
	_ =	sdelay $0x3  }
0x231: {  	[tilespmem:v7+s11+$0x0] =	vst.idx.msk $0xffff, v20  }
0x232: {  	s7 =	simm.s32 $0x3;
	[tilespmem:v7+s2+$0x0] =	vst.idx.msk $0xffff, v21  }
0x233: {  	s8 =	sand.u32 $0x7F, s16;
	_ =	swait.ge [sflag:s7], $0x1000  }
0x234: {  	s10 =	sand.u32 $0x7F, s17;
	v20 =	vor.u32 s8, v0;
	[sflag:s7] =	ssyncset.done $0x0  }
0x235: {  	s13 =	simm.s32 $0xB;
	v46 =	vor.u32 s10, v0;
	[sflag:s7] =	ssyncadd.s32 $0xFFFFF000  }
0x236: {  	_ =	swait.ge [sflag:s13], $0x1000  }
0x237: {  	[sflag:s13] =	ssyncset.done $0x0  }
0x238: {  	[sflag:s13] =	ssyncadd.s32 $0xFFFFF000  }
0x239: {  	s16 =	simm.s32 $0x12400;
	v20 =	vld.idx.msk [tilespmem:v20+s23+$0x0], $0xffff  }
0x23a: {  	v21 =	vld.idx.msk [tilespmem:v46+s16+$0x0], $0xffff  }
0x23b: {  	v47 =	vor.u32 s8, v2  }
0x23c: {  	v48 =	vor.u32 s10, v2;
	_ =	sdelay $0x1  }
0x23d: {  	[tilespmem:v8+s11+$0x0] =	vst.idx.msk $0xffff, v20  }
0x23e: {  	[tilespmem:v8+s2+$0x0] =	vst.idx.msk $0xffff, v21  }
0x23f: {  	v20 =	vld.idx.msk [tilespmem:v47+s23+$0x0], $0xffff  }
0x240: {  	v21 =	vld.idx.msk [tilespmem:v48+s16+$0x0], $0xffff;
	_ =	sdelay $0x3  }
0x241: {  	[tilespmem:v9+s11+$0x0] =	vst.idx.msk $0xffff, v20  }
0x242: {  	s17 =	simm.s32 $0x4;
	[tilespmem:v9+s2+$0x0] =	vst.idx.msk $0xffff, v21  }
0x243: {  	s18 =	sand.u32 $0x7F, s18;
	_ =	swait.ge [sflag:s17], $0x1000  }
0x244: {  	s19 =	sand.u32 $0x7F, s19;
	v20 =	vor.u32 s18, v0;
	[sflag:s17] =	ssyncset.done $0x0  }
0x245: {  	v49 =	vor.u32 s19, v0;
	s22 =	simm.s32 $0xC;
	[sflag:s17] =	ssyncadd.s32 $0xFFFFF000  }
0x246: {  	_ =	swait.ge [sflag:s22], $0x1000  }
0x247: {  	[sflag:s22] =	ssyncset.done $0x0  }
0x248: {  	s29 =	simm.s32 $0xB400;
	[sflag:s22] =	ssyncadd.s32 $0xFFFFF000  }
0x249: {  	s31 =	simm.s32 $0x13400;
	v20 =	vld.idx.msk [tilespmem:v20+s29+$0x0], $0xffff  }
0x24a: {  	v21 =	vld.idx.msk [tilespmem:v49+s31+$0x0], $0xffff  }
0x24b: {  	v50 =	vor.u32 s18, v2  }
0x24c: {  	v51 =	vor.u32 s19, v2;
	_ =	sdelay $0x1  }
0x24d: {  	[tilespmem:v10+s11+$0x0] =	vst.idx.msk $0xffff, v20  }
0x24e: {  	[tilespmem:v10+s2+$0x0] =	vst.idx.msk $0xffff, v21  }
0x24f: {  	v20 =	vld.idx.msk [tilespmem:v50+s29+$0x0], $0xffff  }
0x250: {  	v21 =	vld.idx.msk [tilespmem:v51+s31+$0x0], $0xffff;
	_ =	sdelay $0x3  }
0x251: {  	[tilespmem:v11+s11+$0x0] =	vst.idx.msk $0xffff, v20  }
0x252: {  	s8 =	simm.s32 $0x5;
	[tilespmem:v11+s2+$0x0] =	vst.idx.msk $0xffff, v21  }
0x253: {  	s10 =	sand.u32 $0x7F, s20;
	_ =	swait.ge [sflag:s8], $0x1000  }
0x254: {  	s13 =	sand.u32 $0x7F, s21;
	v20 =	vor.u32 s10, v0;
	[sflag:s8] =	ssyncset.done $0x0  }
0x255: {  	v52 =	vor.u32 s13, v0;
	s16 =	simm.s32 $0xD;
	[sflag:s8] =	ssyncadd.s32 $0xFFFFF000  }
0x256: {  	_ =	swait.ge [sflag:s16], $0x1000  }
0x257: {  	[sflag:s16] =	ssyncset.done $0x0  }
0x258: {  	s17 =	simm.s32 $0xC400;
	[sflag:s16] =	ssyncadd.s32 $0xFFFFF000  }
0x259: {  	s18 =	simm.s32 $0x14400;
	v20 =	vld.idx.msk [tilespmem:v20+s17+$0x0], $0xffff  }
0x25a: {  	v21 =	vld.idx.msk [tilespmem:v52+s18+$0x0], $0xffff  }
0x25b: {  	v53 =	vor.u32 s10, v2  }
0x25c: {  	v54 =	vor.u32 s13, v2;
	_ =	sdelay $0x1  }
0x25d: {  	[tilespmem:v12+s11+$0x0] =	vst.idx.msk $0xffff, v20  }
0x25e: {  	[tilespmem:v12+s2+$0x0] =	vst.idx.msk $0xffff, v21  }
0x25f: {  	v20 =	vld.idx.msk [tilespmem:v53+s17+$0x0], $0xffff  }
0x260: {  	v21 =	vld.idx.msk [tilespmem:v54+s18+$0x0], $0xffff;
	_ =	sdelay $0x3  }
0x261: {  	[tilespmem:v13+s11+$0x0] =	vst.idx.msk $0xffff, v20  }
0x262: {  	s19 =	simm.s32 $0x6;
	[tilespmem:v13+s2+$0x0] =	vst.idx.msk $0xffff, v21  }
0x263: {  	s20 =	sand.u32 $0x7F, s14;
	_ =	swait.ge [sflag:s19], $0x1000  }
0x264: {  	s21 =	sand.u32 $0x7F, s15;
	v20 =	vor.u32 s20, v0;
	[sflag:s19] =	ssyncset.done $0x0  }
0x265: {  	v55 =	vor.u32 s21, v0;
	s22 =	simm.s32 $0xE;
	[sflag:s19] =	ssyncadd.s32 $0xFFFFF000  }
0x266: {  	_ =	swait.ge [sflag:s22], $0x1000  }
0x267: {  	[sflag:s22] =	ssyncset.done $0x0  }
0x268: {  	s29 =	simm.s32 $0xD400;
	[sflag:s22] =	ssyncadd.s32 $0xFFFFF000  }
0x269: {  	s31 =	simm.s32 $0x15400;
	v20 =	vld.idx.msk [tilespmem:v20+s29+$0x0], $0xffff  }
0x26a: {  	v21 =	vld.idx.msk [tilespmem:v55+s31+$0x0], $0xffff  }
0x26b: {  	v56 =	vor.u32 s20, v2  }
0x26c: {  	v57 =	vor.u32 s21, v2;
	_ =	sdelay $0x1  }
0x26d: {  	[tilespmem:v14+s11+$0x0] =	vst.idx.msk $0xffff, v20  }
0x26e: {  	[tilespmem:v14+s2+$0x0] =	vst.idx.msk $0xffff, v21  }
0x26f: {  	v20 =	vld.idx.msk [tilespmem:v56+s29+$0x0], $0xffff  }
0x270: {  	v21 =	vld.idx.msk [tilespmem:v57+s31+$0x0], $0xffff;
	_ =	sdelay $0x3  }
0x271: {  	[tilespmem:v15+s11+$0x0] =	vst.idx.msk $0xffff, v20  }
0x272: {  	s6 =	simm.s32 $0x7;
	[tilespmem:v15+s2+$0x0] =	vst.idx.msk $0xffff, v21  }
0x273: {  	s7 =	sand.u32 $0x7F, s9;
	_ =	swait.ge [sflag:s6], $0x1000  }
0x274: {  	s8 =	sand.u32 $0x7F, s30;
	v20 =	vor.u32 s7, v0;
	[sflag:s6] =	ssyncset.done $0x0  }
0x275: {  	s9 =	simm.s32 $0xF;
	v58 =	vor.u32 s8, v0;
	[sflag:s6] =	ssyncadd.s32 $0xFFFFF000  }
0x276: {  	_ =	swait.ge [sflag:s9], $0x1000  }
0x277: {  	[sflag:s9] =	ssyncset.done $0x0  }
0x278: {  	s10 =	simm.s32 $0xE400;
	[sflag:s9] =	ssyncadd.s32 $0xFFFFF000  }
0x279: {  	s13 =	simm.s32 $0x16400;
	v20 =	vld.idx.msk [tilespmem:v20+s10+$0x0], $0xffff  }
0x27a: {  	v21 =	vld.idx.msk [tilespmem:v58+s13+$0x0], $0xffff  }
0x27b: {  	v59 =	vor.u32 s7, v2  }
0x27c: {  	v60 =	vor.u32 s8, v2;
	_ =	sdelay $0x1  }
0x27d: {  	[tilespmem:v16+s11+$0x0] =	vst.idx.msk $0xffff, v20  }
0x27e: {  	[tilespmem:v16+s2+$0x0] =	vst.idx.msk $0xffff, v21  }
0x27f: {  	v20 =	vld.idx.msk [tilespmem:v59+s10+$0x0], $0xffff  }
0x280: {  	v21 =	vld.idx.msk [tilespmem:v60+s13+$0x0], $0xffff;
	_ =	sdelay $0x3  }
0x281: {  	[tilespmem:v17+s11+$0x0] =	vst.idx.msk $0xffff, v20  }
0x282: {  	s14 =	simm.s32 $0x8;
	[tilespmem:v17+s2+$0x0] =	vst.idx.msk $0xffff, v21  }
0x283: {  	s15 =	sand.u32 $0x7F, s4;
	_ =	swait.ge [sflag:s14], $0x1000  }
0x284: {  	s16 =	sand.u32 $0x7F, s5;
	v20 =	vor.u32 s15, v0;
	[sflag:s14] =	ssyncset.done $0x0  }
0x285: {  	v61 =	vor.u32 s16, v0;
	s17 =	simm.s32 $0x10;
	[sflag:s14] =	ssyncadd.s32 $0xFFFFF000  }
0x286: {  	_ =	swait.ge [sflag:s17], $0x1000  }
0x287: {  	[sflag:s17] =	ssyncset.done $0x0  }
0x288: {  	s18 =	simm.s32 $0xF400;
	[sflag:s17] =	ssyncadd.s32 $0xFFFFF000  }
0x289: {  	s19 =	simm.s32 $0x17400;
	v20 =	vld.idx.msk [tilespmem:v20+s18+$0x0], $0xffff  }
0x28a: {  	v21 =	vld.idx.msk [tilespmem:v61+s19+$0x0], $0xffff  }
0x28b: {  	v62 =	vor.u32 s15, v2  }
0x28c: {  	v63 =	vor.u32 s16, v2;
	_ =	sdelay $0x1  }
0x28d: {  	[tilespmem:v18+s11+$0x0] =	vst.idx.msk $0xffff, v20  }
0x28e: {  	[tilespmem:v18+s2+$0x0] =	vst.idx.msk $0xffff, v21  }
0x28f: {  	v20 =	vld.idx.msk [tilespmem:v62+s18+$0x0], $0xffff  }
0x290: {  	v21 =	vld.idx.msk [tilespmem:v63+s19+$0x0], $0xffff;
	_ =	sdelay $0x3  }
0x291: {  	s21 =	simm.s32 $0x1000;
	[tilespmem:v19+s11+$0x0] =	vst.idx.msk $0xffff, v20  }
0x292: {  	s5 =	simm.s32 $0x11;
	s22 =	simm.s32 $0x20000;
	s20 =	rddreg [dreg:$0x7];
	[tilespmem:v19+s2+$0x0] =	vst.idx.msk $0xffff, v21  }
0x293: {  	[hbm4b:s20+s21] =	stream.strided.scatter [tilespmem:s11], [sflag:$0x11], $0x4000, s22, s21, $0x38;
	[tilespmem:$0x18400] =	vst v63  }
0x294: {  	_ =	swait.ge [sflag:s5], $0x4000  }
0x295: {  	[sflag:s5] =	ssyncset.done $0x0  }
0x296: {  	s29 =	rddreg [dreg:$0x8];
	[sflag:s5] =	ssyncadd.s32 $0xFFFFC000  }
0x297: {  	[hbm4b:s29+s21] =	stream.strided.scatter [tilespmem:s2], [sflag:$0x11], $0x4000, s22, s21, $0x38;
	[tilespmem:$0x18400] =	vst v63  }
0x298: {  	_ =	swait.ge [sflag:s5], $0x4000  }
0x299: {  	s30 =	rddreg [dreg:$0xa]  }
0x29a: {  	s0 =	smov.u32 s1;
	s31 =	rddreg [dreg:$0x9];
	s1 =	sadd.s32 $0x1, s30  }
0x29b: {  	p0 =	sne.s32 s1, s31  }
.Ltmp1:
0x29c: {  	_ = 	snop;
	(pc) =	sbr.rel @p0 .LBB2_1-.Ltmp1, $3  }
0x29d: {  	_ =	sdelay $0x1  }
0x29e: {  	[sflag:s5] =	ssyncset.done $0x0  }
0x29f: {  	[sflag:s5] =	ssyncadd.s32 $0xFFFFC000  }
0x2a0: {  	_ =	sfence.sel $0x180000  }
0x2a1: {  	[bflag:$0x0] =	sbarrier.arrive $0xFFFF  }
0x2a2: {  	_ =	strace $0x90000047  }
0x2a3: {  	s0 =	stileid.u32;
	[bflag:$0x2] =	sbarrier.arrive $0xFFFF  }
0x2a4: {  	p0 =	sne.s32 s0, $0x0;
	s0 =	rddreg [dreg:$0x4]  }
0x2a5: {  	s0 =	sadd.s32 @!p0 $0x100000, s0  }
0x2a6: {  	[sflag:s0] =	ssyncadd.tile.s32 @!p0 $0x1;
	_ =	shalt  }
.Lfunc_end2:
_tile_overlayer_lowered:
.L_overlay_start_2:
0x2a7: {  	(tag) =	ssettag $0x2  }
0x2a8: {  	s0 =	rddreg [dreg:$0x0];
	s2 =	stileid.u32  }
0x2a9: {  	s1 =	rddreg [dreg:$0x1];
	p0 =	sne.s32 s2, $0x0  }
0x2aa: {  	s3 =	rddreg [dreg:$0x2];
	[bflag:$0x3] =	sbarrier.arrive $0xFFFF;
	s2 =	simm.s32 @!p0 $0x1C11  }
0x2ab: {  	[timem:s3], [sflag:s2] =	dma.local @!p0 [hbm:s0], s1  }
0x2ac: {  	s0 =	simm.s32 @!p0 $0x11  }
0x2ad: {  	_ =	swait.ge @!p0 [sflag:s0], s1  }
0x2ae: {  	s1 =	ssub.s32 @!p0 $0x0, s1;
	[sflag:s0] =	ssyncset.done @!p0 $0x0  }
0x2af: {  	[sflag:s0] =	ssyncadd.s32 @!p0 s1  }
0x2b0: {  	[bflag:$0x3] =	sbarrier.arrive $0xFFFF  }
0x2b1: {  	_ =	shalt  }

</sc_bundles>
